<compile_context>
chip_gen: v7x
topology: tpu7x:2x2x1
jax: 0.10.2.dev20260603
libtpu: 0.0.44.dev20260713+nightly
codegen_flags: <defaults>
</compile_context>

<pallas_src>
import functools

import jax
import jax.numpy as jnp
from jax import lax
from jax.experimental import pallas as pl
from jax.experimental.pallas import tpu as pltpu
from jax.experimental.pallas import tpu_sc as plsc

N = 10000
D = 128
NR = 200
SQC = 0.1
NC = 2
NS = 16
NW = NC * NS
K = 80
CH = 126
KR = 96
CHR = 105
E_PAD = NW * CH * K
N_PAD = 10240
ZT = N_PAD // NS
REP = 32
RB = N_PAD // 8



def _sc_scatter_pass(table, idx, zeros, zeros1d, with_deg, k, ch, nb,
                     dtype=jnp.float32, init_full=False):
    mesh = plsc.VectorSubcoreMesh(core_axis_name="c", subcore_axis_name="s")
    out_type = [jax.ShapeDtypeStruct((NC, N_PAD, D), dtype)]
    if with_deg:
        out_type.append(jax.ShapeDtypeStruct((NW, N_PAD), jnp.float32))
    scratch = [pltpu.VMEM_SHARED((N_PAD, D), dtype)]
    for _ in range(nb):
        scratch += [pltpu.VMEM((2, k), jnp.int32),
                    pltpu.VMEM((k,), jnp.int32),
                    pltpu.VMEM((k, D), dtype)]
    if with_deg:
        scratch.append(pltpu.VMEM((N_PAD,), jnp.float32))
    scratch += [pltpu.SemaphoreType.DMA] * (3 * nb)

    @functools.partial(
        pl.kernel,
        out_type=tuple(out_type),
        mesh=mesh,
        compiler_params=pltpu.CompilerParams(needs_layout_passes=False),
        scratch_types=scratch,
    )
    def body(table_ref, idx_ref, zeros_ref, zeros1d_ref, *refs):
        n_out = 2 if with_deg else 1
        out_ref = refs[0]
        deg_out = refs[1] if with_deg else None
        acc = refs[n_out]
        bufs = [tuple(refs[n_out + 1 + 3 * b: n_out + 4 + 3 * b])
                for b in range(nb)]
        deg_t = refs[n_out + 1 + 3 * nb] if with_deg else None
        sems = refs[-3 * nb:]
        sets = [bufs[b] + tuple(sems[3 * b: 3 * b + 3]) for b in range(nb)]
        c = lax.axis_index("c")
        s = lax.axis_index("s")
        wid = s * NC + c
        if init_full:
            pltpu.sync_copy(zeros_ref.at[c, pl.ds(s * ZT, ZT)],
                            acc.at[pl.ds(s * ZT, ZT)])
        else:
            pltpu.sync_copy(zeros_ref, acc.at[pl.ds(s * ZT, ZT)])
        if with_deg:
            pltpu.sync_copy(zeros1d_ref, deg_t)
        plsc.subcore_barrier()

        ones16 = jnp.ones((16,), jnp.float32)

        def histo(ib):
            if with_deg:
                def h(j, carry):
                    dvec = ib[1, pl.ds(j * 16, 16)]
                    plsc.addupdate_scatter(deg_t, [dvec], ones16)
                    return carry
                lax.fori_loop(0, k // 16, h, 0)

        def cpidx(ib, sx):
            def cp(j, carry):
                sx[pl.ds(j * 16, 16)] = ib[1, pl.ds(j * 16, 16)]
                return carry
            lax.fori_loop(0, k // 16, cp, 0)

        def start(i, st):
            ib, sx, rows, sem_i, sem_g, sem_s = st
            pltpu.make_async_copy(idx_ref.at[wid, i], ib, sem_i).wait()

            @pl.when(i >= nb)
            def _():
                pltpu.make_async_copy(rows, acc.at[sx], sem_s).wait()

            cpidx(ib, sx)
            pltpu.async_copy(table_ref.at[ib.at[0]], rows, sem_g)

        def finish(i, st):
            ib, sx, rows, sem_i, sem_g, sem_s = st
            pltpu.make_async_copy(table_ref.at[ib.at[0]], rows, sem_g).wait()
            pltpu.async_copy(rows, acc.at[sx], sem_s, add=True)

            @pl.when(i + nb < ch)
            def _():
                pltpu.async_copy(idx_ref.at[wid, i + nb], ib, sem_i)

        for kk in range(nb):
            ib, _, _, sem_i = sets[kk][:4]
            pltpu.async_copy(idx_ref.at[wid, kk], ib, sem_i)

        def step(i, carry):
            for kk in range(nb):
                start(i + kk, sets[kk])
            for kk in range(nb):
                histo(sets[kk][0])
            for kk in range(nb):
                finish(i + kk, sets[kk])
            return carry

        nsteps = ch // nb
        lax.fori_loop(0, nsteps, lambda j, x: step(nb * j, x), 0)
        for kk in range(ch - nb * nsteps):
            i = jnp.int32(nb * nsteps + kk)
            start(i, sets[kk])
            histo(sets[kk][0])
            finish(i, sets[kk])
        for st in sets:
            _, sx, rows, _, _, sem_s = st
            pltpu.make_async_copy(rows, acc.at[sx], sem_s).wait()
        plsc.subcore_barrier()
        pltpu.sync_copy(acc.at[pl.ds(s * ZT, ZT)],
                        out_ref.at[c, pl.ds(s * ZT, ZT)])
        if with_deg:
            pltpu.sync_copy(deg_t, deg_out.at[wid])

    return body(table, idx, zeros, zeros1d)



def _expmap0(u):
    n = jnp.maximum(jnp.sqrt(jnp.sum(u * u, axis=-1, keepdims=True)), 1e-10)
    return jnp.tanh(SQC * n) * u / (SQC * n)


def _logmap0(p):
    n = jnp.maximum(jnp.sqrt(jnp.sum(p * p, axis=-1, keepdims=True)), 1e-10)
    arg = jnp.clip(SQC * n, 0.0, 1.0 - 1e-5)
    atanh = 0.5 * (jnp.log1p(arg) - jnp.log1p(-arg))
    return atanh * p / (SQC * n)


def _layer_tangent(aggp_ref, degp_ref, t_ref, w_ref):
    agg = aggp_ref[0] + aggp_ref[1]
    deg = jnp.sum(degp_ref[...], axis=1, keepdims=True)
    a = jnp.dot(agg, w_ref[...], preferred_element_type=jnp.float32)
    a = a / jnp.maximum(deg, 1.0) + t_ref[...]
    a = jnp.where(a >= 0, a, a * ((1.0 / 8.0 + 1.0 / 3.0) / 2.0))
    return _logmap0(_expmap0(a))


def _tc_b_body(aggp_ref, degp_ref, t_ref, w_ref, out_ref):
    out_ref[...] = _layer_tangent(aggp_ref, degp_ref, t_ref, w_ref)


def _tc_c_body(aggp_ref, degp_ref, t1_ref, t0_ref, w_ref, w1_ref,
               w2_ref, out_ref):
    t2 = _layer_tangent(aggp_ref, degp_ref, t1_ref, w_ref)
    t0 = t0_ref[...]
    g = jax.nn.sigmoid(
        jnp.dot(t2, w1_ref[...], preferred_element_type=jnp.float32)
        + jnp.dot(t0, w2_ref[...], preferred_element_type=jnp.float32))
    out_ref[...] = _expmap0(g * t2 + (1.0 - g) * t0)


def _row_spec(width=D):
    return pl.BlockSpec((RB, width), lambda i: (i, 0))


def _part_spec(width):
    return pl.BlockSpec((NC, RB, width), lambda i: (0, i, 0))


def _deg_spec():
    return pl.BlockSpec((RB, NW), lambda i: (i, 0))


def _w_spec():
    return pl.BlockSpec((D, D), lambda i: (0, 0))


_GRID = (N_PAD // RB,)
_OUT_T = jax.ShapeDtypeStruct((N_PAD, D), jnp.float32)



def kernel(edge_index, edge_type, dynamic_emb, emb_rel, W_layers, w1, w2):
    src = edge_index[0].astype(jnp.int32)
    dst = edge_index[1].astype(jnp.int32)
    et = edge_type.astype(jnp.int32)
    e = src.shape[0]
    pidx = jnp.arange(E_PAD - e, dtype=jnp.int32)
    src_f = jnp.concatenate([src, pidx % N])
    dst_f = jnp.concatenate([dst, N + pidx % (N_PAD - N)])
    et_f = (jnp.concatenate([et, pidx % NR])
            + NR * (jnp.arange(E_PAD, dtype=jnp.int32) % REP))
    idx_agg = jnp.stack([src_f.reshape(NW, CH, K),
                         dst_f.reshape(NW, CH, K)], axis=2)
    idx_rel = jnp.stack([et_f.reshape(NW, CHR, KR),
                         dst_f.reshape(NW, CHR, KR)], axis=2)
    trel = jnp.tile(emb_rel, (REP, 1))

    zeros_d = jnp.zeros((ZT, D), jnp.float32)
    zeros1d = jnp.zeros((N_PAD,), jnp.float32)
    t0 = jnp.pad(dynamic_emb, ((0, N_PAD - N), (0, 0)))

    relp, degp = _sc_scatter_pass(trel, idx_rel, zeros_d, zeros1d, True,
                                  KR, CHR, 3)
    degp = degp.T
    agg0, = _sc_scatter_pass(t0, idx_agg, relp, zeros1d, False, K, CH, 4,
                             init_full=True)

    t1 = pl.pallas_call(
        _tc_b_body, grid=_GRID,
        in_specs=[_part_spec(D), _deg_spec(), _row_spec(), _w_spec()],
        out_specs=_row_spec(), out_shape=_OUT_T,
    )(agg0, degp, t0, W_layers[0])

    agg1, = _sc_scatter_pass(t1, idx_agg, relp, zeros1d, False, K, CH, 4,
                             init_full=True)

    out = pl.pallas_call(
        _tc_c_body, grid=_GRID,
        in_specs=[_part_spec(D), _deg_spec(), _row_spec(),
                  _row_spec(), _w_spec(), _w_spec(), _w_spec()],
        out_specs=_row_spec(), out_shape=_OUT_T,
    )(agg1, degp, t1, t0, W_layers[1], w1, w2)

    return out[:N]

# --- scband reference (transcript-rebuilt; emitter-appended) ---
"""Pipeline reference for scband-hyperbolic-recurrent-rgcn-24919400252127 (READ-ONLY COPY).

The authoritative reference and input builder live on the scoring server;
editing this copy changes nothing except your own understanding.
"""

import jax, jax.numpy as jnp
import numpy as np

N = 10000      # num_ents
E = 320000     # n_edges
D = 128        # h_dim
R = 100        # num_rels (2*R directed relation embeddings)
L = 2          # num_hidden_layers
C = 0.01       # fixed curvature


def _safe_norm(x, axis=-1, keepdims=True):
    return jnp.clip(jnp.linalg.norm(x, axis=axis, keepdims=keepdims), 1e-10, None)


def expmap0(u, c):
    # Poincare ball exponential map at origin
    sqrt_c = jnp.sqrt(c)
    norm = _safe_norm(u)
    return jnp.tanh(sqrt_c * norm) * u / (sqrt_c * norm)


def logmap0(p, c):
    # Poincare ball logarithmic map at origin
    sqrt_c = jnp.sqrt(c)
    norm = _safe_norm(p)
    arg = jnp.clip(sqrt_c * norm, 0.0, 1.0 - 1e-5)
    return jnp.arctanh(arg) * p / (sqrt_c * norm)


def setup_inputs(seed: int = 0) -> dict:
    key = jax.random.key(seed)
    k1, k2, k3, k4, k5, k6, k7 = jax.random.split(key, 7)
    edge_index = jax.random.randint(k1, (2, E), 0, N, dtype=jnp.int64)
    edge_type = jax.random.randint(k2, (E,), 0, 2 * R, dtype=jnp.int64)
    dynamic_emb = jax.random.normal(k3, (N, D), dtype=jnp.float32)          # nn.init.normal_(std=1.0)
    emb_rel = jax.random.normal(k4, (2 * R, D), dtype=jnp.float32) * 0.1    # xavier-like
    W_layers = jax.random.normal(k5, (L, D, D), dtype=jnp.float32) * 0.05   # per-layer RGCN weight
    w1 = jax.random.normal(k6, (D, D), dtype=jnp.float32) * 0.05            # time-gate weight
    w2 = jax.random.normal(k7, (D, D), dtype=jnp.float32) * 0.05            # time-gate weight
    return {"edge_index": edge_index, "edge_type": edge_type,
            "dynamic_emb": dynamic_emb, "emb_rel": emb_rel,
            "W_layers": W_layers, "w1": w1, "w2": w2}


def reference(edge_index, edge_type, dynamic_emb, emb_rel, W_layers, w1, w2):
    c = jnp.float32(C)
    src = edge_index[0]
    dst = edge_index[1]
    # map initial entity embeddings into the Poincare ball
    h = expmap0(dynamic_emb, c)
    prev = h
    for i in range(L):
        h_tan = logmap0(h, c)
        # relational message passing in tangent space: msg = (h_src + r_e) @ W_i
        msg = h_tan[src] + emb_rel[edge_type]
        msg = msg @ W_layers[i]
        agg = jax.ops.segment_sum(msg, dst, num_segments=N)
        deg = jax.ops.segment_sum(jnp.ones((E,), dtype=jnp.float32), dst, num_segments=N)
        agg = agg / jnp.clip(deg, 1.0, None)[:, None]
        # self-loop
        agg = agg + h_tan
        # rrelu in eval mode == leaky_relu with mean slope (lower=1/8, upper=1/3 -> 0.2083)
        h_tan_new = jnp.where(agg >= 0, agg, agg * ((1.0 / 8.0 + 1.0 / 3.0) / 2.0))
        h = expmap0(h_tan_new, c)
    # hyperbolic GRU-style temporal gate (residual evolution)
    ht = logmap0(h, c)
    pt = logmap0(prev, c)
    gate = jax.nn.sigmoid(ht @ w1 + pt @ w2)
    out_tan = gate * ht + (1.0 - gate) * pt
    out = expmap0(out_tan, c)
    return out

if __name__ == "__main__":
    import jax
    _d = setup_inputs()
    print(jax.jit(kernel)(*tuple(_d.values())))

</pallas_src>

<mosaic_0001>
#map = affine_map<(d0, d1) -> (0, 0)>
#map1 = affine_map<(d0, d1) -> (0, 0, 0, 0)>
#map2 = affine_map<(d0, d1) -> (0)>
#map3 = affine_map<(d0, d1) -> (0, 0, 0)>
module attributes {stable_mosaic.version = 14 : i64} {
  func.func @body(%arg0: i32, %arg1: i32, %arg2: memref<6400x128xf32, #tpu.memory_space<hbm>>, %arg3: memref<32x105x2x96xi32, #tpu.memory_space<hbm>>, %arg4: memref<640x128xf32, #tpu.memory_space<hbm>>, %arg5: memref<10240xf32, #tpu.memory_space<hbm>>, %arg6: memref<2x10240x128xf32, #tpu.memory_space<hbm>>, %arg7: memref<32x10240xf32, #tpu.memory_space<hbm>>, %arg8: memref<10240x128xf32, #tpu.memory_space<vmem_shared>>, %arg9: memref<2x96xi32, #tpu.memory_space<vmem>>, %arg10: memref<96xi32, #tpu.memory_space<vmem>>, %arg11: memref<96x128xf32, #tpu.memory_space<vmem>>, %arg12: memref<2x96xi32, #tpu.memory_space<vmem>>, %arg13: memref<96xi32, #tpu.memory_space<vmem>>, %arg14: memref<96x128xf32, #tpu.memory_space<vmem>>, %arg15: memref<2x96xi32, #tpu.memory_space<vmem>>, %arg16: memref<96xi32, #tpu.memory_space<vmem>>, %arg17: memref<96x128xf32, #tpu.memory_space<vmem>>, %arg18: memref<10240xf32, #tpu.memory_space<vmem>>, %arg19: memref<!tpu.dma_semaphore, #tpu.memory_space<semaphore_mem>>, %arg20: memref<!tpu.dma_semaphore, #tpu.memory_space<semaphore_mem>>, %arg21: memref<!tpu.dma_semaphore, #tpu.memory_space<semaphore_mem>>, %arg22: memref<!tpu.dma_semaphore, #tpu.memory_space<semaphore_mem>>, %arg23: memref<!tpu.dma_semaphore, #tpu.memory_space<semaphore_mem>>, %arg24: memref<!tpu.dma_semaphore, #tpu.memory_space<semaphore_mem>>, %arg25: memref<!tpu.dma_semaphore, #tpu.memory_space<semaphore_mem>>, %arg26: memref<!tpu.dma_semaphore, #tpu.memory_space<semaphore_mem>>, %arg27: memref<!tpu.dma_semaphore, #tpu.memory_space<semaphore_mem>>) attributes {dimension_semantics = [#tpu.dimension_semantics<core_parallel>, #tpu.dimension_semantics<subcore_parallel>], iteration_bounds = array<i64: 2, 16>, scalar_prefetch = 0 : i64, scratch_operands = 20 : i64, tpu.core_type = #tpu.core_type<sc_vector_subcore>, window_params = [{transform_indices = #map}, {transform_indices = #map1}, {transform_indices = #map}, {transform_indices = #map2}, {transform_indices = #map3}, {transform_indices = #map}]} {
    %mul3A = arith.constant 2 : i32
    %mul3A_0 = arith.muli %arg1, %mul3A : i32
    %add3A = arith.addi %mul3A_0, %arg0 : i32
    %mul3A_1 = arith.constant 640 : i32
    %mul3A_2 = arith.muli %arg1, %mul3A_1 : i32
    "tpu.region"() ({
      %run_scoped3A = tpu.sem_alloc : memref<!tpu.dma_semaphore, #tpu.memory_space<semaphore_mem>>
      %dma_start3A_48 = arith.constant 0 : i32
      %dma_start3A_49 = tpu.memref_slice %arg8[%mul3A_2, %dma_start3A_48] : memref<10240x128xf32, #tpu.memory_space<vmem_shared>> -> memref<640x128xf32, #tpu.memory_space<vmem_shared>>
      tpu.enqueue_dma source(%arg4 : memref<640x128xf32, #tpu.memory_space<hbm>>) target(%dma_start3A_49 : memref<640x128xf32, #tpu.memory_space<vmem_shared>>) target_semaphore(%run_scoped3A : memref<!tpu.dma_semaphore, #tpu.memory_space<semaphore_mem>>)
      %dma_wait3A_50 = arith.constant 0 : i32
      %dma_wait3A_51 = tpu.memref_slice %arg8[%mul3A_2, %dma_wait3A_50] : memref<10240x128xf32, #tpu.memory_space<vmem_shared>> -> memref<640x128xf32, #tpu.memory_space<vmem_shared>>
      tpu.wait_dma2 semaphore(%run_scoped3A : memref<!tpu.dma_semaphore, #tpu.memory_space<semaphore_mem>>) src(%arg4 : memref<640x128xf32, #tpu.memory_space<hbm>>) dst(%dma_wait3A_51 : memref<640x128xf32, #tpu.memory_space<vmem_shared>>)
      tpu.yield
    }) : () -> ()
    "tpu.region"() ({
      %run_scoped3A = tpu.sem_alloc : memref<!tpu.dma_semaphore, #tpu.memory_space<semaphore_mem>>
      tpu.enqueue_dma source(%arg5 : memref<10240xf32, #tpu.memory_space<hbm>>) target(%arg18 : memref<10240xf32, #tpu.memory_space<vmem>>) target_semaphore(%run_scoped3A : memref<!tpu.dma_semaphore, #tpu.memory_space<semaphore_mem>>)
      tpu.wait_dma2 semaphore(%run_scoped3A : memref<!tpu.dma_semaphore, #tpu.memory_space<semaphore_mem>>) src(%arg5 : memref<10240xf32, #tpu.memory_space<hbm>>) dst(%arg18 : memref<10240xf32, #tpu.memory_space<vmem>>)
      tpu.yield
    }) : () -> ()
    %barrier3A = arith.constant 0 : index
    tpu.barrier barrier_id(%barrier3A)
    %broadcast_in_dim3A = arith.constant 1.000000e+00 : f32
    %broadcast_in_dim3A_3 = vector.broadcast %broadcast_in_dim3A : f32 to vector<16xf32>
    %dma_start3A = arith.constant 0 : i32
    %dma_start3A_4 = arith.constant 0 : i32
    %dma_start3A_5 = arith.constant 0 : i32
    %dma_start3A_6 = tpu.memref_slice %arg3[%add3A, %dma_start3A, %dma_start3A_4, %dma_start3A_5] : memref<32x105x2x96xi32, #tpu.memory_space<hbm>> -> memref<1x1x2x96xi32, #tpu.memory_space<hbm>>
    %dma_start3A_7 = tpu.memref_squeeze %dma_start3A_6 : memref<1x1x2x96xi32, #tpu.memory_space<hbm>> -> memref<2x96xi32, #tpu.memory_space<hbm>>
    %dma_start3A_8 = arith.constant 0 : i32
    %dma_start3A_9 = arith.constant 0 : i32
    %dma_start3A_10 = tpu.memref_slice %arg3[%add3A, %dma_start3A, %dma_start3A_8, %dma_start3A_9] : memref<32x105x2x96xi32, #tpu.memory_space<hbm>> -> memref<1x1x2x96xi32, #tpu.memory_space<hbm>>
    %dma_start3A_11 = tpu.memref_squeeze %dma_start3A_10 : memref<1x1x2x96xi32, #tpu.memory_space<hbm>> -> memref<2x96xi32, #tpu.memory_space<hbm>>
    tpu.enqueue_dma source(%dma_start3A_11 : memref<2x96xi32, #tpu.memory_space<hbm>>) target(%arg9 : memref<2x96xi32, #tpu.memory_space<vmem>>) target_semaphore(%arg19 : memref<!tpu.dma_semaphore, #tpu.memory_space<semaphore_mem>>)
    %dma_start3A_12 = arith.constant 1 : i32
    %dma_start3A_13 = arith.constant 0 : i32
    %dma_start3A_14 = arith.constant 0 : i32
    %dma_start3A_15 = tpu.memref_slice %arg3[%add3A, %dma_start3A_12, %dma_start3A_13, %dma_start3A_14] : memref<32x105x2x96xi32, #tpu.memory_space<hbm>> -> memref<1x1x2x96xi32, #tpu.memory_space<hbm>>
    %dma_start3A_16 = tpu.memref_squeeze %dma_start3A_15 : memref<1x1x2x96xi32, #tpu.memory_space<hbm>> -> memref<2x96xi32, #tpu.memory_space<hbm>>
    %dma_start3A_17 = arith.constant 0 : i32
    %dma_start3A_18 = arith.constant 0 : i32
    %dma_start3A_19 = tpu.memref_slice %arg3[%add3A, %dma_start3A_12, %dma_start3A_17, %dma_start3A_18] : memref<32x105x2x96xi32, #tpu.memory_space<hbm>> -> memref<1x1x2x96xi32, #tpu.memory_space<hbm>>
    %dma_start3A_20 = tpu.memref_squeeze %dma_start3A_19 : memref<1x1x2x96xi32, #tpu.memory_space<hbm>> -> memref<2x96xi32, #tpu.memory_space<hbm>>
    tpu.enqueue_dma source(%dma_start3A_20 : memref<2x96xi32, #tpu.memory_space<hbm>>) target(%arg12 : memref<2x96xi32, #tpu.memory_space<vmem>>) target_semaphore(%arg22 : memref<!tpu.dma_semaphore, #tpu.memory_space<semaphore_mem>>)
    %dma_start3A_21 = arith.constant 2 : i32
    %dma_start3A_22 = arith.constant 0 : i32
    %dma_start3A_23 = arith.constant 0 : i32
    %dma_start3A_24 = tpu.memref_slice %arg3[%add3A, %dma_start3A_21, %dma_start3A_22, %dma_start3A_23] : memref<32x105x2x96xi32, #tpu.memory_space<hbm>> -> memref<1x1x2x96xi32, #tpu.memory_space<hbm>>
    %dma_start3A_25 = tpu.memref_squeeze %dma_start3A_24 : memref<1x1x2x96xi32, #tpu.memory_space<hbm>> -> memref<2x96xi32, #tpu.memory_space<hbm>>
    %dma_start3A_26 = arith.constant 0 : i32
    %dma_start3A_27 = arith.constant 0 : i32
    %dma_start3A_28 = tpu.memref_slice %arg3[%add3A, %dma_start3A_21, %dma_start3A_26, %dma_start3A_27] : memref<32x105x2x96xi32, #tpu.memory_space<hbm>> -> memref<1x1x2x96xi32, #tpu.memory_space<hbm>>
    %dma_start3A_29 = tpu.memref_squeeze %dma_start3A_28 : memref<1x1x2x96xi32, #tpu.memory_space<hbm>> -> memref<2x96xi32, #tpu.memory_space<hbm>>
    tpu.enqueue_dma source(%dma_start3A_29 : memref<2x96xi32, #tpu.memory_space<hbm>>) target(%arg15 : memref<2x96xi32, #tpu.memory_space<vmem>>) target_semaphore(%arg25 : memref<!tpu.dma_semaphore, #tpu.memory_space<semaphore_mem>>)
    %scan3A = arith.constant 0 : i32
    %scan3A_30 = arith.constant 0 : i32
    %scan3A_31 = arith.constant 35 : i32
    %scan3A_32 = arith.addi %scan3A_30, %scan3A_31 : i32
    %scan3A_33 = arith.constant 1 : i32
    scf.for %scan3A_48 = %scan3A_30 to %scan3A_32 step %scan3A_33  : i32 {
      %mul3A_49 = arith.constant 3 : i32
      %mul3A_50 = arith.muli %mul3A_49, %scan3A_48 : i32
      %add3A_51 = arith.constant 0 : i32
      %add3A_52 = arith.addi %mul3A_50, %add3A_51 : i32
      %dma_wait3A_53 = arith.constant 0 : i32
      %dma_wait3A_54 = arith.constant 0 : i32
      %dma_wait3A_55 = tpu.memref_slice %arg3[%add3A, %add3A_52, %dma_wait3A_53, %dma_wait3A_54] : memref<32x105x2x96xi32, #tpu.memory_space<hbm>> -> memref<1x1x2x96xi32, #tpu.memory_space<hbm>>
      %dma_wait3A_56 = tpu.memref_squeeze %dma_wait3A_55 : memref<1x1x2x96xi32, #tpu.memory_space<hbm>> -> memref<2x96xi32, #tpu.memory_space<hbm>>
      %dma_wait3A_57 = arith.constant 0 : i32
      %dma_wait3A_58 = arith.constant 0 : i32
      %dma_wait3A_59 = tpu.memref_slice %arg3[%add3A, %add3A_52, %dma_wait3A_57, %dma_wait3A_58] : memref<32x105x2x96xi32, #tpu.memory_space<hbm>> -> memref<1x1x2x96xi32, #tpu.memory_space<hbm>>
      %dma_wait3A_60 = tpu.memref_squeeze %dma_wait3A_59 : memref<1x1x2x96xi32, #tpu.memory_space<hbm>> -> memref<2x96xi32, #tpu.memory_space<hbm>>
      tpu.wait_dma2 semaphore(%arg19 : memref<!tpu.dma_semaphore, #tpu.memory_space<semaphore_mem>>) src(%dma_wait3A_60 : memref<2x96xi32, #tpu.memory_space<hbm>>) dst(%arg9 : memref<2x96xi32, #tpu.memory_space<vmem>>)
      %ge3A = arith.constant 3 : i32
      %ge3A_61 = arith.cmpi sge, %add3A_52, %ge3A : i32
      %convert_element_type3A = arith.extui %ge3A_61 : i1 to i32
      %cond3A = arith.constant 0 : i32
      %cond3A_62 = arith.cmpi ne, %convert_element_type3A, %cond3A : i32
      scf.if %cond3A_62 {
        %dma_wait3A_206 = arith.constant 0 : i32
        %dma_wait3A_207 = arith.constant 0 : i32
        %dma_wait3A_208 = tpu.memref_slice %arg8[%dma_wait3A_206, %dma_wait3A_207] : memref<10240x128xf32, #tpu.memory_space<vmem_shared>> -> memref<10240x128xf32, #tpu.memory_space<vmem_shared>>
        tpu.wait_indirect_dma semaphore(%arg21 : memref<!tpu.dma_semaphore, #tpu.memory_space<semaphore_mem>>) src(%arg11 : memref<96x128xf32, #tpu.memory_space<vmem>>) dst(%dma_wait3A_208 : memref<10240x128xf32, #tpu.memory_space<vmem_shared>>)
      } else {
      }
      %scan3A_63 = arith.constant 0 : i32
      %scan3A_64 = arith.constant 0 : i32
      %scan3A_65 = arith.constant 6 : i32
      %scan3A_66 = arith.addi %scan3A_64, %scan3A_65 : i32
      %scan3A_67 = arith.constant 1 : i32
      scf.for %scan3A_206 = %scan3A_64 to %scan3A_66 step %scan3A_67  : i32 {
        %mul3A_207 = arith.constant 16 : i32
        %mul3A_208 = arith.muli %scan3A_206, %mul3A_207 : i32
        %get3A = arith.constant 1 : i32
        %get3A_209 = arith.index_cast %get3A : i32 to index
        %get3A_210 = arith.index_cast %mul3A_208 : i32 to index
        %get3A_211 = tpu.vector_load %arg9[%get3A_209, %get3A_210] {strides = array<i32>} : memref<2x96xi32, #tpu.memory_space<vmem>>, vector<16xi32>,
        %mul3A_212 = arith.constant 16 : i32
        %mul3A_213 = arith.muli %scan3A_206, %mul3A_212 : i32
        %swap3A = arith.index_cast %mul3A_213 : i32 to index
        %swap3A_214 = tpu.vector_load %arg10[%swap3A] {strides = array<i32>} : memref<96xi32, #tpu.memory_space<vmem>>, vector<16xi32>,
        tpu.vector_store %arg10[%swap3A], %get3A_211 {strides = array<i32>} : memref<96xi32, #tpu.memory_space<vmem>>, vector<16xi32>,
      }
      %scan3A_68 = arith.constant 6 : i32
      %dma_start3A_69 = arith.constant 0 : i32
      %dma_start3A_70 = arith.constant 0 : i32
      %dma_start3A_71 = tpu.memref_slice %arg9[%dma_start3A_69, %dma_start3A_70] : memref<2x96xi32, #tpu.memory_space<vmem>> -> memref<1x96xi32, #tpu.memory_space<vmem>>
      %dma_start3A_72 = tpu.memref_squeeze %dma_start3A_71 : memref<1x96xi32, #tpu.memory_space<vmem>> -> memref<96xi32, #tpu.memory_space<vmem>>
      %dma_start3A_73 = arith.constant 0 : i32
      %dma_start3A_74 = arith.constant 0 : i32
      %dma_start3A_75 = tpu.memref_slice %arg2[%dma_start3A_73, %dma_start3A_74] : memref<6400x128xf32, #tpu.memory_space<hbm>> -> memref<6400x128xf32, #tpu.memory_space<hbm>>
      tpu.enqueue_indirect_dma source(%dma_start3A_75 : memref<6400x128xf32, #tpu.memory_space<hbm>>) target(%arg11 : memref<96x128xf32, #tpu.memory_space<vmem>>) offsets(%dma_start3A_72 : memref<96xi32, #tpu.memory_space<vmem>>) semaphore(%arg20 : memref<!tpu.dma_semaphore, #tpu.memory_space<semaphore_mem>>)
      %add3A_76 = arith.constant 1 : i32
      %add3A_77 = arith.addi %mul3A_50, %add3A_76 : i32
      %dma_wait3A_78 = arith.constant 0 : i32
      %dma_wait3A_79 = arith.constant 0 : i32
      %dma_wait3A_80 = tpu.memref_slice %arg3[%add3A, %add3A_77, %dma_wait3A_78, %dma_wait3A_79] : memref<32x105x2x96xi32, #tpu.memory_space<hbm>> -> memref<1x1x2x96xi32, #tpu.memory_space<hbm>>
      %dma_wait3A_81 = tpu.memref_squeeze %dma_wait3A_80 : memref<1x1x2x96xi32, #tpu.memory_space<hbm>> -> memref<2x96xi32, #tpu.memory_space<hbm>>
      %dma_wait3A_82 = arith.constant 0 : i32
      %dma_wait3A_83 = arith.constant 0 : i32
      %dma_wait3A_84 = tpu.memref_slice %arg3[%add3A, %add3A_77, %dma_wait3A_82, %dma_wait3A_83] : memref<32x105x2x96xi32, #tpu.memory_space<hbm>> -> memref<1x1x2x96xi32, #tpu.memory_space<hbm>>
      %dma_wait3A_85 = tpu.memref_squeeze %dma_wait3A_84 : memref<1x1x2x96xi32, #tpu.memory_space<hbm>> -> memref<2x96xi32, #tpu.memory_space<hbm>>
      tpu.wait_dma2 semaphore(%arg22 : memref<!tpu.dma_semaphore, #tpu.memory_space<semaphore_mem>>) src(%dma_wait3A_85 : memref<2x96xi32, #tpu.memory_space<hbm>>) dst(%arg12 : memref<2x96xi32, #tpu.memory_space<vmem>>)
      %ge3A_86 = arith.constant 3 : i32
      %ge3A_87 = arith.cmpi sge, %add3A_77, %ge3A_86 : i32
      %convert_element_type3A_88 = arith.extui %ge3A_87 : i1 to i32
      %cond3A_89 = arith.constant 0 : i32
      %cond3A_90 = arith.cmpi ne, %convert_element_type3A_88, %cond3A_89 : i32
      scf.if %cond3A_90 {
        %dma_wait3A_206 = arith.constant 0 : i32
        %dma_wait3A_207 = arith.constant 0 : i32
        %dma_wait3A_208 = tpu.memref_slice %arg8[%dma_wait3A_206, %dma_wait3A_207] : memref<10240x128xf32, #tpu.memory_space<vmem_shared>> -> memref<10240x128xf32, #tpu.memory_space<vmem_shared>>
        tpu.wait_indirect_dma semaphore(%arg24 : memref<!tpu.dma_semaphore, #tpu.memory_space<semaphore_mem>>) src(%arg14 : memref<96x128xf32, #tpu.memory_space<vmem>>) dst(%dma_wait3A_208 : memref<10240x128xf32, #tpu.memory_space<vmem_shared>>)
      } else {
      }
      %scan3A_91 = arith.constant 0 : i32
      %scan3A_92 = arith.constant 0 : i32
      %scan3A_93 = arith.constant 6 : i32
      %scan3A_94 = arith.addi %scan3A_92, %scan3A_93 : i32
      %scan3A_95 = arith.constant 1 : i32
      scf.for %scan3A_206 = %scan3A_92 to %scan3A_94 step %scan3A_95  : i32 {
        %mul3A_207 = arith.constant 16 : i32
        %mul3A_208 = arith.muli %scan3A_206, %mul3A_207 : i32
        %get3A = arith.constant 1 : i32
        %get3A_209 = arith.index_cast %get3A : i32 to index
        %get3A_210 = arith.index_cast %mul3A_208 : i32 to index
        %get3A_211 = tpu.vector_load %arg12[%get3A_209, %get3A_210] {strides = array<i32>} : memref<2x96xi32, #tpu.memory_space<vmem>>, vector<16xi32>,
        %mul3A_212 = arith.constant 16 : i32
        %mul3A_213 = arith.muli %scan3A_206, %mul3A_212 : i32
        %swap3A = arith.index_cast %mul3A_213 : i32 to index
        %swap3A_214 = tpu.vector_load %arg13[%swap3A] {strides = array<i32>} : memref<96xi32, #tpu.memory_space<vmem>>, vector<16xi32>,
        tpu.vector_store %arg13[%swap3A], %get3A_211 {strides = array<i32>} : memref<96xi32, #tpu.memory_space<vmem>>, vector<16xi32>,
      }
      %scan3A_96 = arith.constant 6 : i32
      %dma_start3A_97 = arith.constant 0 : i32
      %dma_start3A_98 = arith.constant 0 : i32
      %dma_start3A_99 = tpu.memref_slice %arg12[%dma_start3A_97, %dma_start3A_98] : memref<2x96xi32, #tpu.memory_space<vmem>> -> memref<1x96xi32, #tpu.memory_space<vmem>>
      %dma_start3A_100 = tpu.memref_squeeze %dma_start3A_99 : memref<1x96xi32, #tpu.memory_space<vmem>> -> memref<96xi32, #tpu.memory_space<vmem>>
      %dma_start3A_101 = arith.constant 0 : i32
      %dma_start3A_102 = arith.constant 0 : i32
      %dma_start3A_103 = tpu.memref_slice %arg2[%dma_start3A_101, %dma_start3A_102] : memref<6400x128xf32, #tpu.memory_space<hbm>> -> memref<6400x128xf32, #tpu.memory_space<hbm>>
      tpu.enqueue_indirect_dma source(%dma_start3A_103 : memref<6400x128xf32, #tpu.memory_space<hbm>>) target(%arg14 : memref<96x128xf32, #tpu.memory_space<vmem>>) offsets(%dma_start3A_100 : memref<96xi32, #tpu.memory_space<vmem>>) semaphore(%arg23 : memref<!tpu.dma_semaphore, #tpu.memory_space<semaphore_mem>>)
      %add3A_104 = arith.constant 2 : i32
      %add3A_105 = arith.addi %mul3A_50, %add3A_104 : i32
      %dma_wait3A_106 = arith.constant 0 : i32
      %dma_wait3A_107 = arith.constant 0 : i32
      %dma_wait3A_108 = tpu.memref_slice %arg3[%add3A, %add3A_105, %dma_wait3A_106, %dma_wait3A_107] : memref<32x105x2x96xi32, #tpu.memory_space<hbm>> -> memref<1x1x2x96xi32, #tpu.memory_space<hbm>>
      %dma_wait3A_109 = tpu.memref_squeeze %dma_wait3A_108 : memref<1x1x2x96xi32, #tpu.memory_space<hbm>> -> memref<2x96xi32, #tpu.memory_space<hbm>>
      %dma_wait3A_110 = arith.constant 0 : i32
      %dma_wait3A_111 = arith.constant 0 : i32
      %dma_wait3A_112 = tpu.memref_slice %arg3[%add3A, %add3A_105, %dma_wait3A_110, %dma_wait3A_111] : memref<32x105x2x96xi32, #tpu.memory_space<hbm>> -> memref<1x1x2x96xi32, #tpu.memory_space<hbm>>
      %dma_wait3A_113 = tpu.memref_squeeze %dma_wait3A_112 : memref<1x1x2x96xi32, #tpu.memory_space<hbm>> -> memref<2x96xi32, #tpu.memory_space<hbm>>
      tpu.wait_dma2 semaphore(%arg25 : memref<!tpu.dma_semaphore, #tpu.memory_space<semaphore_mem>>) src(%dma_wait3A_113 : memref<2x96xi32, #tpu.memory_space<hbm>>) dst(%arg15 : memref<2x96xi32, #tpu.memory_space<vmem>>)
      %ge3A_114 = arith.constant 3 : i32
      %ge3A_115 = arith.cmpi sge, %add3A_105, %ge3A_114 : i32
      %convert_element_type3A_116 = arith.extui %ge3A_115 : i1 to i32
      %cond3A_117 = arith.constant 0 : i32
      %cond3A_118 = arith.cmpi ne, %convert_element_type3A_116, %cond3A_117 : i32
      scf.if %cond3A_118 {
        %dma_wait3A_206 = arith.constant 0 : i32
        %dma_wait3A_207 = arith.constant 0 : i32
        %dma_wait3A_208 = tpu.memref_slice %arg8[%dma_wait3A_206, %dma_wait3A_207] : memref<10240x128xf32, #tpu.memory_space<vmem_shared>> -> memref<10240x128xf32, #tpu.memory_space<vmem_shared>>
        tpu.wait_indirect_dma semaphore(%arg27 : memref<!tpu.dma_semaphore, #tpu.memory_space<semaphore_mem>>) src(%arg17 : memref<96x128xf32, #tpu.memory_space<vmem>>) dst(%dma_wait3A_208 : memref<10240x128xf32, #tpu.memory_space<vmem_shared>>)
      } else {
      }
      %scan3A_119 = arith.constant 0 : i32
      %scan3A_120 = arith.constant 0 : i32
      %scan3A_121 = arith.constant 6 : i32
      %scan3A_122 = arith.addi %scan3A_120, %scan3A_121 : i32
      %scan3A_123 = arith.constant 1 : i32
      scf.for %scan3A_206 = %scan3A_120 to %scan3A_122 step %scan3A_123  : i32 {
        %mul3A_207 = arith.constant 16 : i32
        %mul3A_208 = arith.muli %scan3A_206, %mul3A_207 : i32
        %get3A = arith.constant 1 : i32
        %get3A_209 = arith.index_cast %get3A : i32 to index
        %get3A_210 = arith.index_cast %mul3A_208 : i32 to index
        %get3A_211 = tpu.vector_load %arg15[%get3A_209, %get3A_210] {strides = array<i32>} : memref<2x96xi32, #tpu.memory_space<vmem>>, vector<16xi32>,
        %mul3A_212 = arith.constant 16 : i32
        %mul3A_213 = arith.muli %scan3A_206, %mul3A_212 : i32
        %swap3A = arith.index_cast %mul3A_213 : i32 to index
        %swap3A_214 = tpu.vector_load %arg16[%swap3A] {strides = array<i32>} : memref<96xi32, #tpu.memory_space<vmem>>, vector<16xi32>,
        tpu.vector_store %arg16[%swap3A], %get3A_211 {strides = array<i32>} : memref<96xi32, #tpu.memory_space<vmem>>, vector<16xi32>,
      }
      %scan3A_124 = arith.constant 6 : i32
      %dma_start3A_125 = arith.constant 0 : i32
      %dma_start3A_126 = arith.constant 0 : i32
      %dma_start3A_127 = tpu.memref_slice %arg15[%dma_start3A_125, %dma_start3A_126] : memref<2x96xi32, #tpu.memory_space<vmem>> -> memref<1x96xi32, #tpu.memory_space<vmem>>
      %dma_start3A_128 = tpu.memref_squeeze %dma_start3A_127 : memref<1x96xi32, #tpu.memory_space<vmem>> -> memref<96xi32, #tpu.memory_space<vmem>>
      %dma_start3A_129 = arith.constant 0 : i32
      %dma_start3A_130 = arith.constant 0 : i32
      %dma_start3A_131 = tpu.memref_slice %arg2[%dma_start3A_129, %dma_start3A_130] : memref<6400x128xf32, #tpu.memory_space<hbm>> -> memref<6400x128xf32, #tpu.memory_space<hbm>>
      tpu.enqueue_indirect_dma source(%dma_start3A_131 : memref<6400x128xf32, #tpu.memory_space<hbm>>) target(%arg17 : memref<96x128xf32, #tpu.memory_space<vmem>>) offsets(%dma_start3A_128 : memref<96xi32, #tpu.memory_space<vmem>>) semaphore(%arg26 : memref<!tpu.dma_semaphore, #tpu.memory_space<semaphore_mem>>)
      %scan3A_132 = arith.constant 0 : i32
      %scan3A_133 = arith.constant 0 : i32
      %scan3A_134 = arith.constant 6 : i32
      %scan3A_135 = arith.addi %scan3A_133, %scan3A_134 : i32
      %scan3A_136 = arith.constant 1 : i32
      scf.for %scan3A_206 = %scan3A_133 to %scan3A_135 step %scan3A_136  : i32 {
        %mul3A_207 = arith.constant 16 : i32
        %mul3A_208 = arith.muli %scan3A_206, %mul3A_207 : i32
        %get3A = arith.constant 1 : i32
        %get3A_209 = arith.index_cast %get3A : i32 to index
        %get3A_210 = arith.index_cast %mul3A_208 : i32 to index
        %get3A_211 = tpu.vector_load %arg9[%get3A_209, %get3A_210] {strides = array<i32>} : memref<2x96xi32, #tpu.memory_space<vmem>>, vector<16xi32>,
        tpu.vector_store_idx %arg18[%get3A_211], %broadcast_in_dim3A_3 {add = true} : memref<10240xf32, #tpu.memory_space<vmem>>[vector<16xi32>], vector<16xf32>,
      }
      %scan3A_137 = arith.constant 6 : i32
      %scan3A_138 = arith.constant 0 : i32
      %scan3A_139 = arith.constant 0 : i32
      %scan3A_140 = arith.constant 6 : i32
      %scan3A_141 = arith.addi %scan3A_139, %scan3A_140 : i32
      %scan3A_142 = arith.constant 1 : i32
      scf.for %scan3A_206 = %scan3A_139 to %scan3A_141 step %scan3A_142  : i32 {
        %mul3A_207 = arith.constant 16 : i32
        %mul3A_208 = arith.muli %scan3A_206, %mul3A_207 : i32
        %get3A = arith.constant 1 : i32
        %get3A_209 = arith.index_cast %get3A : i32 to index
        %get3A_210 = arith.index_cast %mul3A_208 : i32 to index
        %get3A_211 = tpu.vector_load %arg12[%get3A_209, %get3A_210] {strides = array<i32>} : memref<2x96xi32, #tpu.memory_space<vmem>>, vector<16xi32>,
        tpu.vector_store_idx %arg18[%get3A_211], %broadcast_in_dim3A_3 {add = true} : memref<10240xf32, #tpu.memory_space<vmem>>[vector<16xi32>], vector<16xf32>,
      }
      %scan3A_143 = arith.constant 6 : i32
      %scan3A_144 = arith.constant 0 : i32
      %scan3A_145 = arith.constant 0 : i32
      %scan3A_146 = arith.constant 6 : i32
      %scan3A_147 = arith.addi %scan3A_145, %scan3A_146 : i32
      %scan3A_148 = arith.constant 1 : i32
      scf.for %scan3A_206 = %scan3A_145 to %scan3A_147 step %scan3A_148  : i32 {
        %mul3A_207 = arith.constant 16 : i32
        %mul3A_208 = arith.muli %scan3A_206, %mul3A_207 : i32
        %get3A = arith.constant 1 : i32
        %get3A_209 = arith.index_cast %get3A : i32 to index
        %get3A_210 = arith.index_cast %mul3A_208 : i32 to index
        %get3A_211 = tpu.vector_load %arg15[%get3A_209, %get3A_210] {strides = array<i32>} : memref<2x96xi32, #tpu.memory_space<vmem>>, vector<16xi32>,
        tpu.vector_store_idx %arg18[%get3A_211], %broadcast_in_dim3A_3 {add = true} : memref<10240xf32, #tpu.memory_space<vmem>>[vector<16xi32>], vector<16xf32>,
      }
      %scan3A_149 = arith.constant 6 : i32
      %add3A_150 = arith.constant 0 : i32
      %add3A_151 = arith.addi %mul3A_50, %add3A_150 : i32
      %dma_wait3A_152 = arith.constant 0 : i32
      %dma_wait3A_153 = arith.constant 0 : i32
      %dma_wait3A_154 = tpu.memref_slice %arg9[%dma_wait3A_152, %dma_wait3A_153] : memref<2x96xi32, #tpu.memory_space<vmem>> -> memref<1x96xi32, #tpu.memory_space<vmem>>
      %dma_wait3A_155 = tpu.memref_squeeze %dma_wait3A_154 : memref<1x96xi32, #tpu.memory_space<vmem>> -> memref<96xi32, #tpu.memory_space<vmem>>
      %dma_wait3A_156 = arith.constant 0 : i32
      %dma_wait3A_157 = arith.constant 0 : i32
      %dma_wait3A_158 = tpu.memref_slice %arg2[%dma_wait3A_156, %dma_wait3A_157] : memref<6400x128xf32, #tpu.memory_space<hbm>> -> memref<6400x128xf32, #tpu.memory_space<hbm>>
      tpu.wait_indirect_dma semaphore(%arg20 : memref<!tpu.dma_semaphore, #tpu.memory_space<semaphore_mem>>) src(%dma_wait3A_158 : memref<6400x128xf32, #tpu.memory_space<hbm>>) dst(%arg11 : memref<96x128xf32, #tpu.memory_space<vmem>>)
      %dma_start3A_159 = arith.constant 0 : i32
      %dma_start3A_160 = arith.constant 0 : i32
      %dma_start3A_161 = tpu.memref_slice %arg8[%dma_start3A_159, %dma_start3A_160] : memref<10240x128xf32, #tpu.memory_space<vmem_shared>> -> memref<10240x128xf32, #tpu.memory_space<vmem_shared>>
      tpu.enqueue_indirect_dma source(%arg11 : memref<96x128xf32, #tpu.memory_space<vmem>>) target(%dma_start3A_161 : memref<10240x128xf32, #tpu.memory_space<vmem_shared>>) offsets(%arg10 : memref<96xi32, #tpu.memory_space<vmem>>) semaphore(%arg21 : memref<!tpu.dma_semaphore, #tpu.memory_space<semaphore_mem>>) {add = true}
      %add3A_162 = arith.constant 3 : i32
      %add3A_163 = arith.addi %add3A_151, %add3A_162 : i32
      %lt3A = arith.constant 105 : i32
      %lt3A_164 = arith.cmpi slt, %add3A_163, %lt3A : i32
      %convert_element_type3A_165 = arith.extui %lt3A_164 : i1 to i32
      %cond3A_166 = arith.constant 0 : i32
      %cond3A_167 = arith.cmpi ne, %convert_element_type3A_165, %cond3A_166 : i32
      scf.if %cond3A_167 {
        %add3A_206 = arith.constant 3 : i32
        %add3A_207 = arith.addi %add3A_151, %add3A_206 : i32
        %dma_start3A_208 = arith.constant 0 : i32
        %dma_start3A_209 = arith.constant 0 : i32
        %dma_start3A_210 = tpu.memref_slice %arg3[%add3A, %add3A_207, %dma_start3A_208, %dma_start3A_209] : memref<32x105x2x96xi32, #tpu.memory_space<hbm>> -> memref<1x1x2x96xi32, #tpu.memory_space<hbm>>
        %dma_start3A_211 = tpu.memref_squeeze %dma_start3A_210 : memref<1x1x2x96xi32, #tpu.memory_space<hbm>> -> memref<2x96xi32, #tpu.memory_space<hbm>>
        %dma_start3A_212 = arith.constant 0 : i32
        %dma_start3A_213 = arith.constant 0 : i32
        %dma_start3A_214 = tpu.memref_slice %arg3[%add3A, %add3A_207, %dma_start3A_212, %dma_start3A_213] : memref<32x105x2x96xi32, #tpu.memory_space<hbm>> -> memref<1x1x2x96xi32, #tpu.memory_space<hbm>>
        %dma_start3A_215 = tpu.memref_squeeze %dma_start3A_214 : memref<1x1x2x96xi32, #tpu.memory_space<hbm>> -> memref<2x96xi32, #tpu.memory_space<hbm>>
        tpu.enqueue_dma source(%dma_start3A_215 : memref<2x96xi32, #tpu.memory_space<hbm>>) target(%arg9 : memref<2x96xi32, #tpu.memory_space<vmem>>) target_semaphore(%arg19 : memref<!tpu.dma_semaphore, #tpu.memory_space<semaphore_mem>>)
      } else {
      }
      %add3A_168 = arith.constant 1 : i32
      %add3A_169 = arith.addi %mul3A_50, %add3A_168 : i32
      %dma_wait3A_170 = arith.constant 0 : i32
      %dma_wait3A_171 = arith.constant 0 : i32
      %dma_wait3A_172 = tpu.memref_slice %arg12[%dma_wait3A_170, %dma_wait3A_171] : memref<2x96xi32, #tpu.memory_space<vmem>> -> memref<1x96xi32, #tpu.memory_space<vmem>>
      %dma_wait3A_173 = tpu.memref_squeeze %dma_wait3A_172 : memref<1x96xi32, #tpu.memory_space<vmem>> -> memref<96xi32, #tpu.memory_space<vmem>>
      %dma_wait3A_174 = arith.constant 0 : i32
      %dma_wait3A_175 = arith.constant 0 : i32
      %dma_wait3A_176 = tpu.memref_slice %arg2[%dma_wait3A_174, %dma_wait3A_175] : memref<6400x128xf32, #tpu.memory_space<hbm>> -> memref<6400x128xf32, #tpu.memory_space<hbm>>
      tpu.wait_indirect_dma semaphore(%arg23 : memref<!tpu.dma_semaphore, #tpu.memory_space<semaphore_mem>>) src(%dma_wait3A_176 : memref<6400x128xf32, #tpu.memory_space<hbm>>) dst(%arg14 : memref<96x128xf32, #tpu.memory_space<vmem>>)
      %dma_start3A_177 = arith.constant 0 : i32
      %dma_start3A_178 = arith.constant 0 : i32
      %dma_start3A_179 = tpu.memref_slice %arg8[%dma_start3A_177, %dma_start3A_178] : memref<10240x128xf32, #tpu.memory_space<vmem_shared>> -> memref<10240x128xf32, #tpu.memory_space<vmem_shared>>
      tpu.enqueue_indirect_dma source(%arg14 : memref<96x128xf32, #tpu.memory_space<vmem>>) target(%dma_start3A_179 : memref<10240x128xf32, #tpu.memory_space<vmem_shared>>) offsets(%arg13 : memref<96xi32, #tpu.memory_space<vmem>>) semaphore(%arg24 : memref<!tpu.dma_semaphore, #tpu.memory_space<semaphore_mem>>) {add = true}
      %add3A_180 = arith.constant 3 : i32
      %add3A_181 = arith.addi %add3A_169, %add3A_180 : i32
      %lt3A_182 = arith.constant 105 : i32
      %lt3A_183 = arith.cmpi slt, %add3A_181, %lt3A_182 : i32
      %convert_element_type3A_184 = arith.extui %lt3A_183 : i1 to i32
      %cond3A_185 = arith.constant 0 : i32
      %cond3A_186 = arith.cmpi ne, %convert_element_type3A_184, %cond3A_185 : i32
      scf.if %cond3A_186 {
        %add3A_206 = arith.constant 3 : i32
        %add3A_207 = arith.addi %add3A_169, %add3A_206 : i32
        %dma_start3A_208 = arith.constant 0 : i32
        %dma_start3A_209 = arith.constant 0 : i32
        %dma_start3A_210 = tpu.memref_slice %arg3[%add3A, %add3A_207, %dma_start3A_208, %dma_start3A_209] : memref<32x105x2x96xi32, #tpu.memory_space<hbm>> -> memref<1x1x2x96xi32, #tpu.memory_space<hbm>>
        %dma_start3A_211 = tpu.memref_squeeze %dma_start3A_210 : memref<1x1x2x96xi32, #tpu.memory_space<hbm>> -> memref<2x96xi32, #tpu.memory_space<hbm>>
        %dma_start3A_212 = arith.constant 0 : i32
        %dma_start3A_213 = arith.constant 0 : i32
        %dma_start3A_214 = tpu.memref_slice %arg3[%add3A, %add3A_207, %dma_start3A_212, %dma_start3A_213] : memref<32x105x2x96xi32, #tpu.memory_space<hbm>> -> memref<1x1x2x96xi32, #tpu.memory_space<hbm>>
        %dma_start3A_215 = tpu.memref_squeeze %dma_start3A_214 : memref<1x1x2x96xi32, #tpu.memory_space<hbm>> -> memref<2x96xi32, #tpu.memory_space<hbm>>
        tpu.enqueue_dma source(%dma_start3A_215 : memref<2x96xi32, #tpu.memory_space<hbm>>) target(%arg12 : memref<2x96xi32, #tpu.memory_space<vmem>>) target_semaphore(%arg22 : memref<!tpu.dma_semaphore, #tpu.memory_space<semaphore_mem>>)
      } else {
      }
      %add3A_187 = arith.constant 2 : i32
      %add3A_188 = arith.addi %mul3A_50, %add3A_187 : i32
      %dma_wait3A_189 = arith.constant 0 : i32
      %dma_wait3A_190 = arith.constant 0 : i32
      %dma_wait3A_191 = tpu.memref_slice %arg15[%dma_wait3A_189, %dma_wait3A_190] : memref<2x96xi32, #tpu.memory_space<vmem>> -> memref<1x96xi32, #tpu.memory_space<vmem>>
      %dma_wait3A_192 = tpu.memref_squeeze %dma_wait3A_191 : memref<1x96xi32, #tpu.memory_space<vmem>> -> memref<96xi32, #tpu.memory_space<vmem>>
      %dma_wait3A_193 = arith.constant 0 : i32
      %dma_wait3A_194 = arith.constant 0 : i32
      %dma_wait3A_195 = tpu.memref_slice %arg2[%dma_wait3A_193, %dma_wait3A_194] : memref<6400x128xf32, #tpu.memory_space<hbm>> -> memref<6400x128xf32, #tpu.memory_space<hbm>>
      tpu.wait_indirect_dma semaphore(%arg26 : memref<!tpu.dma_semaphore, #tpu.memory_space<semaphore_mem>>) src(%dma_wait3A_195 : memref<6400x128xf32, #tpu.memory_space<hbm>>) dst(%arg17 : memref<96x128xf32, #tpu.memory_space<vmem>>)
      %dma_start3A_196 = arith.constant 0 : i32
      %dma_start3A_197 = arith.constant 0 : i32
      %dma_start3A_198 = tpu.memref_slice %arg8[%dma_start3A_196, %dma_start3A_197] : memref<10240x128xf32, #tpu.memory_space<vmem_shared>> -> memref<10240x128xf32, #tpu.memory_space<vmem_shared>>
      tpu.enqueue_indirect_dma source(%arg17 : memref<96x128xf32, #tpu.memory_space<vmem>>) target(%dma_start3A_198 : memref<10240x128xf32, #tpu.memory_space<vmem_shared>>) offsets(%arg16 : memref<96xi32, #tpu.memory_space<vmem>>) semaphore(%arg27 : memref<!tpu.dma_semaphore, #tpu.memory_space<semaphore_mem>>) {add = true}
      %add3A_199 = arith.constant 3 : i32
      %add3A_200 = arith.addi %add3A_188, %add3A_199 : i32
      %lt3A_201 = arith.constant 105 : i32
      %lt3A_202 = arith.cmpi slt, %add3A_200, %lt3A_201 : i32
      %convert_element_type3A_203 = arith.extui %lt3A_202 : i1 to i32
      %cond3A_204 = arith.constant 0 : i32
      %cond3A_205 = arith.cmpi ne, %convert_element_type3A_203, %cond3A_204 : i32
      scf.if %cond3A_205 {
        %add3A_206 = arith.constant 3 : i32
        %add3A_207 = arith.addi %add3A_188, %add3A_206 : i32
        %dma_start3A_208 = arith.constant 0 : i32
        %dma_start3A_209 = arith.constant 0 : i32
        %dma_start3A_210 = tpu.memref_slice %arg3[%add3A, %add3A_207, %dma_start3A_208, %dma_start3A_209] : memref<32x105x2x96xi32, #tpu.memory_space<hbm>> -> memref<1x1x2x96xi32, #tpu.memory_space<hbm>>
        %dma_start3A_211 = tpu.memref_squeeze %dma_start3A_210 : memref<1x1x2x96xi32, #tpu.memory_space<hbm>> -> memref<2x96xi32, #tpu.memory_space<hbm>>
        %dma_start3A_212 = arith.constant 0 : i32
        %dma_start3A_213 = arith.constant 0 : i32
        %dma_start3A_214 = tpu.memref_slice %arg3[%add3A, %add3A_207, %dma_start3A_212, %dma_start3A_213] : memref<32x105x2x96xi32, #tpu.memory_space<hbm>> -> memref<1x1x2x96xi32, #tpu.memory_space<hbm>>
        %dma_start3A_215 = tpu.memref_squeeze %dma_start3A_214 : memref<1x1x2x96xi32, #tpu.memory_space<hbm>> -> memref<2x96xi32, #tpu.memory_space<hbm>>
        tpu.enqueue_dma source(%dma_start3A_215 : memref<2x96xi32, #tpu.memory_space<hbm>>) target(%arg15 : memref<2x96xi32, #tpu.memory_space<vmem>>) target_semaphore(%arg25 : memref<!tpu.dma_semaphore, #tpu.memory_space<semaphore_mem>>)
      } else {
      }
    }
    %scan3A_34 = arith.constant 35 : i32
    %dma_wait3A = arith.constant 0 : i32
    %dma_wait3A_35 = arith.constant 0 : i32
    %dma_wait3A_36 = tpu.memref_slice %arg8[%dma_wait3A, %dma_wait3A_35] : memref<10240x128xf32, #tpu.memory_space<vmem_shared>> -> memref<10240x128xf32, #tpu.memory_space<vmem_shared>>
    tpu.wait_indirect_dma semaphore(%arg21 : memref<!tpu.dma_semaphore, #tpu.memory_space<semaphore_mem>>) src(%arg11 : memref<96x128xf32, #tpu.memory_space<vmem>>) dst(%dma_wait3A_36 : memref<10240x128xf32, #tpu.memory_space<vmem_shared>>)
    %dma_wait3A_37 = arith.constant 0 : i32
    %dma_wait3A_38 = arith.constant 0 : i32
    %dma_wait3A_39 = tpu.memref_slice %arg8[%dma_wait3A_37, %dma_wait3A_38] : memref<10240x128xf32, #tpu.memory_space<vmem_shared>> -> memref<10240x128xf32, #tpu.memory_space<vmem_shared>>
    tpu.wait_indirect_dma semaphore(%arg24 : memref<!tpu.dma_semaphore, #tpu.memory_space<semaphore_mem>>) src(%arg14 : memref<96x128xf32, #tpu.memory_space<vmem>>) dst(%dma_wait3A_39 : memref<10240x128xf32, #tpu.memory_space<vmem_shared>>)
    %dma_wait3A_40 = arith.constant 0 : i32
    %dma_wait3A_41 = arith.constant 0 : i32
    %dma_wait3A_42 = tpu.memref_slice %arg8[%dma_wait3A_40, %dma_wait3A_41] : memref<10240x128xf32, #tpu.memory_space<vmem_shared>> -> memref<10240x128xf32, #tpu.memory_space<vmem_shared>>
    tpu.wait_indirect_dma semaphore(%arg27 : memref<!tpu.dma_semaphore, #tpu.memory_space<semaphore_mem>>) src(%arg17 : memref<96x128xf32, #tpu.memory_space<vmem>>) dst(%dma_wait3A_42 : memref<10240x128xf32, #tpu.memory_space<vmem_shared>>)
    %barrier3A_43 = arith.constant 0 : index
    tpu.barrier barrier_id(%barrier3A_43)
    %mul3A_44 = arith.constant 640 : i32
    %mul3A_45 = arith.muli %arg1, %mul3A_44 : i32
    %mul3A_46 = arith.constant 640 : i32
    %mul3A_47 = arith.muli %arg1, %mul3A_46 : i32
    "tpu.region"() ({
      %run_scoped3A = tpu.sem_alloc : memref<!tpu.dma_semaphore, #tpu.memory_space<semaphore_mem>>
      %dma_start3A_48 = arith.constant 0 : i32
      %dma_start3A_49 = tpu.memref_slice %arg6[%arg0, %mul3A_47, %dma_start3A_48] : memref<2x10240x128xf32, #tpu.memory_space<hbm>> -> memref<1x640x128xf32, #tpu.memory_space<hbm>>
      %dma_start3A_50 = tpu.memref_squeeze %dma_start3A_49 : memref<1x640x128xf32, #tpu.memory_space<hbm>> -> memref<640x128xf32, #tpu.memory_space<hbm>>
      %dma_start3A_51 = arith.constant 0 : i32
      %dma_start3A_52 = tpu.memref_slice %arg8[%mul3A_45, %dma_start3A_51] : memref<10240x128xf32, #tpu.memory_space<vmem_shared>> -> memref<640x128xf32, #tpu.memory_space<vmem_shared>>
      tpu.enqueue_dma source(%dma_start3A_52 : memref<640x128xf32, #tpu.memory_space<vmem_shared>>) target(%dma_start3A_50 : memref<640x128xf32, #tpu.memory_space<hbm>>) target_semaphore(%run_scoped3A : memref<!tpu.dma_semaphore, #tpu.memory_space<semaphore_mem>>)
      %dma_wait3A_53 = arith.constant 0 : i32
      %dma_wait3A_54 = tpu.memref_slice %arg6[%arg0, %mul3A_47, %dma_wait3A_53] : memref<2x10240x128xf32, #tpu.memory_space<hbm>> -> memref<1x640x128xf32, #tpu.memory_space<hbm>>
      %dma_wait3A_55 = tpu.memref_squeeze %dma_wait3A_54 : memref<1x640x128xf32, #tpu.memory_space<hbm>> -> memref<640x128xf32, #tpu.memory_space<hbm>>
      %dma_wait3A_56 = arith.constant 0 : i32
      %dma_wait3A_57 = tpu.memref_slice %arg8[%mul3A_45, %dma_wait3A_56] : memref<10240x128xf32, #tpu.memory_space<vmem_shared>> -> memref<640x128xf32, #tpu.memory_space<vmem_shared>>
      tpu.wait_dma2 semaphore(%run_scoped3A : memref<!tpu.dma_semaphore, #tpu.memory_space<semaphore_mem>>) src(%dma_wait3A_57 : memref<640x128xf32, #tpu.memory_space<vmem_shared>>) dst(%dma_wait3A_55 : memref<640x128xf32, #tpu.memory_space<hbm>>)
      tpu.yield
    }) : () -> ()
    "tpu.region"() ({
      %run_scoped3A = tpu.sem_alloc : memref<!tpu.dma_semaphore, #tpu.memory_space<semaphore_mem>>
      %dma_start3A_48 = arith.constant 0 : i32
      %dma_start3A_49 = tpu.memref_slice %arg7[%add3A, %dma_start3A_48] : memref<32x10240xf32, #tpu.memory_space<hbm>> -> memref<1x10240xf32, #tpu.memory_space<hbm>>
      %dma_start3A_50 = tpu.memref_squeeze %dma_start3A_49 : memref<1x10240xf32, #tpu.memory_space<hbm>> -> memref<10240xf32, #tpu.memory_space<hbm>>
      %dma_start3A_51 = arith.constant 0 : i32
      %dma_start3A_52 = tpu.memref_slice %arg7[%add3A, %dma_start3A_51] : memref<32x10240xf32, #tpu.memory_space<hbm>> -> memref<1x10240xf32, #tpu.memory_space<hbm>>
      %dma_start3A_53 = tpu.memref_squeeze %dma_start3A_52 : memref<1x10240xf32, #tpu.memory_space<hbm>> -> memref<10240xf32, #tpu.memory_space<hbm>>
      tpu.enqueue_dma source(%arg18 : memref<10240xf32, #tpu.memory_space<vmem>>) target(%dma_start3A_53 : memref<10240xf32, #tpu.memory_space<hbm>>) target_semaphore(%run_scoped3A : memref<!tpu.dma_semaphore, #tpu.memory_space<semaphore_mem>>)
      %dma_wait3A_54 = arith.constant 0 : i32
      %dma_wait3A_55 = tpu.memref_slice %arg7[%add3A, %dma_wait3A_54] : memref<32x10240xf32, #tpu.memory_space<hbm>> -> memref<1x10240xf32, #tpu.memory_space<hbm>>
      %dma_wait3A_56 = tpu.memref_squeeze %dma_wait3A_55 : memref<1x10240xf32, #tpu.memory_space<hbm>> -> memref<10240xf32, #tpu.memory_space<hbm>>
      %dma_wait3A_57 = arith.constant 0 : i32
      %dma_wait3A_58 = tpu.memref_slice %arg7[%add3A, %dma_wait3A_57] : memref<32x10240xf32, #tpu.memory_space<hbm>> -> memref<1x10240xf32, #tpu.memory_space<hbm>>
      %dma_wait3A_59 = tpu.memref_squeeze %dma_wait3A_58 : memref<1x10240xf32, #tpu.memory_space<hbm>> -> memref<10240xf32, #tpu.memory_space<hbm>>
      tpu.wait_dma2 semaphore(%run_scoped3A : memref<!tpu.dma_semaphore, #tpu.memory_space<semaphore_mem>>) src(%arg18 : memref<10240xf32, #tpu.memory_space<vmem>>) dst(%dma_wait3A_59 : memref<10240xf32, #tpu.memory_space<hbm>>)
      tpu.yield
    }) : () -> ()
    return
  }
}

#map = affine_map<(d0, d1) -> (0, 0)>
#map1 = affine_map<(d0, d1) -> (0, 0, 0, 0)>
#map2 = affine_map<(d0, d1) -> (0, 0, 0)>
#map3 = affine_map<(d0, d1) -> (0)>
module attributes {stable_mosaic.version = 14 : i64} {
  func.func @body(%arg0: i32, %arg1: i32, %arg2: memref<10240x128xf32, #tpu.memory_space<hbm>>, %arg3: memref<32x126x2x80xi32, #tpu.memory_space<hbm>>, %arg4: memref<2x10240x128xf32, #tpu.memory_space<hbm>>, %arg5: memref<10240xf32, #tpu.memory_space<hbm>>, %arg6: memref<2x10240x128xf32, #tpu.memory_space<hbm>>, %arg7: memref<10240x128xf32, #tpu.memory_space<vmem_shared>>, %arg8: memref<2x80xi32, #tpu.memory_space<vmem>>, %arg9: memref<80xi32, #tpu.memory_space<vmem>>, %arg10: memref<80x128xf32, #tpu.memory_space<vmem>>, %arg11: memref<2x80xi32, #tpu.memory_space<vmem>>, %arg12: memref<80xi32, #tpu.memory_space<vmem>>, %arg13: memref<80x128xf32, #tpu.memory_space<vmem>>, %arg14: memref<2x80xi32, #tpu.memory_space<vmem>>, %arg15: memref<80xi32, #tpu.memory_space<vmem>>, %arg16: memref<80x128xf32, #tpu.memory_space<vmem>>, %arg17: memref<2x80xi32, #tpu.memory_space<vmem>>, %arg18: memref<80xi32, #tpu.memory_space<vmem>>, %arg19: memref<80x128xf32, #tpu.memory_space<vmem>>, %arg20: memref<!tpu.dma_semaphore, #tpu.memory_space<semaphore_mem>>, %arg21: memref<!tpu.dma_semaphore, #tpu.memory_space<semaphore_mem>>, %arg22: memref<!tpu.dma_semaphore, #tpu.memory_space<semaphore_mem>>, %arg23: memref<!tpu.dma_semaphore, #tpu.memory_space<semaphore_mem>>, %arg24: memref<!tpu.dma_semaphore, #tpu.memory_space<semaphore_mem>>, %arg25: memref<!tpu.dma_semaphore, #tpu.memory_space<semaphore_mem>>, %arg26: memref<!tpu.dma_semaphore, #tpu.memory_space<semaphore_mem>>, %arg27: memref<!tpu.dma_semaphore, #tpu.memory_space<semaphore_mem>>, %arg28: memref<!tpu.dma_semaphore, #tpu.memory_space<semaphore_mem>>, %arg29: memref<!tpu.dma_semaphore, #tpu.memory_space<semaphore_mem>>, %arg30: memref<!tpu.dma_semaphore, #tpu.memory_space<semaphore_mem>>, %arg31: memref<!tpu.dma_semaphore, #tpu.memory_space<semaphore_mem>>) attributes {dimension_semantics = [#tpu.dimension_semantics<core_parallel>, #tpu.dimension_semantics<subcore_parallel>], iteration_bounds = array<i64: 2, 16>, scalar_prefetch = 0 : i64, scratch_operands = 25 : i64, tpu.core_type = #tpu.core_type<sc_vector_subcore>, window_params = [{transform_indices = #map}, {transform_indices = #map1}, {transform_indices = #map2}, {transform_indices = #map3}, {transform_indices = #map2}]} {
    %mul3A = arith.constant 2 : i32
    %mul3A_0 = arith.muli %arg1, %mul3A : i32
    %add3A = arith.addi %mul3A_0, %arg0 : i32
    %mul3A_1 = arith.constant 640 : i32
    %mul3A_2 = arith.muli %arg1, %mul3A_1 : i32
    %mul3A_3 = arith.constant 640 : i32
    %mul3A_4 = arith.muli %arg1, %mul3A_3 : i32
    "tpu.region"() ({
      %run_scoped3A = tpu.sem_alloc : memref<!tpu.dma_semaphore, #tpu.memory_space<semaphore_mem>>
      %dma_start3A_152 = arith.constant 0 : i32
      %dma_start3A_153 = tpu.memref_slice %arg7[%mul3A_4, %dma_start3A_152] : memref<10240x128xf32, #tpu.memory_space<vmem_shared>> -> memref<640x128xf32, #tpu.memory_space<vmem_shared>>
      %dma_start3A_154 = arith.constant 0 : i32
      %dma_start3A_155 = tpu.memref_slice %arg4[%arg0, %mul3A_2, %dma_start3A_154] : memref<2x10240x128xf32, #tpu.memory_space<hbm>> -> memref<1x640x128xf32, #tpu.memory_space<hbm>>
      %dma_start3A_156 = tpu.memref_squeeze %dma_start3A_155 : memref<1x640x128xf32, #tpu.memory_space<hbm>> -> memref<640x128xf32, #tpu.memory_space<hbm>>
      tpu.enqueue_dma source(%dma_start3A_156 : memref<640x128xf32, #tpu.memory_space<hbm>>) target(%dma_start3A_153 : memref<640x128xf32, #tpu.memory_space<vmem_shared>>) target_semaphore(%run_scoped3A : memref<!tpu.dma_semaphore, #tpu.memory_space<semaphore_mem>>)
      %dma_wait3A_157 = arith.constant 0 : i32
      %dma_wait3A_158 = tpu.memref_slice %arg7[%mul3A_4, %dma_wait3A_157] : memref<10240x128xf32, #tpu.memory_space<vmem_shared>> -> memref<640x128xf32, #tpu.memory_space<vmem_shared>>
      %dma_wait3A_159 = arith.constant 0 : i32
      %dma_wait3A_160 = tpu.memref_slice %arg4[%arg0, %mul3A_2, %dma_wait3A_159] : memref<2x10240x128xf32, #tpu.memory_space<hbm>> -> memref<1x640x128xf32, #tpu.memory_space<hbm>>
      %dma_wait3A_161 = tpu.memref_squeeze %dma_wait3A_160 : memref<1x640x128xf32, #tpu.memory_space<hbm>> -> memref<640x128xf32, #tpu.memory_space<hbm>>
      tpu.wait_dma2 semaphore(%run_scoped3A : memref<!tpu.dma_semaphore, #tpu.memory_space<semaphore_mem>>) src(%dma_wait3A_161 : memref<640x128xf32, #tpu.memory_space<hbm>>) dst(%dma_wait3A_158 : memref<640x128xf32, #tpu.memory_space<vmem_shared>>)
      tpu.yield
    }) : () -> ()
    %barrier3A = arith.constant 0 : index
    tpu.barrier barrier_id(%barrier3A)
    %broadcast_in_dim3A = arith.constant 1.000000e+00 : f32
    %broadcast_in_dim3A_5 = vector.broadcast %broadcast_in_dim3A : f32 to vector<16xf32>
    %dma_start3A = arith.constant 0 : i32
    %dma_start3A_6 = arith.constant 0 : i32
    %dma_start3A_7 = arith.constant 0 : i32
    %dma_start3A_8 = tpu.memref_slice %arg3[%add3A, %dma_start3A, %dma_start3A_6, %dma_start3A_7] : memref<32x126x2x80xi32, #tpu.memory_space<hbm>> -> memref<1x1x2x80xi32, #tpu.memory_space<hbm>>
    %dma_start3A_9 = tpu.memref_squeeze %dma_start3A_8 : memref<1x1x2x80xi32, #tpu.memory_space<hbm>> -> memref<2x80xi32, #tpu.memory_space<hbm>>
    %dma_start3A_10 = arith.constant 0 : i32
    %dma_start3A_11 = arith.constant 0 : i32
    %dma_start3A_12 = tpu.memref_slice %arg3[%add3A, %dma_start3A, %dma_start3A_10, %dma_start3A_11] : memref<32x126x2x80xi32, #tpu.memory_space<hbm>> -> memref<1x1x2x80xi32, #tpu.memory_space<hbm>>
    %dma_start3A_13 = tpu.memref_squeeze %dma_start3A_12 : memref<1x1x2x80xi32, #tpu.memory_space<hbm>> -> memref<2x80xi32, #tpu.memory_space<hbm>>
    tpu.enqueue_dma source(%dma_start3A_13 : memref<2x80xi32, #tpu.memory_space<hbm>>) target(%arg8 : memref<2x80xi32, #tpu.memory_space<vmem>>) target_semaphore(%arg20 : memref<!tpu.dma_semaphore, #tpu.memory_space<semaphore_mem>>)
    %dma_start3A_14 = arith.constant 1 : i32
    %dma_start3A_15 = arith.constant 0 : i32
    %dma_start3A_16 = arith.constant 0 : i32
    %dma_start3A_17 = tpu.memref_slice %arg3[%add3A, %dma_start3A_14, %dma_start3A_15, %dma_start3A_16] : memref<32x126x2x80xi32, #tpu.memory_space<hbm>> -> memref<1x1x2x80xi32, #tpu.memory_space<hbm>>
    %dma_start3A_18 = tpu.memref_squeeze %dma_start3A_17 : memref<1x1x2x80xi32, #tpu.memory_space<hbm>> -> memref<2x80xi32, #tpu.memory_space<hbm>>
    %dma_start3A_19 = arith.constant 0 : i32
    %dma_start3A_20 = arith.constant 0 : i32
    %dma_start3A_21 = tpu.memref_slice %arg3[%add3A, %dma_start3A_14, %dma_start3A_19, %dma_start3A_20] : memref<32x126x2x80xi32, #tpu.memory_space<hbm>> -> memref<1x1x2x80xi32, #tpu.memory_space<hbm>>
    %dma_start3A_22 = tpu.memref_squeeze %dma_start3A_21 : memref<1x1x2x80xi32, #tpu.memory_space<hbm>> -> memref<2x80xi32, #tpu.memory_space<hbm>>
    tpu.enqueue_dma source(%dma_start3A_22 : memref<2x80xi32, #tpu.memory_space<hbm>>) target(%arg11 : memref<2x80xi32, #tpu.memory_space<vmem>>) target_semaphore(%arg23 : memref<!tpu.dma_semaphore, #tpu.memory_space<semaphore_mem>>)
    %dma_start3A_23 = arith.constant 2 : i32
    %dma_start3A_24 = arith.constant 0 : i32
    %dma_start3A_25 = arith.constant 0 : i32
    %dma_start3A_26 = tpu.memref_slice %arg3[%add3A, %dma_start3A_23, %dma_start3A_24, %dma_start3A_25] : memref<32x126x2x80xi32, #tpu.memory_space<hbm>> -> memref<1x1x2x80xi32, #tpu.memory_space<hbm>>
    %dma_start3A_27 = tpu.memref_squeeze %dma_start3A_26 : memref<1x1x2x80xi32, #tpu.memory_space<hbm>> -> memref<2x80xi32, #tpu.memory_space<hbm>>
    %dma_start3A_28 = arith.constant 0 : i32
    %dma_start3A_29 = arith.constant 0 : i32
    %dma_start3A_30 = tpu.memref_slice %arg3[%add3A, %dma_start3A_23, %dma_start3A_28, %dma_start3A_29] : memref<32x126x2x80xi32, #tpu.memory_space<hbm>> -> memref<1x1x2x80xi32, #tpu.memory_space<hbm>>
    %dma_start3A_31 = tpu.memref_squeeze %dma_start3A_30 : memref<1x1x2x80xi32, #tpu.memory_space<hbm>> -> memref<2x80xi32, #tpu.memory_space<hbm>>
    tpu.enqueue_dma source(%dma_start3A_31 : memref<2x80xi32, #tpu.memory_space<hbm>>) target(%arg14 : memref<2x80xi32, #tpu.memory_space<vmem>>) target_semaphore(%arg26 : memref<!tpu.dma_semaphore, #tpu.memory_space<semaphore_mem>>)
    %dma_start3A_32 = arith.constant 3 : i32
    %dma_start3A_33 = arith.constant 0 : i32
    %dma_start3A_34 = arith.constant 0 : i32
    %dma_start3A_35 = tpu.memref_slice %arg3[%add3A, %dma_start3A_32, %dma_start3A_33, %dma_start3A_34] : memref<32x126x2x80xi32, #tpu.memory_space<hbm>> -> memref<1x1x2x80xi32, #tpu.memory_space<hbm>>
    %dma_start3A_36 = tpu.memref_squeeze %dma_start3A_35 : memref<1x1x2x80xi32, #tpu.memory_space<hbm>> -> memref<2x80xi32, #tpu.memory_space<hbm>>
    %dma_start3A_37 = arith.constant 0 : i32
    %dma_start3A_38 = arith.constant 0 : i32
    %dma_start3A_39 = tpu.memref_slice %arg3[%add3A, %dma_start3A_32, %dma_start3A_37, %dma_start3A_38] : memref<32x126x2x80xi32, #tpu.memory_space<hbm>> -> memref<1x1x2x80xi32, #tpu.memory_space<hbm>>
    %dma_start3A_40 = tpu.memref_squeeze %dma_start3A_39 : memref<1x1x2x80xi32, #tpu.memory_space<hbm>> -> memref<2x80xi32, #tpu.memory_space<hbm>>
    tpu.enqueue_dma source(%dma_start3A_40 : memref<2x80xi32, #tpu.memory_space<hbm>>) target(%arg17 : memref<2x80xi32, #tpu.memory_space<vmem>>) target_semaphore(%arg29 : memref<!tpu.dma_semaphore, #tpu.memory_space<semaphore_mem>>)
    %scan3A = arith.constant 0 : i32
    %scan3A_41 = arith.constant 0 : i32
    %scan3A_42 = arith.constant 31 : i32
    %scan3A_43 = arith.addi %scan3A_41, %scan3A_42 : i32
    %scan3A_44 = arith.constant 1 : i32
    scf.for %scan3A_152 = %scan3A_41 to %scan3A_43 step %scan3A_44  : i32 {
      %mul3A_153 = arith.constant 4 : i32
      %mul3A_154 = arith.muli %mul3A_153, %scan3A_152 : i32
      %add3A_155 = arith.constant 0 : i32
      %add3A_156 = arith.addi %mul3A_154, %add3A_155 : i32
      %dma_wait3A_157 = arith.constant 0 : i32
      %dma_wait3A_158 = arith.constant 0 : i32
      %dma_wait3A_159 = tpu.memref_slice %arg3[%add3A, %add3A_156, %dma_wait3A_157, %dma_wait3A_158] : memref<32x126x2x80xi32, #tpu.memory_space<hbm>> -> memref<1x1x2x80xi32, #tpu.memory_space<hbm>>
      %dma_wait3A_160 = tpu.memref_squeeze %dma_wait3A_159 : memref<1x1x2x80xi32, #tpu.memory_space<hbm>> -> memref<2x80xi32, #tpu.memory_space<hbm>>
      %dma_wait3A_161 = arith.constant 0 : i32
      %dma_wait3A_162 = arith.constant 0 : i32
      %dma_wait3A_163 = tpu.memref_slice %arg3[%add3A, %add3A_156, %dma_wait3A_161, %dma_wait3A_162] : memref<32x126x2x80xi32, #tpu.memory_space<hbm>> -> memref<1x1x2x80xi32, #tpu.memory_space<hbm>>
      %dma_wait3A_164 = tpu.memref_squeeze %dma_wait3A_163 : memref<1x1x2x80xi32, #tpu.memory_space<hbm>> -> memref<2x80xi32, #tpu.memory_space<hbm>>
      tpu.wait_dma2 semaphore(%arg20 : memref<!tpu.dma_semaphore, #tpu.memory_space<semaphore_mem>>) src(%dma_wait3A_164 : memref<2x80xi32, #tpu.memory_space<hbm>>) dst(%arg8 : memref<2x80xi32, #tpu.memory_space<vmem>>)
      %ge3A_165 = arith.constant 4 : i32
      %ge3A_166 = arith.cmpi sge, %add3A_156, %ge3A_165 : i32
      %convert_element_type3A_167 = arith.extui %ge3A_166 : i1 to i32
      %cond3A_168 = arith.constant 0 : i32
      %cond3A_169 = arith.cmpi ne, %convert_element_type3A_167, %cond3A_168 : i32
      scf.if %cond3A_169 {
        %dma_wait3A_343 = arith.constant 0 : i32
        %dma_wait3A_344 = arith.constant 0 : i32
        %dma_wait3A_345 = tpu.memref_slice %arg7[%dma_wait3A_343, %dma_wait3A_344] : memref<10240x128xf32, #tpu.memory_space<vmem_shared>> -> memref<10240x128xf32, #tpu.memory_space<vmem_shared>>
        tpu.wait_indirect_dma semaphore(%arg22 : memref<!tpu.dma_semaphore, #tpu.memory_space<semaphore_mem>>) src(%arg10 : memref<80x128xf32, #tpu.memory_space<vmem>>) dst(%dma_wait3A_345 : memref<10240x128xf32, #tpu.memory_space<vmem_shared>>)
      } else {
      }
      %scan3A_170 = arith.constant 0 : i32
      %scan3A_171 = arith.constant 0 : i32
      %scan3A_172 = arith.constant 5 : i32
      %scan3A_173 = arith.addi %scan3A_171, %scan3A_172 : i32
      %scan3A_174 = arith.constant 1 : i32
      scf.for %scan3A_343 = %scan3A_171 to %scan3A_173 step %scan3A_174  : i32 {
        %mul3A_344 = arith.constant 16 : i32
        %mul3A_345 = arith.muli %scan3A_343, %mul3A_344 : i32
        %get3A = arith.constant 1 : i32
        %get3A_346 = arith.index_cast %get3A : i32 to index
        %get3A_347 = arith.index_cast %mul3A_345 : i32 to index
        %get3A_348 = tpu.vector_load %arg8[%get3A_346, %get3A_347] {strides = array<i32>} : memref<2x80xi32, #tpu.memory_space<vmem>>, vector<16xi32>,
        %mul3A_349 = arith.constant 16 : i32
        %mul3A_350 = arith.muli %scan3A_343, %mul3A_349 : i32
        %swap3A = arith.index_cast %mul3A_350 : i32 to index
        %swap3A_351 = tpu.vector_load %arg9[%swap3A] {strides = array<i32>} : memref<80xi32, #tpu.memory_space<vmem>>, vector<16xi32>,
        tpu.vector_store %arg9[%swap3A], %get3A_348 {strides = array<i32>} : memref<80xi32, #tpu.memory_space<vmem>>, vector<16xi32>,
      }
      %scan3A_175 = arith.constant 5 : i32
      %dma_start3A_176 = arith.constant 0 : i32
      %dma_start3A_177 = arith.constant 0 : i32
      %dma_start3A_178 = tpu.memref_slice %arg8[%dma_start3A_176, %dma_start3A_177] : memref<2x80xi32, #tpu.memory_space<vmem>> -> memref<1x80xi32, #tpu.memory_space<vmem>>
      %dma_start3A_179 = tpu.memref_squeeze %dma_start3A_178 : memref<1x80xi32, #tpu.memory_space<vmem>> -> memref<80xi32, #tpu.memory_space<vmem>>
      %dma_start3A_180 = arith.constant 0 : i32
      %dma_start3A_181 = arith.constant 0 : i32
      %dma_start3A_182 = tpu.memref_slice %arg2[%dma_start3A_180, %dma_start3A_181] : memref<10240x128xf32, #tpu.memory_space<hbm>> -> memref<10240x128xf32, #tpu.memory_space<hbm>>
      tpu.enqueue_indirect_dma source(%dma_start3A_182 : memref<10240x128xf32, #tpu.memory_space<hbm>>) target(%arg10 : memref<80x128xf32, #tpu.memory_space<vmem>>) offsets(%dma_start3A_179 : memref<80xi32, #tpu.memory_space<vmem>>) semaphore(%arg21 : memref<!tpu.dma_semaphore, #tpu.memory_space<semaphore_mem>>)
      %add3A_183 = arith.constant 1 : i32
      %add3A_184 = arith.addi %mul3A_154, %add3A_183 : i32
      %dma_wait3A_185 = arith.constant 0 : i32
      %dma_wait3A_186 = arith.constant 0 : i32
      %dma_wait3A_187 = tpu.memref_slice %arg3[%add3A, %add3A_184, %dma_wait3A_185, %dma_wait3A_186] : memref<32x126x2x80xi32, #tpu.memory_space<hbm>> -> memref<1x1x2x80xi32, #tpu.memory_space<hbm>>
      %dma_wait3A_188 = tpu.memref_squeeze %dma_wait3A_187 : memref<1x1x2x80xi32, #tpu.memory_space<hbm>> -> memref<2x80xi32, #tpu.memory_space<hbm>>
      %dma_wait3A_189 = arith.constant 0 : i32
      %dma_wait3A_190 = arith.constant 0 : i32
      %dma_wait3A_191 = tpu.memref_slice %arg3[%add3A, %add3A_184, %dma_wait3A_189, %dma_wait3A_190] : memref<32x126x2x80xi32, #tpu.memory_space<hbm>> -> memref<1x1x2x80xi32, #tpu.memory_space<hbm>>
      %dma_wait3A_192 = tpu.memref_squeeze %dma_wait3A_191 : memref<1x1x2x80xi32, #tpu.memory_space<hbm>> -> memref<2x80xi32, #tpu.memory_space<hbm>>
      tpu.wait_dma2 semaphore(%arg23 : memref<!tpu.dma_semaphore, #tpu.memory_space<semaphore_mem>>) src(%dma_wait3A_192 : memref<2x80xi32, #tpu.memory_space<hbm>>) dst(%arg11 : memref<2x80xi32, #tpu.memory_space<vmem>>)
      %ge3A_193 = arith.constant 4 : i32
      %ge3A_194 = arith.cmpi sge, %add3A_184, %ge3A_193 : i32
      %convert_element_type3A_195 = arith.extui %ge3A_194 : i1 to i32
      %cond3A_196 = arith.constant 0 : i32
      %cond3A_197 = arith.cmpi ne, %convert_element_type3A_195, %cond3A_196 : i32
      scf.if %cond3A_197 {
        %dma_wait3A_343 = arith.constant 0 : i32
        %dma_wait3A_344 = arith.constant 0 : i32
        %dma_wait3A_345 = tpu.memref_slice %arg7[%dma_wait3A_343, %dma_wait3A_344] : memref<10240x128xf32, #tpu.memory_space<vmem_shared>> -> memref<10240x128xf32, #tpu.memory_space<vmem_shared>>
        tpu.wait_indirect_dma semaphore(%arg25 : memref<!tpu.dma_semaphore, #tpu.memory_space<semaphore_mem>>) src(%arg13 : memref<80x128xf32, #tpu.memory_space<vmem>>) dst(%dma_wait3A_345 : memref<10240x128xf32, #tpu.memory_space<vmem_shared>>)
      } else {
      }
      %scan3A_198 = arith.constant 0 : i32
      %scan3A_199 = arith.constant 0 : i32
      %scan3A_200 = arith.constant 5 : i32
      %scan3A_201 = arith.addi %scan3A_199, %scan3A_200 : i32
      %scan3A_202 = arith.constant 1 : i32
      scf.for %scan3A_343 = %scan3A_199 to %scan3A_201 step %scan3A_202  : i32 {
        %mul3A_344 = arith.constant 16 : i32
        %mul3A_345 = arith.muli %scan3A_343, %mul3A_344 : i32
        %get3A = arith.constant 1 : i32
        %get3A_346 = arith.index_cast %get3A : i32 to index
        %get3A_347 = arith.index_cast %mul3A_345 : i32 to index
        %get3A_348 = tpu.vector_load %arg11[%get3A_346, %get3A_347] {strides = array<i32>} : memref<2x80xi32, #tpu.memory_space<vmem>>, vector<16xi32>,
        %mul3A_349 = arith.constant 16 : i32
        %mul3A_350 = arith.muli %scan3A_343, %mul3A_349 : i32
        %swap3A = arith.index_cast %mul3A_350 : i32 to index
        %swap3A_351 = tpu.vector_load %arg12[%swap3A] {strides = array<i32>} : memref<80xi32, #tpu.memory_space<vmem>>, vector<16xi32>,
        tpu.vector_store %arg12[%swap3A], %get3A_348 {strides = array<i32>} : memref<80xi32, #tpu.memory_space<vmem>>, vector<16xi32>,
      }
      %scan3A_203 = arith.constant 5 : i32
      %dma_start3A_204 = arith.constant 0 : i32
      %dma_start3A_205 = arith.constant 0 : i32
      %dma_start3A_206 = tpu.memref_slice %arg11[%dma_start3A_204, %dma_start3A_205] : memref<2x80xi32, #tpu.memory_space<vmem>> -> memref<1x80xi32, #tpu.memory_space<vmem>>
      %dma_start3A_207 = tpu.memref_squeeze %dma_start3A_206 : memref<1x80xi32, #tpu.memory_space<vmem>> -> memref<80xi32, #tpu.memory_space<vmem>>
      %dma_start3A_208 = arith.constant 0 : i32
      %dma_start3A_209 = arith.constant 0 : i32
      %dma_start3A_210 = tpu.memref_slice %arg2[%dma_start3A_208, %dma_start3A_209] : memref<10240x128xf32, #tpu.memory_space<hbm>> -> memref<10240x128xf32, #tpu.memory_space<hbm>>
      tpu.enqueue_indirect_dma source(%dma_start3A_210 : memref<10240x128xf32, #tpu.memory_space<hbm>>) target(%arg13 : memref<80x128xf32, #tpu.memory_space<vmem>>) offsets(%dma_start3A_207 : memref<80xi32, #tpu.memory_space<vmem>>) semaphore(%arg24 : memref<!tpu.dma_semaphore, #tpu.memory_space<semaphore_mem>>)
      %add3A_211 = arith.constant 2 : i32
      %add3A_212 = arith.addi %mul3A_154, %add3A_211 : i32
      %dma_wait3A_213 = arith.constant 0 : i32
      %dma_wait3A_214 = arith.constant 0 : i32
      %dma_wait3A_215 = tpu.memref_slice %arg3[%add3A, %add3A_212, %dma_wait3A_213, %dma_wait3A_214] : memref<32x126x2x80xi32, #tpu.memory_space<hbm>> -> memref<1x1x2x80xi32, #tpu.memory_space<hbm>>
      %dma_wait3A_216 = tpu.memref_squeeze %dma_wait3A_215 : memref<1x1x2x80xi32, #tpu.memory_space<hbm>> -> memref<2x80xi32, #tpu.memory_space<hbm>>
      %dma_wait3A_217 = arith.constant 0 : i32
      %dma_wait3A_218 = arith.constant 0 : i32
      %dma_wait3A_219 = tpu.memref_slice %arg3[%add3A, %add3A_212, %dma_wait3A_217, %dma_wait3A_218] : memref<32x126x2x80xi32, #tpu.memory_space<hbm>> -> memref<1x1x2x80xi32, #tpu.memory_space<hbm>>
      %dma_wait3A_220 = tpu.memref_squeeze %dma_wait3A_219 : memref<1x1x2x80xi32, #tpu.memory_space<hbm>> -> memref<2x80xi32, #tpu.memory_space<hbm>>
      tpu.wait_dma2 semaphore(%arg26 : memref<!tpu.dma_semaphore, #tpu.memory_space<semaphore_mem>>) src(%dma_wait3A_220 : memref<2x80xi32, #tpu.memory_space<hbm>>) dst(%arg14 : memref<2x80xi32, #tpu.memory_space<vmem>>)
      %ge3A_221 = arith.constant 4 : i32
      %ge3A_222 = arith.cmpi sge, %add3A_212, %ge3A_221 : i32
      %convert_element_type3A_223 = arith.extui %ge3A_222 : i1 to i32
      %cond3A_224 = arith.constant 0 : i32
      %cond3A_225 = arith.cmpi ne, %convert_element_type3A_223, %cond3A_224 : i32
      scf.if %cond3A_225 {
        %dma_wait3A_343 = arith.constant 0 : i32
        %dma_wait3A_344 = arith.constant 0 : i32
        %dma_wait3A_345 = tpu.memref_slice %arg7[%dma_wait3A_343, %dma_wait3A_344] : memref<10240x128xf32, #tpu.memory_space<vmem_shared>> -> memref<10240x128xf32, #tpu.memory_space<vmem_shared>>
        tpu.wait_indirect_dma semaphore(%arg28 : memref<!tpu.dma_semaphore, #tpu.memory_space<semaphore_mem>>) src(%arg16 : memref<80x128xf32, #tpu.memory_space<vmem>>) dst(%dma_wait3A_345 : memref<10240x128xf32, #tpu.memory_space<vmem_shared>>)
      } else {
      }
      %scan3A_226 = arith.constant 0 : i32
      %scan3A_227 = arith.constant 0 : i32
      %scan3A_228 = arith.constant 5 : i32
      %scan3A_229 = arith.addi %scan3A_227, %scan3A_228 : i32
      %scan3A_230 = arith.constant 1 : i32
      scf.for %scan3A_343 = %scan3A_227 to %scan3A_229 step %scan3A_230  : i32 {
        %mul3A_344 = arith.constant 16 : i32
        %mul3A_345 = arith.muli %scan3A_343, %mul3A_344 : i32
        %get3A = arith.constant 1 : i32
        %get3A_346 = arith.index_cast %get3A : i32 to index
        %get3A_347 = arith.index_cast %mul3A_345 : i32 to index
        %get3A_348 = tpu.vector_load %arg14[%get3A_346, %get3A_347] {strides = array<i32>} : memref<2x80xi32, #tpu.memory_space<vmem>>, vector<16xi32>,
        %mul3A_349 = arith.constant 16 : i32
        %mul3A_350 = arith.muli %scan3A_343, %mul3A_349 : i32
        %swap3A = arith.index_cast %mul3A_350 : i32 to index
        %swap3A_351 = tpu.vector_load %arg15[%swap3A] {strides = array<i32>} : memref<80xi32, #tpu.memory_space<vmem>>, vector<16xi32>,
        tpu.vector_store %arg15[%swap3A], %get3A_348 {strides = array<i32>} : memref<80xi32, #tpu.memory_space<vmem>>, vector<16xi32>,
      }
      %scan3A_231 = arith.constant 5 : i32
      %dma_start3A_232 = arith.constant 0 : i32
      %dma_start3A_233 = arith.constant 0 : i32
      %dma_start3A_234 = tpu.memref_slice %arg14[%dma_start3A_232, %dma_start3A_233] : memref<2x80xi32, #tpu.memory_space<vmem>> -> memref<1x80xi32, #tpu.memory_space<vmem>>
      %dma_start3A_235 = tpu.memref_squeeze %dma_start3A_234 : memref<1x80xi32, #tpu.memory_space<vmem>> -> memref<80xi32, #tpu.memory_space<vmem>>
      %dma_start3A_236 = arith.constant 0 : i32
      %dma_start3A_237 = arith.constant 0 : i32
      %dma_start3A_238 = tpu.memref_slice %arg2[%dma_start3A_236, %dma_start3A_237] : memref<10240x128xf32, #tpu.memory_space<hbm>> -> memref<10240x128xf32, #tpu.memory_space<hbm>>
      tpu.enqueue_indirect_dma source(%dma_start3A_238 : memref<10240x128xf32, #tpu.memory_space<hbm>>) target(%arg16 : memref<80x128xf32, #tpu.memory_space<vmem>>) offsets(%dma_start3A_235 : memref<80xi32, #tpu.memory_space<vmem>>) semaphore(%arg27 : memref<!tpu.dma_semaphore, #tpu.memory_space<semaphore_mem>>)
      %add3A_239 = arith.constant 3 : i32
      %add3A_240 = arith.addi %mul3A_154, %add3A_239 : i32
      %dma_wait3A_241 = arith.constant 0 : i32
      %dma_wait3A_242 = arith.constant 0 : i32
      %dma_wait3A_243 = tpu.memref_slice %arg3[%add3A, %add3A_240, %dma_wait3A_241, %dma_wait3A_242] : memref<32x126x2x80xi32, #tpu.memory_space<hbm>> -> memref<1x1x2x80xi32, #tpu.memory_space<hbm>>
      %dma_wait3A_244 = tpu.memref_squeeze %dma_wait3A_243 : memref<1x1x2x80xi32, #tpu.memory_space<hbm>> -> memref<2x80xi32, #tpu.memory_space<hbm>>
      %dma_wait3A_245 = arith.constant 0 : i32
      %dma_wait3A_246 = arith.constant 0 : i32
      %dma_wait3A_247 = tpu.memref_slice %arg3[%add3A, %add3A_240, %dma_wait3A_245, %dma_wait3A_246] : memref<32x126x2x80xi32, #tpu.memory_space<hbm>> -> memref<1x1x2x80xi32, #tpu.memory_space<hbm>>
      %dma_wait3A_248 = tpu.memref_squeeze %dma_wait3A_247 : memref<1x1x2x80xi32, #tpu.memory_space<hbm>> -> memref<2x80xi32, #tpu.memory_space<hbm>>
      tpu.wait_dma2 semaphore(%arg29 : memref<!tpu.dma_semaphore, #tpu.memory_space<semaphore_mem>>) src(%dma_wait3A_248 : memref<2x80xi32, #tpu.memory_space<hbm>>) dst(%arg17 : memref<2x80xi32, #tpu.memory_space<vmem>>)
      %ge3A_249 = arith.constant 4 : i32
      %ge3A_250 = arith.cmpi sge, %add3A_240, %ge3A_249 : i32
      %convert_element_type3A_251 = arith.extui %ge3A_250 : i1 to i32
      %cond3A_252 = arith.constant 0 : i32
      %cond3A_253 = arith.cmpi ne, %convert_element_type3A_251, %cond3A_252 : i32
      scf.if %cond3A_253 {
        %dma_wait3A_343 = arith.constant 0 : i32
        %dma_wait3A_344 = arith.constant 0 : i32
        %dma_wait3A_345 = tpu.memref_slice %arg7[%dma_wait3A_343, %dma_wait3A_344] : memref<10240x128xf32, #tpu.memory_space<vmem_shared>> -> memref<10240x128xf32, #tpu.memory_space<vmem_shared>>
        tpu.wait_indirect_dma semaphore(%arg31 : memref<!tpu.dma_semaphore, #tpu.memory_space<semaphore_mem>>) src(%arg19 : memref<80x128xf32, #tpu.memory_space<vmem>>) dst(%dma_wait3A_345 : memref<10240x128xf32, #tpu.memory_space<vmem_shared>>)
      } else {
      }
      %scan3A_254 = arith.constant 0 : i32
      %scan3A_255 = arith.constant 0 : i32
      %scan3A_256 = arith.constant 5 : i32
      %scan3A_257 = arith.addi %scan3A_255, %scan3A_256 : i32
      %scan3A_258 = arith.constant 1 : i32
      scf.for %scan3A_343 = %scan3A_255 to %scan3A_257 step %scan3A_258  : i32 {
        %mul3A_344 = arith.constant 16 : i32
        %mul3A_345 = arith.muli %scan3A_343, %mul3A_344 : i32
        %get3A = arith.constant 1 : i32
        %get3A_346 = arith.index_cast %get3A : i32 to index
        %get3A_347 = arith.index_cast %mul3A_345 : i32 to index
        %get3A_348 = tpu.vector_load %arg17[%get3A_346, %get3A_347] {strides = array<i32>} : memref<2x80xi32, #tpu.memory_space<vmem>>, vector<16xi32>,
        %mul3A_349 = arith.constant 16 : i32
        %mul3A_350 = arith.muli %scan3A_343, %mul3A_349 : i32
        %swap3A = arith.index_cast %mul3A_350 : i32 to index
        %swap3A_351 = tpu.vector_load %arg18[%swap3A] {strides = array<i32>} : memref<80xi32, #tpu.memory_space<vmem>>, vector<16xi32>,
        tpu.vector_store %arg18[%swap3A], %get3A_348 {strides = array<i32>} : memref<80xi32, #tpu.memory_space<vmem>>, vector<16xi32>,
      }
      %scan3A_259 = arith.constant 5 : i32
      %dma_start3A_260 = arith.constant 0 : i32
      %dma_start3A_261 = arith.constant 0 : i32
      %dma_start3A_262 = tpu.memref_slice %arg17[%dma_start3A_260, %dma_start3A_261] : memref<2x80xi32, #tpu.memory_space<vmem>> -> memref<1x80xi32, #tpu.memory_space<vmem>>
      %dma_start3A_263 = tpu.memref_squeeze %dma_start3A_262 : memref<1x80xi32, #tpu.memory_space<vmem>> -> memref<80xi32, #tpu.memory_space<vmem>>
      %dma_start3A_264 = arith.constant 0 : i32
      %dma_start3A_265 = arith.constant 0 : i32
      %dma_start3A_266 = tpu.memref_slice %arg2[%dma_start3A_264, %dma_start3A_265] : memref<10240x128xf32, #tpu.memory_space<hbm>> -> memref<10240x128xf32, #tpu.memory_space<hbm>>
      tpu.enqueue_indirect_dma source(%dma_start3A_266 : memref<10240x128xf32, #tpu.memory_space<hbm>>) target(%arg19 : memref<80x128xf32, #tpu.memory_space<vmem>>) offsets(%dma_start3A_263 : memref<80xi32, #tpu.memory_space<vmem>>) semaphore(%arg30 : memref<!tpu.dma_semaphore, #tpu.memory_space<semaphore_mem>>)
      %add3A_267 = arith.constant 0 : i32
      %add3A_268 = arith.addi %mul3A_154, %add3A_267 : i32
      %dma_wait3A_269 = arith.constant 0 : i32
      %dma_wait3A_270 = arith.constant 0 : i32
      %dma_wait3A_271 = tpu.memref_slice %arg8[%dma_wait3A_269, %dma_wait3A_270] : memref<2x80xi32, #tpu.memory_space<vmem>> -> memref<1x80xi32, #tpu.memory_space<vmem>>
      %dma_wait3A_272 = tpu.memref_squeeze %dma_wait3A_271 : memref<1x80xi32, #tpu.memory_space<vmem>> -> memref<80xi32, #tpu.memory_space<vmem>>
      %dma_wait3A_273 = arith.constant 0 : i32
      %dma_wait3A_274 = arith.constant 0 : i32
      %dma_wait3A_275 = tpu.memref_slice %arg2[%dma_wait3A_273, %dma_wait3A_274] : memref<10240x128xf32, #tpu.memory_space<hbm>> -> memref<10240x128xf32, #tpu.memory_space<hbm>>
      tpu.wait_indirect_dma semaphore(%arg21 : memref<!tpu.dma_semaphore, #tpu.memory_space<semaphore_mem>>) src(%dma_wait3A_275 : memref<10240x128xf32, #tpu.memory_space<hbm>>) dst(%arg10 : memref<80x128xf32, #tpu.memory_space<vmem>>)
      %dma_start3A_276 = arith.constant 0 : i32
      %dma_start3A_277 = arith.constant 0 : i32
      %dma_start3A_278 = tpu.memref_slice %arg7[%dma_start3A_276, %dma_start3A_277] : memref<10240x128xf32, #tpu.memory_space<vmem_shared>> -> memref<10240x128xf32, #tpu.memory_space<vmem_shared>>
      tpu.enqueue_indirect_dma source(%arg10 : memref<80x128xf32, #tpu.memory_space<vmem>>) target(%dma_start3A_278 : memref<10240x128xf32, #tpu.memory_space<vmem_shared>>) offsets(%arg9 : memref<80xi32, #tpu.memory_space<vmem>>) semaphore(%arg22 : memref<!tpu.dma_semaphore, #tpu.memory_space<semaphore_mem>>) {add = true}
      %add3A_279 = arith.constant 4 : i32
      %add3A_280 = arith.addi %add3A_268, %add3A_279 : i32
      %lt3A_281 = arith.constant 126 : i32
      %lt3A_282 = arith.cmpi slt, %add3A_280, %lt3A_281 : i32
      %convert_element_type3A_283 = arith.extui %lt3A_282 : i1 to i32
      %cond3A_284 = arith.constant 0 : i32
      %cond3A_285 = arith.cmpi ne, %convert_element_type3A_283, %cond3A_284 : i32
      scf.if %cond3A_285 {
        %add3A_343 = arith.constant 4 : i32
        %add3A_344 = arith.addi %add3A_268, %add3A_343 : i32
        %dma_start3A_345 = arith.constant 0 : i32
        %dma_start3A_346 = arith.constant 0 : i32
        %dma_start3A_347 = tpu.memref_slice %arg3[%add3A, %add3A_344, %dma_start3A_345, %dma_start3A_346] : memref<32x126x2x80xi32, #tpu.memory_space<hbm>> -> memref<1x1x2x80xi32, #tpu.memory_space<hbm>>
        %dma_start3A_348 = tpu.memref_squeeze %dma_start3A_347 : memref<1x1x2x80xi32, #tpu.memory_space<hbm>> -> memref<2x80xi32, #tpu.memory_space<hbm>>
        %dma_start3A_349 = arith.constant 0 : i32
        %dma_start3A_350 = arith.constant 0 : i32
        %dma_start3A_351 = tpu.memref_slice %arg3[%add3A, %add3A_344, %dma_start3A_349, %dma_start3A_350] : memref<32x126x2x80xi32, #tpu.memory_space<hbm>> -> memref<1x1x2x80xi32, #tpu.memory_space<hbm>>
        %dma_start3A_352 = tpu.memref_squeeze %dma_start3A_351 : memref<1x1x2x80xi32, #tpu.memory_space<hbm>> -> memref<2x80xi32, #tpu.memory_space<hbm>>
        tpu.enqueue_dma source(%dma_start3A_352 : memref<2x80xi32, #tpu.memory_space<hbm>>) target(%arg8 : memref<2x80xi32, #tpu.memory_space<vmem>>) target_semaphore(%arg20 : memref<!tpu.dma_semaphore, #tpu.memory_space<semaphore_mem>>)
      } else {
      }
      %add3A_286 = arith.constant 1 : i32
      %add3A_287 = arith.addi %mul3A_154, %add3A_286 : i32
      %dma_wait3A_288 = arith.constant 0 : i32
      %dma_wait3A_289 = arith.constant 0 : i32
      %dma_wait3A_290 = tpu.memref_slice %arg11[%dma_wait3A_288, %dma_wait3A_289] : memref<2x80xi32, #tpu.memory_space<vmem>> -> memref<1x80xi32, #tpu.memory_space<vmem>>
      %dma_wait3A_291 = tpu.memref_squeeze %dma_wait3A_290 : memref<1x80xi32, #tpu.memory_space<vmem>> -> memref<80xi32, #tpu.memory_space<vmem>>
      %dma_wait3A_292 = arith.constant 0 : i32
      %dma_wait3A_293 = arith.constant 0 : i32
      %dma_wait3A_294 = tpu.memref_slice %arg2[%dma_wait3A_292, %dma_wait3A_293] : memref<10240x128xf32, #tpu.memory_space<hbm>> -> memref<10240x128xf32, #tpu.memory_space<hbm>>
      tpu.wait_indirect_dma semaphore(%arg24 : memref<!tpu.dma_semaphore, #tpu.memory_space<semaphore_mem>>) src(%dma_wait3A_294 : memref<10240x128xf32, #tpu.memory_space<hbm>>) dst(%arg13 : memref<80x128xf32, #tpu.memory_space<vmem>>)
      %dma_start3A_295 = arith.constant 0 : i32
      %dma_start3A_296 = arith.constant 0 : i32
      %dma_start3A_297 = tpu.memref_slice %arg7[%dma_start3A_295, %dma_start3A_296] : memref<10240x128xf32, #tpu.memory_space<vmem_shared>> -> memref<10240x128xf32, #tpu.memory_space<vmem_shared>>
      tpu.enqueue_indirect_dma source(%arg13 : memref<80x128xf32, #tpu.memory_space<vmem>>) target(%dma_start3A_297 : memref<10240x128xf32, #tpu.memory_space<vmem_shared>>) offsets(%arg12 : memref<80xi32, #tpu.memory_space<vmem>>) semaphore(%arg25 : memref<!tpu.dma_semaphore, #tpu.memory_space<semaphore_mem>>) {add = true}
      %add3A_298 = arith.constant 4 : i32
      %add3A_299 = arith.addi %add3A_287, %add3A_298 : i32
      %lt3A_300 = arith.constant 126 : i32
      %lt3A_301 = arith.cmpi slt, %add3A_299, %lt3A_300 : i32
      %convert_element_type3A_302 = arith.extui %lt3A_301 : i1 to i32
      %cond3A_303 = arith.constant 0 : i32
      %cond3A_304 = arith.cmpi ne, %convert_element_type3A_302, %cond3A_303 : i32
      scf.if %cond3A_304 {
        %add3A_343 = arith.constant 4 : i32
        %add3A_344 = arith.addi %add3A_287, %add3A_343 : i32
        %dma_start3A_345 = arith.constant 0 : i32
        %dma_start3A_346 = arith.constant 0 : i32
        %dma_start3A_347 = tpu.memref_slice %arg3[%add3A, %add3A_344, %dma_start3A_345, %dma_start3A_346] : memref<32x126x2x80xi32, #tpu.memory_space<hbm>> -> memref<1x1x2x80xi32, #tpu.memory_space<hbm>>
        %dma_start3A_348 = tpu.memref_squeeze %dma_start3A_347 : memref<1x1x2x80xi32, #tpu.memory_space<hbm>> -> memref<2x80xi32, #tpu.memory_space<hbm>>
        %dma_start3A_349 = arith.constant 0 : i32
        %dma_start3A_350 = arith.constant 0 : i32
        %dma_start3A_351 = tpu.memref_slice %arg3[%add3A, %add3A_344, %dma_start3A_349, %dma_start3A_350] : memref<32x126x2x80xi32, #tpu.memory_space<hbm>> -> memref<1x1x2x80xi32, #tpu.memory_space<hbm>>
        %dma_start3A_352 = tpu.memref_squeeze %dma_start3A_351 : memref<1x1x2x80xi32, #tpu.memory_space<hbm>> -> memref<2x80xi32, #tpu.memory_space<hbm>>
        tpu.enqueue_dma source(%dma_start3A_352 : memref<2x80xi32, #tpu.memory_space<hbm>>) target(%arg11 : memref<2x80xi32, #tpu.memory_space<vmem>>) target_semaphore(%arg23 : memref<!tpu.dma_semaphore, #tpu.memory_space<semaphore_mem>>)
      } else {
      }
      %add3A_305 = arith.constant 2 : i32
      %add3A_306 = arith.addi %mul3A_154, %add3A_305 : i32
      %dma_wait3A_307 = arith.constant 0 : i32
      %dma_wait3A_308 = arith.constant 0 : i32
      %dma_wait3A_309 = tpu.memref_slice %arg14[%dma_wait3A_307, %dma_wait3A_308] : memref<2x80xi32, #tpu.memory_space<vmem>> -> memref<1x80xi32, #tpu.memory_space<vmem>>
      %dma_wait3A_310 = tpu.memref_squeeze %dma_wait3A_309 : memref<1x80xi32, #tpu.memory_space<vmem>> -> memref<80xi32, #tpu.memory_space<vmem>>
      %dma_wait3A_311 = arith.constant 0 : i32
      %dma_wait3A_312 = arith.constant 0 : i32
      %dma_wait3A_313 = tpu.memref_slice %arg2[%dma_wait3A_311, %dma_wait3A_312] : memref<10240x128xf32, #tpu.memory_space<hbm>> -> memref<10240x128xf32, #tpu.memory_space<hbm>>
      tpu.wait_indirect_dma semaphore(%arg27 : memref<!tpu.dma_semaphore, #tpu.memory_space<semaphore_mem>>) src(%dma_wait3A_313 : memref<10240x128xf32, #tpu.memory_space<hbm>>) dst(%arg16 : memref<80x128xf32, #tpu.memory_space<vmem>>)
      %dma_start3A_314 = arith.constant 0 : i32
      %dma_start3A_315 = arith.constant 0 : i32
      %dma_start3A_316 = tpu.memref_slice %arg7[%dma_start3A_314, %dma_start3A_315] : memref<10240x128xf32, #tpu.memory_space<vmem_shared>> -> memref<10240x128xf32, #tpu.memory_space<vmem_shared>>
      tpu.enqueue_indirect_dma source(%arg16 : memref<80x128xf32, #tpu.memory_space<vmem>>) target(%dma_start3A_316 : memref<10240x128xf32, #tpu.memory_space<vmem_shared>>) offsets(%arg15 : memref<80xi32, #tpu.memory_space<vmem>>) semaphore(%arg28 : memref<!tpu.dma_semaphore, #tpu.memory_space<semaphore_mem>>) {add = true}
      %add3A_317 = arith.constant 4 : i32
      %add3A_318 = arith.addi %add3A_306, %add3A_317 : i32
      %lt3A_319 = arith.constant 126 : i32
      %lt3A_320 = arith.cmpi slt, %add3A_318, %lt3A_319 : i32
      %convert_element_type3A_321 = arith.extui %lt3A_320 : i1 to i32
      %cond3A_322 = arith.constant 0 : i32
      %cond3A_323 = arith.cmpi ne, %convert_element_type3A_321, %cond3A_322 : i32
      scf.if %cond3A_323 {
        %add3A_343 = arith.constant 4 : i32
        %add3A_344 = arith.addi %add3A_306, %add3A_343 : i32
        %dma_start3A_345 = arith.constant 0 : i32
        %dma_start3A_346 = arith.constant 0 : i32
        %dma_start3A_347 = tpu.memref_slice %arg3[%add3A, %add3A_344, %dma_start3A_345, %dma_start3A_346] : memref<32x126x2x80xi32, #tpu.memory_space<hbm>> -> memref<1x1x2x80xi32, #tpu.memory_space<hbm>>
        %dma_start3A_348 = tpu.memref_squeeze %dma_start3A_347 : memref<1x1x2x80xi32, #tpu.memory_space<hbm>> -> memref<2x80xi32, #tpu.memory_space<hbm>>
        %dma_start3A_349 = arith.constant 0 : i32
        %dma_start3A_350 = arith.constant 0 : i32
        %dma_start3A_351 = tpu.memref_slice %arg3[%add3A, %add3A_344, %dma_start3A_349, %dma_start3A_350] : memref<32x126x2x80xi32, #tpu.memory_space<hbm>> -> memref<1x1x2x80xi32, #tpu.memory_space<hbm>>
        %dma_start3A_352 = tpu.memref_squeeze %dma_start3A_351 : memref<1x1x2x80xi32, #tpu.memory_space<hbm>> -> memref<2x80xi32, #tpu.memory_space<hbm>>
        tpu.enqueue_dma source(%dma_start3A_352 : memref<2x80xi32, #tpu.memory_space<hbm>>) target(%arg14 : memref<2x80xi32, #tpu.memory_space<vmem>>) target_semaphore(%arg26 : memref<!tpu.dma_semaphore, #tpu.memory_space<semaphore_mem>>)
      } else {
      }
      %add3A_324 = arith.constant 3 : i32
      %add3A_325 = arith.addi %mul3A_154, %add3A_324 : i32
      %dma_wait3A_326 = arith.constant 0 : i32
      %dma_wait3A_327 = arith.constant 0 : i32
      %dma_wait3A_328 = tpu.memref_slice %arg17[%dma_wait3A_326, %dma_wait3A_327] : memref<2x80xi32, #tpu.memory_space<vmem>> -> memref<1x80xi32, #tpu.memory_space<vmem>>
      %dma_wait3A_329 = tpu.memref_squeeze %dma_wait3A_328 : memref<1x80xi32, #tpu.memory_space<vmem>> -> memref<80xi32, #tpu.memory_space<vmem>>
      %dma_wait3A_330 = arith.constant 0 : i32
      %dma_wait3A_331 = arith.constant 0 : i32
      %dma_wait3A_332 = tpu.memref_slice %arg2[%dma_wait3A_330, %dma_wait3A_331] : memref<10240x128xf32, #tpu.memory_space<hbm>> -> memref<10240x128xf32, #tpu.memory_space<hbm>>
      tpu.wait_indirect_dma semaphore(%arg30 : memref<!tpu.dma_semaphore, #tpu.memory_space<semaphore_mem>>) src(%dma_wait3A_332 : memref<10240x128xf32, #tpu.memory_space<hbm>>) dst(%arg19 : memref<80x128xf32, #tpu.memory_space<vmem>>)
      %dma_start3A_333 = arith.constant 0 : i32
      %dma_start3A_334 = arith.constant 0 : i32
      %dma_start3A_335 = tpu.memref_slice %arg7[%dma_start3A_333, %dma_start3A_334] : memref<10240x128xf32, #tpu.memory_space<vmem_shared>> -> memref<10240x128xf32, #tpu.memory_space<vmem_shared>>
      tpu.enqueue_indirect_dma source(%arg19 : memref<80x128xf32, #tpu.memory_space<vmem>>) target(%dma_start3A_335 : memref<10240x128xf32, #tpu.memory_space<vmem_shared>>) offsets(%arg18 : memref<80xi32, #tpu.memory_space<vmem>>) semaphore(%arg31 : memref<!tpu.dma_semaphore, #tpu.memory_space<semaphore_mem>>) {add = true}
      %add3A_336 = arith.constant 4 : i32
      %add3A_337 = arith.addi %add3A_325, %add3A_336 : i32
      %lt3A_338 = arith.constant 126 : i32
      %lt3A_339 = arith.cmpi slt, %add3A_337, %lt3A_338 : i32
      %convert_element_type3A_340 = arith.extui %lt3A_339 : i1 to i32
      %cond3A_341 = arith.constant 0 : i32
      %cond3A_342 = arith.cmpi ne, %convert_element_type3A_340, %cond3A_341 : i32
      scf.if %cond3A_342 {
        %add3A_343 = arith.constant 4 : i32
        %add3A_344 = arith.addi %add3A_325, %add3A_343 : i32
        %dma_start3A_345 = arith.constant 0 : i32
        %dma_start3A_346 = arith.constant 0 : i32
        %dma_start3A_347 = tpu.memref_slice %arg3[%add3A, %add3A_344, %dma_start3A_345, %dma_start3A_346] : memref<32x126x2x80xi32, #tpu.memory_space<hbm>> -> memref<1x1x2x80xi32, #tpu.memory_space<hbm>>
        %dma_start3A_348 = tpu.memref_squeeze %dma_start3A_347 : memref<1x1x2x80xi32, #tpu.memory_space<hbm>> -> memref<2x80xi32, #tpu.memory_space<hbm>>
        %dma_start3A_349 = arith.constant 0 : i32
        %dma_start3A_350 = arith.constant 0 : i32
        %dma_start3A_351 = tpu.memref_slice %arg3[%add3A, %add3A_344, %dma_start3A_349, %dma_start3A_350] : memref<32x126x2x80xi32, #tpu.memory_space<hbm>> -> memref<1x1x2x80xi32, #tpu.memory_space<hbm>>
        %dma_start3A_352 = tpu.memref_squeeze %dma_start3A_351 : memref<1x1x2x80xi32, #tpu.memory_space<hbm>> -> memref<2x80xi32, #tpu.memory_space<hbm>>
        tpu.enqueue_dma source(%dma_start3A_352 : memref<2x80xi32, #tpu.memory_space<hbm>>) target(%arg17 : memref<2x80xi32, #tpu.memory_space<vmem>>) target_semaphore(%arg29 : memref<!tpu.dma_semaphore, #tpu.memory_space<semaphore_mem>>)
      } else {
      }
    }
    %scan3A_45 = arith.constant 31 : i32
    %dma_wait3A = arith.constant 124 : i32
    %dma_wait3A_46 = arith.constant 0 : i32
    %dma_wait3A_47 = arith.constant 0 : i32
    %dma_wait3A_48 = tpu.memref_slice %arg3[%add3A, %dma_wait3A, %dma_wait3A_46, %dma_wait3A_47] : memref<32x126x2x80xi32, #tpu.memory_space<hbm>> -> memref<1x1x2x80xi32, #tpu.memory_space<hbm>>
    %dma_wait3A_49 = tpu.memref_squeeze %dma_wait3A_48 : memref<1x1x2x80xi32, #tpu.memory_space<hbm>> -> memref<2x80xi32, #tpu.memory_space<hbm>>
    %dma_wait3A_50 = arith.constant 0 : i32
    %dma_wait3A_51 = arith.constant 0 : i32
    %dma_wait3A_52 = tpu.memref_slice %arg3[%add3A, %dma_wait3A, %dma_wait3A_50, %dma_wait3A_51] : memref<32x126x2x80xi32, #tpu.memory_space<hbm>> -> memref<1x1x2x80xi32, #tpu.memory_space<hbm>>
    %dma_wait3A_53 = tpu.memref_squeeze %dma_wait3A_52 : memref<1x1x2x80xi32, #tpu.memory_space<hbm>> -> memref<2x80xi32, #tpu.memory_space<hbm>>
    tpu.wait_dma2 semaphore(%arg20 : memref<!tpu.dma_semaphore, #tpu.memory_space<semaphore_mem>>) src(%dma_wait3A_53 : memref<2x80xi32, #tpu.memory_space<hbm>>) dst(%arg8 : memref<2x80xi32, #tpu.memory_space<vmem>>)
    %ge3A = arith.constant 124 : i32
    %ge3A_54 = arith.constant 4 : i32
    %ge3A_55 = arith.cmpi sge, %ge3A, %ge3A_54 : i32
    %convert_element_type3A = arith.extui %ge3A_55 : i1 to i32
    %cond3A = arith.constant 0 : i32
    %cond3A_56 = arith.cmpi ne, %convert_element_type3A, %cond3A : i32
    scf.if %cond3A_56 {
      %dma_wait3A_152 = arith.constant 0 : i32
      %dma_wait3A_153 = arith.constant 0 : i32
      %dma_wait3A_154 = tpu.memref_slice %arg7[%dma_wait3A_152, %dma_wait3A_153] : memref<10240x128xf32, #tpu.memory_space<vmem_shared>> -> memref<10240x128xf32, #tpu.memory_space<vmem_shared>>
      tpu.wait_indirect_dma semaphore(%arg22 : memref<!tpu.dma_semaphore, #tpu.memory_space<semaphore_mem>>) src(%arg10 : memref<80x128xf32, #tpu.memory_space<vmem>>) dst(%dma_wait3A_154 : memref<10240x128xf32, #tpu.memory_space<vmem_shared>>)
    } else {
    }
    %scan3A_57 = arith.constant 0 : i32
    %scan3A_58 = arith.constant 0 : i32
    %scan3A_59 = arith.constant 5 : i32
    %scan3A_60 = arith.addi %scan3A_58, %scan3A_59 : i32
    %scan3A_61 = arith.constant 1 : i32
    scf.for %scan3A_152 = %scan3A_58 to %scan3A_60 step %scan3A_61  : i32 {
      %mul3A_153 = arith.constant 16 : i32
      %mul3A_154 = arith.muli %scan3A_152, %mul3A_153 : i32
      %get3A = arith.constant 1 : i32
      %get3A_155 = arith.index_cast %get3A : i32 to index
      %get3A_156 = arith.index_cast %mul3A_154 : i32 to index
      %get3A_157 = tpu.vector_load %arg8[%get3A_155, %get3A_156] {strides = array<i32>} : memref<2x80xi32, #tpu.memory_space<vmem>>, vector<16xi32>,
      %mul3A_158 = arith.constant 16 : i32
      %mul3A_159 = arith.muli %scan3A_152, %mul3A_158 : i32
      %swap3A = arith.index_cast %mul3A_159 : i32 to index
      %swap3A_160 = tpu.vector_load %arg9[%swap3A] {strides = array<i32>} : memref<80xi32, #tpu.memory_space<vmem>>, vector<16xi32>,
      tpu.vector_store %arg9[%swap3A], %get3A_157 {strides = array<i32>} : memref<80xi32, #tpu.memory_space<vmem>>, vector<16xi32>,
    }
    %scan3A_62 = arith.constant 5 : i32
    %dma_start3A_63 = arith.constant 0 : i32
    %dma_start3A_64 = arith.constant 0 : i32
    %dma_start3A_65 = tpu.memref_slice %arg8[%dma_start3A_63, %dma_start3A_64] : memref<2x80xi32, #tpu.memory_space<vmem>> -> memref<1x80xi32, #tpu.memory_space<vmem>>
    %dma_start3A_66 = tpu.memref_squeeze %dma_start3A_65 : memref<1x80xi32, #tpu.memory_space<vmem>> -> memref<80xi32, #tpu.memory_space<vmem>>
    %dma_start3A_67 = arith.constant 0 : i32
    %dma_start3A_68 = arith.constant 0 : i32
    %dma_start3A_69 = tpu.memref_slice %arg2[%dma_start3A_67, %dma_start3A_68] : memref<10240x128xf32, #tpu.memory_space<hbm>> -> memref<10240x128xf32, #tpu.memory_space<hbm>>
    tpu.enqueue_indirect_dma source(%dma_start3A_69 : memref<10240x128xf32, #tpu.memory_space<hbm>>) target(%arg10 : memref<80x128xf32, #tpu.memory_space<vmem>>) offsets(%dma_start3A_66 : memref<80xi32, #tpu.memory_space<vmem>>) semaphore(%arg21 : memref<!tpu.dma_semaphore, #tpu.memory_space<semaphore_mem>>)
    %dma_wait3A_70 = arith.constant 0 : i32
    %dma_wait3A_71 = arith.constant 0 : i32
    %dma_wait3A_72 = tpu.memref_slice %arg8[%dma_wait3A_70, %dma_wait3A_71] : memref<2x80xi32, #tpu.memory_space<vmem>> -> memref<1x80xi32, #tpu.memory_space<vmem>>
    %dma_wait3A_73 = tpu.memref_squeeze %dma_wait3A_72 : memref<1x80xi32, #tpu.memory_space<vmem>> -> memref<80xi32, #tpu.memory_space<vmem>>
    %dma_wait3A_74 = arith.constant 0 : i32
    %dma_wait3A_75 = arith.constant 0 : i32
    %dma_wait3A_76 = tpu.memref_slice %arg2[%dma_wait3A_74, %dma_wait3A_75] : memref<10240x128xf32, #tpu.memory_space<hbm>> -> memref<10240x128xf32, #tpu.memory_space<hbm>>
    tpu.wait_indirect_dma semaphore(%arg21 : memref<!tpu.dma_semaphore, #tpu.memory_space<semaphore_mem>>) src(%dma_wait3A_76 : memref<10240x128xf32, #tpu.memory_space<hbm>>) dst(%arg10 : memref<80x128xf32, #tpu.memory_space<vmem>>)
    %dma_start3A_77 = arith.constant 0 : i32
    %dma_start3A_78 = arith.constant 0 : i32
    %dma_start3A_79 = tpu.memref_slice %arg7[%dma_start3A_77, %dma_start3A_78] : memref<10240x128xf32, #tpu.memory_space<vmem_shared>> -> memref<10240x128xf32, #tpu.memory_space<vmem_shared>>
    tpu.enqueue_indirect_dma source(%arg10 : memref<80x128xf32, #tpu.memory_space<vmem>>) target(%dma_start3A_79 : memref<10240x128xf32, #tpu.memory_space<vmem_shared>>) offsets(%arg9 : memref<80xi32, #tpu.memory_space<vmem>>) semaphore(%arg22 : memref<!tpu.dma_semaphore, #tpu.memory_space<semaphore_mem>>) {add = true}
    %add3A_80 = arith.constant 124 : i32
    %add3A_81 = arith.constant 4 : i32
    %add3A_82 = arith.addi %add3A_80, %add3A_81 : i32
    %lt3A = arith.constant 126 : i32
    %lt3A_83 = arith.cmpi slt, %add3A_82, %lt3A : i32
    %convert_element_type3A_84 = arith.extui %lt3A_83 : i1 to i32
    %cond3A_85 = arith.constant 124 : i32
    %cond3A_86 = arith.constant 0 : i32
    %cond3A_87 = arith.cmpi ne, %convert_element_type3A_84, %cond3A_86 : i32
    scf.if %cond3A_87 {
      %add3A_152 = arith.constant 4 : i32
      %add3A_153 = arith.addi %cond3A_85, %add3A_152 : i32
      %dma_start3A_154 = arith.constant 0 : i32
      %dma_start3A_155 = arith.constant 0 : i32
      %dma_start3A_156 = tpu.memref_slice %arg3[%add3A, %add3A_153, %dma_start3A_154, %dma_start3A_155] : memref<32x126x2x80xi32, #tpu.memory_space<hbm>> -> memref<1x1x2x80xi32, #tpu.memory_space<hbm>>
      %dma_start3A_157 = tpu.memref_squeeze %dma_start3A_156 : memref<1x1x2x80xi32, #tpu.memory_space<hbm>> -> memref<2x80xi32, #tpu.memory_space<hbm>>
      %dma_start3A_158 = arith.constant 0 : i32
      %dma_start3A_159 = arith.constant 0 : i32
      %dma_start3A_160 = tpu.memref_slice %arg3[%add3A, %add3A_153, %dma_start3A_158, %dma_start3A_159] : memref<32x126x2x80xi32, #tpu.memory_space<hbm>> -> memref<1x1x2x80xi32, #tpu.memory_space<hbm>>
      %dma_start3A_161 = tpu.memref_squeeze %dma_start3A_160 : memref<1x1x2x80xi32, #tpu.memory_space<hbm>> -> memref<2x80xi32, #tpu.memory_space<hbm>>
      tpu.enqueue_dma source(%dma_start3A_161 : memref<2x80xi32, #tpu.memory_space<hbm>>) target(%arg8 : memref<2x80xi32, #tpu.memory_space<vmem>>) target_semaphore(%arg20 : memref<!tpu.dma_semaphore, #tpu.memory_space<semaphore_mem>>)
    } else {
    }
    %dma_wait3A_88 = arith.constant 125 : i32
    %dma_wait3A_89 = arith.constant 0 : i32
    %dma_wait3A_90 = arith.constant 0 : i32
    %dma_wait3A_91 = tpu.memref_slice %arg3[%add3A, %dma_wait3A_88, %dma_wait3A_89, %dma_wait3A_90] : memref<32x126x2x80xi32, #tpu.memory_space<hbm>> -> memref<1x1x2x80xi32, #tpu.memory_space<hbm>>
    %dma_wait3A_92 = tpu.memref_squeeze %dma_wait3A_91 : memref<1x1x2x80xi32, #tpu.memory_space<hbm>> -> memref<2x80xi32, #tpu.memory_space<hbm>>
    %dma_wait3A_93 = arith.constant 0 : i32
    %dma_wait3A_94 = arith.constant 0 : i32
    %dma_wait3A_95 = tpu.memref_slice %arg3[%add3A, %dma_wait3A_88, %dma_wait3A_93, %dma_wait3A_94] : memref<32x126x2x80xi32, #tpu.memory_space<hbm>> -> memref<1x1x2x80xi32, #tpu.memory_space<hbm>>
    %dma_wait3A_96 = tpu.memref_squeeze %dma_wait3A_95 : memref<1x1x2x80xi32, #tpu.memory_space<hbm>> -> memref<2x80xi32, #tpu.memory_space<hbm>>
    tpu.wait_dma2 semaphore(%arg23 : memref<!tpu.dma_semaphore, #tpu.memory_space<semaphore_mem>>) src(%dma_wait3A_96 : memref<2x80xi32, #tpu.memory_space<hbm>>) dst(%arg11 : memref<2x80xi32, #tpu.memory_space<vmem>>)
    %ge3A_97 = arith.constant 125 : i32
    %ge3A_98 = arith.constant 4 : i32
    %ge3A_99 = arith.cmpi sge, %ge3A_97, %ge3A_98 : i32
    %convert_element_type3A_100 = arith.extui %ge3A_99 : i1 to i32
    %cond3A_101 = arith.constant 0 : i32
    %cond3A_102 = arith.cmpi ne, %convert_element_type3A_100, %cond3A_101 : i32
    scf.if %cond3A_102 {
      %dma_wait3A_152 = arith.constant 0 : i32
      %dma_wait3A_153 = arith.constant 0 : i32
      %dma_wait3A_154 = tpu.memref_slice %arg7[%dma_wait3A_152, %dma_wait3A_153] : memref<10240x128xf32, #tpu.memory_space<vmem_shared>> -> memref<10240x128xf32, #tpu.memory_space<vmem_shared>>
      tpu.wait_indirect_dma semaphore(%arg25 : memref<!tpu.dma_semaphore, #tpu.memory_space<semaphore_mem>>) src(%arg13 : memref<80x128xf32, #tpu.memory_space<vmem>>) dst(%dma_wait3A_154 : memref<10240x128xf32, #tpu.memory_space<vmem_shared>>)
    } else {
    }
    %scan3A_103 = arith.constant 0 : i32
    %scan3A_104 = arith.constant 0 : i32
    %scan3A_105 = arith.constant 5 : i32
    %scan3A_106 = arith.addi %scan3A_104, %scan3A_105 : i32
    %scan3A_107 = arith.constant 1 : i32
    scf.for %scan3A_152 = %scan3A_104 to %scan3A_106 step %scan3A_107  : i32 {
      %mul3A_153 = arith.constant 16 : i32
      %mul3A_154 = arith.muli %scan3A_152, %mul3A_153 : i32
      %get3A = arith.constant 1 : i32
      %get3A_155 = arith.index_cast %get3A : i32 to index
      %get3A_156 = arith.index_cast %mul3A_154 : i32 to index
      %get3A_157 = tpu.vector_load %arg11[%get3A_155, %get3A_156] {strides = array<i32>} : memref<2x80xi32, #tpu.memory_space<vmem>>, vector<16xi32>,
      %mul3A_158 = arith.constant 16 : i32
      %mul3A_159 = arith.muli %scan3A_152, %mul3A_158 : i32
      %swap3A = arith.index_cast %mul3A_159 : i32 to index
      %swap3A_160 = tpu.vector_load %arg12[%swap3A] {strides = array<i32>} : memref<80xi32, #tpu.memory_space<vmem>>, vector<16xi32>,
      tpu.vector_store %arg12[%swap3A], %get3A_157 {strides = array<i32>} : memref<80xi32, #tpu.memory_space<vmem>>, vector<16xi32>,
    }
    %scan3A_108 = arith.constant 5 : i32
    %dma_start3A_109 = arith.constant 0 : i32
    %dma_start3A_110 = arith.constant 0 : i32
    %dma_start3A_111 = tpu.memref_slice %arg11[%dma_start3A_109, %dma_start3A_110] : memref<2x80xi32, #tpu.memory_space<vmem>> -> memref<1x80xi32, #tpu.memory_space<vmem>>
    %dma_start3A_112 = tpu.memref_squeeze %dma_start3A_111 : memref<1x80xi32, #tpu.memory_space<vmem>> -> memref<80xi32, #tpu.memory_space<vmem>>
    %dma_start3A_113 = arith.constant 0 : i32
    %dma_start3A_114 = arith.constant 0 : i32
    %dma_start3A_115 = tpu.memref_slice %arg2[%dma_start3A_113, %dma_start3A_114] : memref<10240x128xf32, #tpu.memory_space<hbm>> -> memref<10240x128xf32, #tpu.memory_space<hbm>>
    tpu.enqueue_indirect_dma source(%dma_start3A_115 : memref<10240x128xf32, #tpu.memory_space<hbm>>) target(%arg13 : memref<80x128xf32, #tpu.memory_space<vmem>>) offsets(%dma_start3A_112 : memref<80xi32, #tpu.memory_space<vmem>>) semaphore(%arg24 : memref<!tpu.dma_semaphore, #tpu.memory_space<semaphore_mem>>)
    %dma_wait3A_116 = arith.constant 0 : i32
    %dma_wait3A_117 = arith.constant 0 : i32
    %dma_wait3A_118 = tpu.memref_slice %arg11[%dma_wait3A_116, %dma_wait3A_117] : memref<2x80xi32, #tpu.memory_space<vmem>> -> memref<1x80xi32, #tpu.memory_space<vmem>>
    %dma_wait3A_119 = tpu.memref_squeeze %dma_wait3A_118 : memref<1x80xi32, #tpu.memory_space<vmem>> -> memref<80xi32, #tpu.memory_space<vmem>>
    %dma_wait3A_120 = arith.constant 0 : i32
    %dma_wait3A_121 = arith.constant 0 : i32
    %dma_wait3A_122 = tpu.memref_slice %arg2[%dma_wait3A_120, %dma_wait3A_121] : memref<10240x128xf32, #tpu.memory_space<hbm>> -> memref<10240x128xf32, #tpu.memory_space<hbm>>
    tpu.wait_indirect_dma semaphore(%arg24 : memref<!tpu.dma_semaphore, #tpu.memory_space<semaphore_mem>>) src(%dma_wait3A_122 : memref<10240x128xf32, #tpu.memory_space<hbm>>) dst(%arg13 : memref<80x128xf32, #tpu.memory_space<vmem>>)
    %dma_start3A_123 = arith.constant 0 : i32
    %dma_start3A_124 = arith.constant 0 : i32
    %dma_start3A_125 = tpu.memref_slice %arg7[%dma_start3A_123, %dma_start3A_124] : memref<10240x128xf32, #tpu.memory_space<vmem_shared>> -> memref<10240x128xf32, #tpu.memory_space<vmem_shared>>
    tpu.enqueue_indirect_dma source(%arg13 : memref<80x128xf32, #tpu.memory_space<vmem>>) target(%dma_start3A_125 : memref<10240x128xf32, #tpu.memory_space<vmem_shared>>) offsets(%arg12 : memref<80xi32, #tpu.memory_space<vmem>>) semaphore(%arg25 : memref<!tpu.dma_semaphore, #tpu.memory_space<semaphore_mem>>) {add = true}
    %add3A_126 = arith.constant 125 : i32
    %add3A_127 = arith.constant 4 : i32
    %add3A_128 = arith.addi %add3A_126, %add3A_127 : i32
    %lt3A_129 = arith.constant 126 : i32
    %lt3A_130 = arith.cmpi slt, %add3A_128, %lt3A_129 : i32
    %convert_element_type3A_131 = arith.extui %lt3A_130 : i1 to i32
    %cond3A_132 = arith.constant 125 : i32
    %cond3A_133 = arith.constant 0 : i32
    %cond3A_134 = arith.cmpi ne, %convert_element_type3A_131, %cond3A_133 : i32
    scf.if %cond3A_134 {
      %add3A_152 = arith.constant 4 : i32
      %add3A_153 = arith.addi %cond3A_132, %add3A_152 : i32
      %dma_start3A_154 = arith.constant 0 : i32
      %dma_start3A_155 = arith.constant 0 : i32
      %dma_start3A_156 = tpu.memref_slice %arg3[%add3A, %add3A_153, %dma_start3A_154, %dma_start3A_155] : memref<32x126x2x80xi32, #tpu.memory_space<hbm>> -> memref<1x1x2x80xi32, #tpu.memory_space<hbm>>
      %dma_start3A_157 = tpu.memref_squeeze %dma_start3A_156 : memref<1x1x2x80xi32, #tpu.memory_space<hbm>> -> memref<2x80xi32, #tpu.memory_space<hbm>>
      %dma_start3A_158 = arith.constant 0 : i32
      %dma_start3A_159 = arith.constant 0 : i32
      %dma_start3A_160 = tpu.memref_slice %arg3[%add3A, %add3A_153, %dma_start3A_158, %dma_start3A_159] : memref<32x126x2x80xi32, #tpu.memory_space<hbm>> -> memref<1x1x2x80xi32, #tpu.memory_space<hbm>>
      %dma_start3A_161 = tpu.memref_squeeze %dma_start3A_160 : memref<1x1x2x80xi32, #tpu.memory_space<hbm>> -> memref<2x80xi32, #tpu.memory_space<hbm>>
      tpu.enqueue_dma source(%dma_start3A_161 : memref<2x80xi32, #tpu.memory_space<hbm>>) target(%arg11 : memref<2x80xi32, #tpu.memory_space<vmem>>) target_semaphore(%arg23 : memref<!tpu.dma_semaphore, #tpu.memory_space<semaphore_mem>>)
    } else {
    }
    %dma_wait3A_135 = arith.constant 0 : i32
    %dma_wait3A_136 = arith.constant 0 : i32
    %dma_wait3A_137 = tpu.memref_slice %arg7[%dma_wait3A_135, %dma_wait3A_136] : memref<10240x128xf32, #tpu.memory_space<vmem_shared>> -> memref<10240x128xf32, #tpu.memory_space<vmem_shared>>
    tpu.wait_indirect_dma semaphore(%arg22 : memref<!tpu.dma_semaphore, #tpu.memory_space<semaphore_mem>>) src(%arg10 : memref<80x128xf32, #tpu.memory_space<vmem>>) dst(%dma_wait3A_137 : memref<10240x128xf32, #tpu.memory_space<vmem_shared>>)
    %dma_wait3A_138 = arith.constant 0 : i32
    %dma_wait3A_139 = arith.constant 0 : i32
    %dma_wait3A_140 = tpu.memref_slice %arg7[%dma_wait3A_138, %dma_wait3A_139] : memref<10240x128xf32, #tpu.memory_space<vmem_shared>> -> memref<10240x128xf32, #tpu.memory_space<vmem_shared>>
    tpu.wait_indirect_dma semaphore(%arg25 : memref<!tpu.dma_semaphore, #tpu.memory_space<semaphore_mem>>) src(%arg13 : memref<80x128xf32, #tpu.memory_space<vmem>>) dst(%dma_wait3A_140 : memref<10240x128xf32, #tpu.memory_space<vmem_shared>>)
    %dma_wait3A_141 = arith.constant 0 : i32
    %dma_wait3A_142 = arith.constant 0 : i32
    %dma_wait3A_143 = tpu.memref_slice %arg7[%dma_wait3A_141, %dma_wait3A_142] : memref<10240x128xf32, #tpu.memory_space<vmem_shared>> -> memref<10240x128xf32, #tpu.memory_space<vmem_shared>>
    tpu.wait_indirect_dma semaphore(%arg28 : memref<!tpu.dma_semaphore, #tpu.memory_space<semaphore_mem>>) src(%arg16 : memref<80x128xf32, #tpu.memory_space<vmem>>) dst(%dma_wait3A_143 : memref<10240x128xf32, #tpu.memory_space<vmem_shared>>)
    %dma_wait3A_144 = arith.constant 0 : i32
    %dma_wait3A_145 = arith.constant 0 : i32
    %dma_wait3A_146 = tpu.memref_slice %arg7[%dma_wait3A_144, %dma_wait3A_145] : memref<10240x128xf32, #tpu.memory_space<vmem_shared>> -> memref<10240x128xf32, #tpu.memory_space<vmem_shared>>
    tpu.wait_indirect_dma semaphore(%arg31 : memref<!tpu.dma_semaphore, #tpu.memory_space<semaphore_mem>>) src(%arg19 : memref<80x128xf32, #tpu.memory_space<vmem>>) dst(%dma_wait3A_146 : memref<10240x128xf32, #tpu.memory_space<vmem_shared>>)
    %barrier3A_147 = arith.constant 0 : index
    tpu.barrier barrier_id(%barrier3A_147)
    %mul3A_148 = arith.constant 640 : i32
    %mul3A_149 = arith.muli %arg1, %mul3A_148 : i32
    %mul3A_150 = arith.constant 640 : i32
    %mul3A_151 = arith.muli %arg1, %mul3A_150 : i32
    "tpu.region"() ({
      %run_scoped3A = tpu.sem_alloc : memref<!tpu.dma_semaphore, #tpu.memory_space<semaphore_mem>>
      %dma_start3A_152 = arith.constant 0 : i32
      %dma_start3A_153 = tpu.memref_slice %arg6[%arg0, %mul3A_151, %dma_start3A_152] : memref<2x10240x128xf32, #tpu.memory_space<hbm>> -> memref<1x640x128xf32, #tpu.memory_space<hbm>>
      %dma_start3A_154 = tpu.memref_squeeze %dma_start3A_153 : memref<1x640x128xf32, #tpu.memory_space<hbm>> -> memref<640x128xf32, #tpu.memory_space<hbm>>
      %dma_start3A_155 = arith.constant 0 : i32
      %dma_start3A_156 = tpu.memref_slice %arg7[%mul3A_149, %dma_start3A_155] : memref<10240x128xf32, #tpu.memory_space<vmem_shared>> -> memref<640x128xf32, #tpu.memory_space<vmem_shared>>
      tpu.enqueue_dma source(%dma_start3A_156 : memref<640x128xf32, #tpu.memory_space<vmem_shared>>) target(%dma_start3A_154 : memref<640x128xf32, #tpu.memory_space<hbm>>) target_semaphore(%run_scoped3A : memref<!tpu.dma_semaphore, #tpu.memory_space<semaphore_mem>>)
      %dma_wait3A_157 = arith.constant 0 : i32
      %dma_wait3A_158 = tpu.memref_slice %arg6[%arg0, %mul3A_151, %dma_wait3A_157] : memref<2x10240x128xf32, #tpu.memory_space<hbm>> -> memref<1x640x128xf32, #tpu.memory_space<hbm>>
      %dma_wait3A_159 = tpu.memref_squeeze %dma_wait3A_158 : memref<1x640x128xf32, #tpu.memory_space<hbm>> -> memref<640x128xf32, #tpu.memory_space<hbm>>
      %dma_wait3A_160 = arith.constant 0 : i32
      %dma_wait3A_161 = tpu.memref_slice %arg7[%mul3A_149, %dma_wait3A_160] : memref<10240x128xf32, #tpu.memory_space<vmem_shared>> -> memref<640x128xf32, #tpu.memory_space<vmem_shared>>
      tpu.wait_dma2 semaphore(%run_scoped3A : memref<!tpu.dma_semaphore, #tpu.memory_space<semaphore_mem>>) src(%dma_wait3A_161 : memref<640x128xf32, #tpu.memory_space<vmem_shared>>) dst(%dma_wait3A_159 : memref<640x128xf32, #tpu.memory_space<hbm>>)
      tpu.yield
    }) : () -> ()
    return
  }
}

#map = affine_map<(d0, d1) -> (0, 0)>
#map1 = affine_map<(d0, d1) -> (0, 0, 0, 0)>
#map2 = affine_map<(d0, d1) -> (0, 0, 0)>
#map3 = affine_map<(d0, d1) -> (0)>
module attributes {stable_mosaic.version = 14 : i64} {
  func.func @body(%arg0: i32, %arg1: i32, %arg2: memref<10240x128xf32, #tpu.memory_space<hbm>>, %arg3: memref<32x126x2x80xi32, #tpu.memory_space<hbm>>, %arg4: memref<2x10240x128xf32, #tpu.memory_space<hbm>>, %arg5: memref<10240xf32, #tpu.memory_space<hbm>>, %arg6: memref<2x10240x128xf32, #tpu.memory_space<hbm>>, %arg7: memref<10240x128xf32, #tpu.memory_space<vmem_shared>>, %arg8: memref<2x80xi32, #tpu.memory_space<vmem>>, %arg9: memref<80xi32, #tpu.memory_space<vmem>>, %arg10: memref<80x128xf32, #tpu.memory_space<vmem>>, %arg11: memref<2x80xi32, #tpu.memory_space<vmem>>, %arg12: memref<80xi32, #tpu.memory_space<vmem>>, %arg13: memref<80x128xf32, #tpu.memory_space<vmem>>, %arg14: memref<2x80xi32, #tpu.memory_space<vmem>>, %arg15: memref<80xi32, #tpu.memory_space<vmem>>, %arg16: memref<80x128xf32, #tpu.memory_space<vmem>>, %arg17: memref<2x80xi32, #tpu.memory_space<vmem>>, %arg18: memref<80xi32, #tpu.memory_space<vmem>>, %arg19: memref<80x128xf32, #tpu.memory_space<vmem>>, %arg20: memref<!tpu.dma_semaphore, #tpu.memory_space<semaphore_mem>>, %arg21: memref<!tpu.dma_semaphore, #tpu.memory_space<semaphore_mem>>, %arg22: memref<!tpu.dma_semaphore, #tpu.memory_space<semaphore_mem>>, %arg23: memref<!tpu.dma_semaphore, #tpu.memory_space<semaphore_mem>>, %arg24: memref<!tpu.dma_semaphore, #tpu.memory_space<semaphore_mem>>, %arg25: memref<!tpu.dma_semaphore, #tpu.memory_space<semaphore_mem>>, %arg26: memref<!tpu.dma_semaphore, #tpu.memory_space<semaphore_mem>>, %arg27: memref<!tpu.dma_semaphore, #tpu.memory_space<semaphore_mem>>, %arg28: memref<!tpu.dma_semaphore, #tpu.memory_space<semaphore_mem>>, %arg29: memref<!tpu.dma_semaphore, #tpu.memory_space<semaphore_mem>>, %arg30: memref<!tpu.dma_semaphore, #tpu.memory_space<semaphore_mem>>, %arg31: memref<!tpu.dma_semaphore, #tpu.memory_space<semaphore_mem>>) attributes {dimension_semantics = [#tpu.dimension_semantics<core_parallel>, #tpu.dimension_semantics<subcore_parallel>], iteration_bounds = array<i64: 2, 16>, scalar_prefetch = 0 : i64, scratch_operands = 25 : i64, tpu.core_type = #tpu.core_type<sc_vector_subcore>, window_params = [{transform_indices = #map}, {transform_indices = #map1}, {transform_indices = #map2}, {transform_indices = #map3}, {transform_indices = #map2}]} {
    %mul3A = arith.constant 2 : i32
    %mul3A_0 = arith.muli %arg1, %mul3A : i32
    %add3A = arith.addi %mul3A_0, %arg0 : i32
    %mul3A_1 = arith.constant 640 : i32
    %mul3A_2 = arith.muli %arg1, %mul3A_1 : i32
    %mul3A_3 = arith.constant 640 : i32
    %mul3A_4 = arith.muli %arg1, %mul3A_3 : i32
    "tpu.region"() ({
      %run_scoped3A = tpu.sem_alloc : memref<!tpu.dma_semaphore, #tpu.memory_space<semaphore_mem>>
      %dma_start3A_152 = arith.constant 0 : i32
      %dma_start3A_153 = tpu.memref_slice %arg7[%mul3A_4, %dma_start3A_152] : memref<10240x128xf32, #tpu.memory_space<vmem_shared>> -> memref<640x128xf32, #tpu.memory_space<vmem_shared>>
      %dma_start3A_154 = arith.constant 0 : i32
      %dma_start3A_155 = tpu.memref_slice %arg4[%arg0, %mul3A_2, %dma_start3A_154] : memref<2x10240x128xf32, #tpu.memory_space<hbm>> -> memref<1x640x128xf32, #tpu.memory_space<hbm>>
      %dma_start3A_156 = tpu.memref_squeeze %dma_start3A_155 : memref<1x640x128xf32, #tpu.memory_space<hbm>> -> memref<640x128xf32, #tpu.memory_space<hbm>>
      tpu.enqueue_dma source(%dma_start3A_156 : memref<640x128xf32, #tpu.memory_space<hbm>>) target(%dma_start3A_153 : memref<640x128xf32, #tpu.memory_space<vmem_shared>>) target_semaphore(%run_scoped3A : memref<!tpu.dma_semaphore, #tpu.memory_space<semaphore_mem>>)
      %dma_wait3A_157 = arith.constant 0 : i32
      %dma_wait3A_158 = tpu.memref_slice %arg7[%mul3A_4, %dma_wait3A_157] : memref<10240x128xf32, #tpu.memory_space<vmem_shared>> -> memref<640x128xf32, #tpu.memory_space<vmem_shared>>
      %dma_wait3A_159 = arith.constant 0 : i32
      %dma_wait3A_160 = tpu.memref_slice %arg4[%arg0, %mul3A_2, %dma_wait3A_159] : memref<2x10240x128xf32, #tpu.memory_space<hbm>> -> memref<1x640x128xf32, #tpu.memory_space<hbm>>
      %dma_wait3A_161 = tpu.memref_squeeze %dma_wait3A_160 : memref<1x640x128xf32, #tpu.memory_space<hbm>> -> memref<640x128xf32, #tpu.memory_space<hbm>>
      tpu.wait_dma2 semaphore(%run_scoped3A : memref<!tpu.dma_semaphore, #tpu.memory_space<semaphore_mem>>) src(%dma_wait3A_161 : memref<640x128xf32, #tpu.memory_space<hbm>>) dst(%dma_wait3A_158 : memref<640x128xf32, #tpu.memory_space<vmem_shared>>)
      tpu.yield
    }) : () -> ()
    %barrier3A = arith.constant 0 : index
    tpu.barrier barrier_id(%barrier3A)
    %broadcast_in_dim3A = arith.constant 1.000000e+00 : f32
    %broadcast_in_dim3A_5 = vector.broadcast %broadcast_in_dim3A : f32 to vector<16xf32>
    %dma_start3A = arith.constant 0 : i32
    %dma_start3A_6 = arith.constant 0 : i32
    %dma_start3A_7 = arith.constant 0 : i32
    %dma_start3A_8 = tpu.memref_slice %arg3[%add3A, %dma_start3A, %dma_start3A_6, %dma_start3A_7] : memref<32x126x2x80xi32, #tpu.memory_space<hbm>> -> memref<1x1x2x80xi32, #tpu.memory_space<hbm>>
    %dma_start3A_9 = tpu.memref_squeeze %dma_start3A_8 : memref<1x1x2x80xi32, #tpu.memory_space<hbm>> -> memref<2x80xi32, #tpu.memory_space<hbm>>
    %dma_start3A_10 = arith.constant 0 : i32
    %dma_start3A_11 = arith.constant 0 : i32
    %dma_start3A_12 = tpu.memref_slice %arg3[%add3A, %dma_start3A, %dma_start3A_10, %dma_start3A_11] : memref<32x126x2x80xi32, #tpu.memory_space<hbm>> -> memref<1x1x2x80xi32, #tpu.memory_space<hbm>>
    %dma_start3A_13 = tpu.memref_squeeze %dma_start3A_12 : memref<1x1x2x80xi32, #tpu.memory_space<hbm>> -> memref<2x80xi32, #tpu.memory_space<hbm>>
    tpu.enqueue_dma source(%dma_start3A_13 : memref<2x80xi32, #tpu.memory_space<hbm>>) target(%arg8 : memref<2x80xi32, #tpu.memory_space<vmem>>) target_semaphore(%arg20 : memref<!tpu.dma_semaphore, #tpu.memory_space<semaphore_mem>>)
    %dma_start3A_14 = arith.constant 1 : i32
    %dma_start3A_15 = arith.constant 0 : i32
    %dma_start3A_16 = arith.constant 0 : i32
    %dma_start3A_17 = tpu.memref_slice %arg3[%add3A, %dma_start3A_14, %dma_start3A_15, %dma_start3A_16] : memref<32x126x2x80xi32, #tpu.memory_space<hbm>> -> memref<1x1x2x80xi32, #tpu.memory_space<hbm>>
    %dma_start3A_18 = tpu.memref_squeeze %dma_start3A_17 : memref<1x1x2x80xi32, #tpu.memory_space<hbm>> -> memref<2x80xi32, #tpu.memory_space<hbm>>
    %dma_start3A_19 = arith.constant 0 : i32
    %dma_start3A_20 = arith.constant 0 : i32
    %dma_start3A_21 = tpu.memref_slice %arg3[%add3A, %dma_start3A_14, %dma_start3A_19, %dma_start3A_20] : memref<32x126x2x80xi32, #tpu.memory_space<hbm>> -> memref<1x1x2x80xi32, #tpu.memory_space<hbm>>
    %dma_start3A_22 = tpu.memref_squeeze %dma_start3A_21 : memref<1x1x2x80xi32, #tpu.memory_space<hbm>> -> memref<2x80xi32, #tpu.memory_space<hbm>>
    tpu.enqueue_dma source(%dma_start3A_22 : memref<2x80xi32, #tpu.memory_space<hbm>>) target(%arg11 : memref<2x80xi32, #tpu.memory_space<vmem>>) target_semaphore(%arg23 : memref<!tpu.dma_semaphore, #tpu.memory_space<semaphore_mem>>)
    %dma_start3A_23 = arith.constant 2 : i32
    %dma_start3A_24 = arith.constant 0 : i32
    %dma_start3A_25 = arith.constant 0 : i32
    %dma_start3A_26 = tpu.memref_slice %arg3[%add3A, %dma_start3A_23, %dma_start3A_24, %dma_start3A_25] : memref<32x126x2x80xi32, #tpu.memory_space<hbm>> -> memref<1x1x2x80xi32, #tpu.memory_space<hbm>>
    %dma_start3A_27 = tpu.memref_squeeze %dma_start3A_26 : memref<1x1x2x80xi32, #tpu.memory_space<hbm>> -> memref<2x80xi32, #tpu.memory_space<hbm>>
    %dma_start3A_28 = arith.constant 0 : i32
    %dma_start3A_29 = arith.constant 0 : i32
    %dma_start3A_30 = tpu.memref_slice %arg3[%add3A, %dma_start3A_23, %dma_start3A_28, %dma_start3A_29] : memref<32x126x2x80xi32, #tpu.memory_space<hbm>> -> memref<1x1x2x80xi32, #tpu.memory_space<hbm>>
    %dma_start3A_31 = tpu.memref_squeeze %dma_start3A_30 : memref<1x1x2x80xi32, #tpu.memory_space<hbm>> -> memref<2x80xi32, #tpu.memory_space<hbm>>
    tpu.enqueue_dma source(%dma_start3A_31 : memref<2x80xi32, #tpu.memory_space<hbm>>) target(%arg14 : memref<2x80xi32, #tpu.memory_space<vmem>>) target_semaphore(%arg26 : memref<!tpu.dma_semaphore, #tpu.memory_space<semaphore_mem>>)
    %dma_start3A_32 = arith.constant 3 : i32
    %dma_start3A_33 = arith.constant 0 : i32
    %dma_start3A_34 = arith.constant 0 : i32
    %dma_start3A_35 = tpu.memref_slice %arg3[%add3A, %dma_start3A_32, %dma_start3A_33, %dma_start3A_34] : memref<32x126x2x80xi32, #tpu.memory_space<hbm>> -> memref<1x1x2x80xi32, #tpu.memory_space<hbm>>
    %dma_start3A_36 = tpu.memref_squeeze %dma_start3A_35 : memref<1x1x2x80xi32, #tpu.memory_space<hbm>> -> memref<2x80xi32, #tpu.memory_space<hbm>>
    %dma_start3A_37 = arith.constant 0 : i32
    %dma_start3A_38 = arith.constant 0 : i32
    %dma_start3A_39 = tpu.memref_slice %arg3[%add3A, %dma_start3A_32, %dma_start3A_37, %dma_start3A_38] : memref<32x126x2x80xi32, #tpu.memory_space<hbm>> -> memref<1x1x2x80xi32, #tpu.memory_space<hbm>>
    %dma_start3A_40 = tpu.memref_squeeze %dma_start3A_39 : memref<1x1x2x80xi32, #tpu.memory_space<hbm>> -> memref<2x80xi32, #tpu.memory_space<hbm>>
    tpu.enqueue_dma source(%dma_start3A_40 : memref<2x80xi32, #tpu.memory_space<hbm>>) target(%arg17 : memref<2x80xi32, #tpu.memory_space<vmem>>) target_semaphore(%arg29 : memref<!tpu.dma_semaphore, #tpu.memory_space<semaphore_mem>>)
    %scan3A = arith.constant 0 : i32
    %scan3A_41 = arith.constant 0 : i32
    %scan3A_42 = arith.constant 31 : i32
    %scan3A_43 = arith.addi %scan3A_41, %scan3A_42 : i32
    %scan3A_44 = arith.constant 1 : i32
    scf.for %scan3A_152 = %scan3A_41 to %scan3A_43 step %scan3A_44  : i32 {
      %mul3A_153 = arith.constant 4 : i32
      %mul3A_154 = arith.muli %mul3A_153, %scan3A_152 : i32
      %add3A_155 = arith.constant 0 : i32
      %add3A_156 = arith.addi %mul3A_154, %add3A_155 : i32
      %dma_wait3A_157 = arith.constant 0 : i32
      %dma_wait3A_158 = arith.constant 0 : i32
      %dma_wait3A_159 = tpu.memref_slice %arg3[%add3A, %add3A_156, %dma_wait3A_157, %dma_wait3A_158] : memref<32x126x2x80xi32, #tpu.memory_space<hbm>> -> memref<1x1x2x80xi32, #tpu.memory_space<hbm>>
      %dma_wait3A_160 = tpu.memref_squeeze %dma_wait3A_159 : memref<1x1x2x80xi32, #tpu.memory_space<hbm>> -> memref<2x80xi32, #tpu.memory_space<hbm>>
      %dma_wait3A_161 = arith.constant 0 : i32
      %dma_wait3A_162 = arith.constant 0 : i32
      %dma_wait3A_163 = tpu.memref_slice %arg3[%add3A, %add3A_156, %dma_wait3A_161, %dma_wait3A_162] : memref<32x126x2x80xi32, #tpu.memory_space<hbm>> -> memref<1x1x2x80xi32, #tpu.memory_space<hbm>>
      %dma_wait3A_164 = tpu.memref_squeeze %dma_wait3A_163 : memref<1x1x2x80xi32, #tpu.memory_space<hbm>> -> memref<2x80xi32, #tpu.memory_space<hbm>>
      tpu.wait_dma2 semaphore(%arg20 : memref<!tpu.dma_semaphore, #tpu.memory_space<semaphore_mem>>) src(%dma_wait3A_164 : memref<2x80xi32, #tpu.memory_space<hbm>>) dst(%arg8 : memref<2x80xi32, #tpu.memory_space<vmem>>)
      %ge3A_165 = arith.constant 4 : i32
      %ge3A_166 = arith.cmpi sge, %add3A_156, %ge3A_165 : i32
      %convert_element_type3A_167 = arith.extui %ge3A_166 : i1 to i32
      %cond3A_168 = arith.constant 0 : i32
      %cond3A_169 = arith.cmpi ne, %convert_element_type3A_167, %cond3A_168 : i32
      scf.if %cond3A_169 {
        %dma_wait3A_343 = arith.constant 0 : i32
        %dma_wait3A_344 = arith.constant 0 : i32
        %dma_wait3A_345 = tpu.memref_slice %arg7[%dma_wait3A_343, %dma_wait3A_344] : memref<10240x128xf32, #tpu.memory_space<vmem_shared>> -> memref<10240x128xf32, #tpu.memory_space<vmem_shared>>
        tpu.wait_indirect_dma semaphore(%arg22 : memref<!tpu.dma_semaphore, #tpu.memory_space<semaphore_mem>>) src(%arg10 : memref<80x128xf32, #tpu.memory_space<vmem>>) dst(%dma_wait3A_345 : memref<10240x128xf32, #tpu.memory_space<vmem_shared>>)
      } else {
      }
      %scan3A_170 = arith.constant 0 : i32
      %scan3A_171 = arith.constant 0 : i32
      %scan3A_172 = arith.constant 5 : i32
      %scan3A_173 = arith.addi %scan3A_171, %scan3A_172 : i32
      %scan3A_174 = arith.constant 1 : i32
      scf.for %scan3A_343 = %scan3A_171 to %scan3A_173 step %scan3A_174  : i32 {
        %mul3A_344 = arith.constant 16 : i32
        %mul3A_345 = arith.muli %scan3A_343, %mul3A_344 : i32
        %get3A = arith.constant 1 : i32
        %get3A_346 = arith.index_cast %get3A : i32 to index
        %get3A_347 = arith.index_cast %mul3A_345 : i32 to index
        %get3A_348 = tpu.vector_load %arg8[%get3A_346, %get3A_347] {strides = array<i32>} : memref<2x80xi32, #tpu.memory_space<vmem>>, vector<16xi32>,
        %mul3A_349 = arith.constant 16 : i32
        %mul3A_350 = arith.muli %scan3A_343, %mul3A_349 : i32
        %swap3A = arith.index_cast %mul3A_350 : i32 to index
        %swap3A_351 = tpu.vector_load %arg9[%swap3A] {strides = array<i32>} : memref<80xi32, #tpu.memory_space<vmem>>, vector<16xi32>,
        tpu.vector_store %arg9[%swap3A], %get3A_348 {strides = array<i32>} : memref<80xi32, #tpu.memory_space<vmem>>, vector<16xi32>,
      }
      %scan3A_175 = arith.constant 5 : i32
      %dma_start3A_176 = arith.constant 0 : i32
      %dma_start3A_177 = arith.constant 0 : i32
      %dma_start3A_178 = tpu.memref_slice %arg8[%dma_start3A_176, %dma_start3A_177] : memref<2x80xi32, #tpu.memory_space<vmem>> -> memref<1x80xi32, #tpu.memory_space<vmem>>
      %dma_start3A_179 = tpu.memref_squeeze %dma_start3A_178 : memref<1x80xi32, #tpu.memory_space<vmem>> -> memref<80xi32, #tpu.memory_space<vmem>>
      %dma_start3A_180 = arith.constant 0 : i32
      %dma_start3A_181 = arith.constant 0 : i32
      %dma_start3A_182 = tpu.memref_slice %arg2[%dma_start3A_180, %dma_start3A_181] : memref<10240x128xf32, #tpu.memory_space<hbm>> -> memref<10240x128xf32, #tpu.memory_space<hbm>>
      tpu.enqueue_indirect_dma source(%dma_start3A_182 : memref<10240x128xf32, #tpu.memory_space<hbm>>) target(%arg10 : memref<80x128xf32, #tpu.memory_space<vmem>>) offsets(%dma_start3A_179 : memref<80xi32, #tpu.memory_space<vmem>>) semaphore(%arg21 : memref<!tpu.dma_semaphore, #tpu.memory_space<semaphore_mem>>)
      %add3A_183 = arith.constant 1 : i32
      %add3A_184 = arith.addi %mul3A_154, %add3A_183 : i32
      %dma_wait3A_185 = arith.constant 0 : i32
      %dma_wait3A_186 = arith.constant 0 : i32
      %dma_wait3A_187 = tpu.memref_slice %arg3[%add3A, %add3A_184, %dma_wait3A_185, %dma_wait3A_186] : memref<32x126x2x80xi32, #tpu.memory_space<hbm>> -> memref<1x1x2x80xi32, #tpu.memory_space<hbm>>
      %dma_wait3A_188 = tpu.memref_squeeze %dma_wait3A_187 : memref<1x1x2x80xi32, #tpu.memory_space<hbm>> -> memref<2x80xi32, #tpu.memory_space<hbm>>
      %dma_wait3A_189 = arith.constant 0 : i32
      %dma_wait3A_190 = arith.constant 0 : i32
      %dma_wait3A_191 = tpu.memref_slice %arg3[%add3A, %add3A_184, %dma_wait3A_189, %dma_wait3A_190] : memref<32x126x2x80xi32, #tpu.memory_space<hbm>> -> memref<1x1x2x80xi32, #tpu.memory_space<hbm>>
      %dma_wait3A_192 = tpu.memref_squeeze %dma_wait3A_191 : memref<1x1x2x80xi32, #tpu.memory_space<hbm>> -> memref<2x80xi32, #tpu.memory_space<hbm>>
      tpu.wait_dma2 semaphore(%arg23 : memref<!tpu.dma_semaphore, #tpu.memory_space<semaphore_mem>>) src(%dma_wait3A_192 : memref<2x80xi32, #tpu.memory_space<hbm>>) dst(%arg11 : memref<2x80xi32, #tpu.memory_space<vmem>>)
      %ge3A_193 = arith.constant 4 : i32
      %ge3A_194 = arith.cmpi sge, %add3A_184, %ge3A_193 : i32
      %convert_element_type3A_195 = arith.extui %ge3A_194 : i1 to i32
      %cond3A_196 = arith.constant 0 : i32
      %cond3A_197 = arith.cmpi ne, %convert_element_type3A_195, %cond3A_196 : i32
      scf.if %cond3A_197 {
        %dma_wait3A_343 = arith.constant 0 : i32
        %dma_wait3A_344 = arith.constant 0 : i32
        %dma_wait3A_345 = tpu.memref_slice %arg7[%dma_wait3A_343, %dma_wait3A_344] : memref<10240x128xf32, #tpu.memory_space<vmem_shared>> -> memref<10240x128xf32, #tpu.memory_space<vmem_shared>>
        tpu.wait_indirect_dma semaphore(%arg25 : memref<!tpu.dma_semaphore, #tpu.memory_space<semaphore_mem>>) src(%arg13 : memref<80x128xf32, #tpu.memory_space<vmem>>) dst(%dma_wait3A_345 : memref<10240x128xf32, #tpu.memory_space<vmem_shared>>)
      } else {
      }
      %scan3A_198 = arith.constant 0 : i32
      %scan3A_199 = arith.constant 0 : i32
      %scan3A_200 = arith.constant 5 : i32
      %scan3A_201 = arith.addi %scan3A_199, %scan3A_200 : i32
      %scan3A_202 = arith.constant 1 : i32
      scf.for %scan3A_343 = %scan3A_199 to %scan3A_201 step %scan3A_202  : i32 {
        %mul3A_344 = arith.constant 16 : i32
        %mul3A_345 = arith.muli %scan3A_343, %mul3A_344 : i32
        %get3A = arith.constant 1 : i32
        %get3A_346 = arith.index_cast %get3A : i32 to index
        %get3A_347 = arith.index_cast %mul3A_345 : i32 to index
        %get3A_348 = tpu.vector_load %arg11[%get3A_346, %get3A_347] {strides = array<i32>} : memref<2x80xi32, #tpu.memory_space<vmem>>, vector<16xi32>,
        %mul3A_349 = arith.constant 16 : i32
        %mul3A_350 = arith.muli %scan3A_343, %mul3A_349 : i32
        %swap3A = arith.index_cast %mul3A_350 : i32 to index
        %swap3A_351 = tpu.vector_load %arg12[%swap3A] {strides = array<i32>} : memref<80xi32, #tpu.memory_space<vmem>>, vector<16xi32>,
        tpu.vector_store %arg12[%swap3A], %get3A_348 {strides = array<i32>} : memref<80xi32, #tpu.memory_space<vmem>>, vector<16xi32>,
      }
      %scan3A_203 = arith.constant 5 : i32
      %dma_start3A_204 = arith.constant 0 : i32
      %dma_start3A_205 = arith.constant 0 : i32
      %dma_start3A_206 = tpu.memref_slice %arg11[%dma_start3A_204, %dma_start3A_205] : memref<2x80xi32, #tpu.memory_space<vmem>> -> memref<1x80xi32, #tpu.memory_space<vmem>>
      %dma_start3A_207 = tpu.memref_squeeze %dma_start3A_206 : memref<1x80xi32, #tpu.memory_space<vmem>> -> memref<80xi32, #tpu.memory_space<vmem>>
      %dma_start3A_208 = arith.constant 0 : i32
      %dma_start3A_209 = arith.constant 0 : i32
      %dma_start3A_210 = tpu.memref_slice %arg2[%dma_start3A_208, %dma_start3A_209] : memref<10240x128xf32, #tpu.memory_space<hbm>> -> memref<10240x128xf32, #tpu.memory_space<hbm>>
      tpu.enqueue_indirect_dma source(%dma_start3A_210 : memref<10240x128xf32, #tpu.memory_space<hbm>>) target(%arg13 : memref<80x128xf32, #tpu.memory_space<vmem>>) offsets(%dma_start3A_207 : memref<80xi32, #tpu.memory_space<vmem>>) semaphore(%arg24 : memref<!tpu.dma_semaphore, #tpu.memory_space<semaphore_mem>>)
      %add3A_211 = arith.constant 2 : i32
      %add3A_212 = arith.addi %mul3A_154, %add3A_211 : i32
      %dma_wait3A_213 = arith.constant 0 : i32
      %dma_wait3A_214 = arith.constant 0 : i32
      %dma_wait3A_215 = tpu.memref_slice %arg3[%add3A, %add3A_212, %dma_wait3A_213, %dma_wait3A_214] : memref<32x126x2x80xi32, #tpu.memory_space<hbm>> -> memref<1x1x2x80xi32, #tpu.memory_space<hbm>>
      %dma_wait3A_216 = tpu.memref_squeeze %dma_wait3A_215 : memref<1x1x2x80xi32, #tpu.memory_space<hbm>> -> memref<2x80xi32, #tpu.memory_space<hbm>>
      %dma_wait3A_217 = arith.constant 0 : i32
      %dma_wait3A_218 = arith.constant 0 : i32
      %dma_wait3A_219 = tpu.memref_slice %arg3[%add3A, %add3A_212, %dma_wait3A_217, %dma_wait3A_218] : memref<32x126x2x80xi32, #tpu.memory_space<hbm>> -> memref<1x1x2x80xi32, #tpu.memory_space<hbm>>
      %dma_wait3A_220 = tpu.memref_squeeze %dma_wait3A_219 : memref<1x1x2x80xi32, #tpu.memory_space<hbm>> -> memref<2x80xi32, #tpu.memory_space<hbm>>
      tpu.wait_dma2 semaphore(%arg26 : memref<!tpu.dma_semaphore, #tpu.memory_space<semaphore_mem>>) src(%dma_wait3A_220 : memref<2x80xi32, #tpu.memory_space<hbm>>) dst(%arg14 : memref<2x80xi32, #tpu.memory_space<vmem>>)
      %ge3A_221 = arith.constant 4 : i32
      %ge3A_222 = arith.cmpi sge, %add3A_212, %ge3A_221 : i32
      %convert_element_type3A_223 = arith.extui %ge3A_222 : i1 to i32
      %cond3A_224 = arith.constant 0 : i32
      %cond3A_225 = arith.cmpi ne, %convert_element_type3A_223, %cond3A_224 : i32
      scf.if %cond3A_225 {
        %dma_wait3A_343 = arith.constant 0 : i32
        %dma_wait3A_344 = arith.constant 0 : i32
        %dma_wait3A_345 = tpu.memref_slice %arg7[%dma_wait3A_343, %dma_wait3A_344] : memref<10240x128xf32, #tpu.memory_space<vmem_shared>> -> memref<10240x128xf32, #tpu.memory_space<vmem_shared>>
        tpu.wait_indirect_dma semaphore(%arg28 : memref<!tpu.dma_semaphore, #tpu.memory_space<semaphore_mem>>) src(%arg16 : memref<80x128xf32, #tpu.memory_space<vmem>>) dst(%dma_wait3A_345 : memref<10240x128xf32, #tpu.memory_space<vmem_shared>>)
      } else {
      }
      %scan3A_226 = arith.constant 0 : i32
      %scan3A_227 = arith.constant 0 : i32
      %scan3A_228 = arith.constant 5 : i32
      %scan3A_229 = arith.addi %scan3A_227, %scan3A_228 : i32
      %scan3A_230 = arith.constant 1 : i32
      scf.for %scan3A_343 = %scan3A_227 to %scan3A_229 step %scan3A_230  : i32 {
        %mul3A_344 = arith.constant 16 : i32
        %mul3A_345 = arith.muli %scan3A_343, %mul3A_344 : i32
        %get3A = arith.constant 1 : i32
        %get3A_346 = arith.index_cast %get3A : i32 to index
        %get3A_347 = arith.index_cast %mul3A_345 : i32 to index
        %get3A_348 = tpu.vector_load %arg14[%get3A_346, %get3A_347] {strides = array<i32>} : memref<2x80xi32, #tpu.memory_space<vmem>>, vector<16xi32>,
        %mul3A_349 = arith.constant 16 : i32
        %mul3A_350 = arith.muli %scan3A_343, %mul3A_349 : i32
        %swap3A = arith.index_cast %mul3A_350 : i32 to index
        %swap3A_351 = tpu.vector_load %arg15[%swap3A] {strides = array<i32>} : memref<80xi32, #tpu.memory_space<vmem>>, vector<16xi32>,
        tpu.vector_store %arg15[%swap3A], %get3A_348 {strides = array<i32>} : memref<80xi32, #tpu.memory_space<vmem>>, vector<16xi32>,
      }
      %scan3A_231 = arith.constant 5 : i32
      %dma_start3A_232 = arith.constant 0 : i32
      %dma_start3A_233 = arith.constant 0 : i32
      %dma_start3A_234 = tpu.memref_slice %arg14[%dma_start3A_232, %dma_start3A_233] : memref<2x80xi32, #tpu.memory_space<vmem>> -> memref<1x80xi32, #tpu.memory_space<vmem>>
      %dma_start3A_235 = tpu.memref_squeeze %dma_start3A_234 : memref<1x80xi32, #tpu.memory_space<vmem>> -> memref<80xi32, #tpu.memory_space<vmem>>
      %dma_start3A_236 = arith.constant 0 : i32
      %dma_start3A_237 = arith.constant 0 : i32
      %dma_start3A_238 = tpu.memref_slice %arg2[%dma_start3A_236, %dma_start3A_237] : memref<10240x128xf32, #tpu.memory_space<hbm>> -> memref<10240x128xf32, #tpu.memory_space<hbm>>
      tpu.enqueue_indirect_dma source(%dma_start3A_238 : memref<10240x128xf32, #tpu.memory_space<hbm>>) target(%arg16 : memref<80x128xf32, #tpu.memory_space<vmem>>) offsets(%dma_start3A_235 : memref<80xi32, #tpu.memory_space<vmem>>) semaphore(%arg27 : memref<!tpu.dma_semaphore, #tpu.memory_space<semaphore_mem>>)
      %add3A_239 = arith.constant 3 : i32
      %add3A_240 = arith.addi %mul3A_154, %add3A_239 : i32
      %dma_wait3A_241 = arith.constant 0 : i32
      %dma_wait3A_242 = arith.constant 0 : i32
      %dma_wait3A_243 = tpu.memref_slice %arg3[%add3A, %add3A_240, %dma_wait3A_241, %dma_wait3A_242] : memref<32x126x2x80xi32, #tpu.memory_space<hbm>> -> memref<1x1x2x80xi32, #tpu.memory_space<hbm>>
      %dma_wait3A_244 = tpu.memref_squeeze %dma_wait3A_243 : memref<1x1x2x80xi32, #tpu.memory_space<hbm>> -> memref<2x80xi32, #tpu.memory_space<hbm>>
      %dma_wait3A_245 = arith.constant 0 : i32
      %dma_wait3A_246 = arith.constant 0 : i32
      %dma_wait3A_247 = tpu.memref_slice %arg3[%add3A, %add3A_240, %dma_wait3A_245, %dma_wait3A_246] : memref<32x126x2x80xi32, #tpu.memory_space<hbm>> -> memref<1x1x2x80xi32, #tpu.memory_space<hbm>>
      %dma_wait3A_248 = tpu.memref_squeeze %dma_wait3A_247 : memref<1x1x2x80xi32, #tpu.memory_space<hbm>> -> memref<2x80xi32, #tpu.memory_space<hbm>>
      tpu.wait_dma2 semaphore(%arg29 : memref<!tpu.dma_semaphore, #tpu.memory_space<semaphore_mem>>) src(%dma_wait3A_248 : memref<2x80xi32, #tpu.memory_space<hbm>>) dst(%arg17 : memref<2x80xi32, #tpu.memory_space<vmem>>)
      %ge3A_249 = arith.constant 4 : i32
      %ge3A_250 = arith.cmpi sge, %add3A_240, %ge3A_249 : i32
      %convert_element_type3A_251 = arith.extui %ge3A_250 : i1 to i32
      %cond3A_252 = arith.constant 0 : i32
      %cond3A_253 = arith.cmpi ne, %convert_element_type3A_251, %cond3A_252 : i32
      scf.if %cond3A_253 {
        %dma_wait3A_343 = arith.constant 0 : i32
        %dma_wait3A_344 = arith.constant 0 : i32
        %dma_wait3A_345 = tpu.memref_slice %arg7[%dma_wait3A_343, %dma_wait3A_344] : memref<10240x128xf32, #tpu.memory_space<vmem_shared>> -> memref<10240x128xf32, #tpu.memory_space<vmem_shared>>
        tpu.wait_indirect_dma semaphore(%arg31 : memref<!tpu.dma_semaphore, #tpu.memory_space<semaphore_mem>>) src(%arg19 : memref<80x128xf32, #tpu.memory_space<vmem>>) dst(%dma_wait3A_345 : memref<10240x128xf32, #tpu.memory_space<vmem_shared>>)
      } else {
      }
      %scan3A_254 = arith.constant 0 : i32
      %scan3A_255 = arith.constant 0 : i32
      %scan3A_256 = arith.constant 5 : i32
      %scan3A_257 = arith.addi %scan3A_255, %scan3A_256 : i32
      %scan3A_258 = arith.constant 1 : i32
      scf.for %scan3A_343 = %scan3A_255 to %scan3A_257 step %scan3A_258  : i32 {
        %mul3A_344 = arith.constant 16 : i32
        %mul3A_345 = arith.muli %scan3A_343, %mul3A_344 : i32
        %get3A = arith.constant 1 : i32
        %get3A_346 = arith.index_cast %get3A : i32 to index
        %get3A_347 = arith.index_cast %mul3A_345 : i32 to index
        %get3A_348 = tpu.vector_load %arg17[%get3A_346, %get3A_347] {strides = array<i32>} : memref<2x80xi32, #tpu.memory_space<vmem>>, vector<16xi32>,
        %mul3A_349 = arith.constant 16 : i32
        %mul3A_350 = arith.muli %scan3A_343, %mul3A_349 : i32
        %swap3A = arith.index_cast %mul3A_350 : i32 to index
        %swap3A_351 = tpu.vector_load %arg18[%swap3A] {strides = array<i32>} : memref<80xi32, #tpu.memory_space<vmem>>, vector<16xi32>,
        tpu.vector_store %arg18[%swap3A], %get3A_348 {strides = array<i32>} : memref<80xi32, #tpu.memory_space<vmem>>, vector<16xi32>,
      }
      %scan3A_259 = arith.constant 5 : i32
      %dma_start3A_260 = arith.constant 0 : i32
      %dma_start3A_261 = arith.constant 0 : i32
      %dma_start3A_262 = tpu.memref_slice %arg17[%dma_start3A_260, %dma_start3A_261] : memref<2x80xi32, #tpu.memory_space<vmem>> -> memref<1x80xi32, #tpu.memory_space<vmem>>
      %dma_start3A_263 = tpu.memref_squeeze %dma_start3A_262 : memref<1x80xi32, #tpu.memory_space<vmem>> -> memref<80xi32, #tpu.memory_space<vmem>>
      %dma_start3A_264 = arith.constant 0 : i32
      %dma_start3A_265 = arith.constant 0 : i32
      %dma_start3A_266 = tpu.memref_slice %arg2[%dma_start3A_264, %dma_start3A_265] : memref<10240x128xf32, #tpu.memory_space<hbm>> -> memref<10240x128xf32, #tpu.memory_space<hbm>>
      tpu.enqueue_indirect_dma source(%dma_start3A_266 : memref<10240x128xf32, #tpu.memory_space<hbm>>) target(%arg19 : memref<80x128xf32, #tpu.memory_space<vmem>>) offsets(%dma_start3A_263 : memref<80xi32, #tpu.memory_space<vmem>>) semaphore(%arg30 : memref<!tpu.dma_semaphore, #tpu.memory_space<semaphore_mem>>)
      %add3A_267 = arith.constant 0 : i32
      %add3A_268 = arith.addi %mul3A_154, %add3A_267 : i32
      %dma_wait3A_269 = arith.constant 0 : i32
      %dma_wait3A_270 = arith.constant 0 : i32
      %dma_wait3A_271 = tpu.memref_slice %arg8[%dma_wait3A_269, %dma_wait3A_270] : memref<2x80xi32, #tpu.memory_space<vmem>> -> memref<1x80xi32, #tpu.memory_space<vmem>>
      %dma_wait3A_272 = tpu.memref_squeeze %dma_wait3A_271 : memref<1x80xi32, #tpu.memory_space<vmem>> -> memref<80xi32, #tpu.memory_space<vmem>>
      %dma_wait3A_273 = arith.constant 0 : i32
      %dma_wait3A_274 = arith.constant 0 : i32
      %dma_wait3A_275 = tpu.memref_slice %arg2[%dma_wait3A_273, %dma_wait3A_274] : memref<10240x128xf32, #tpu.memory_space<hbm>> -> memref<10240x128xf32, #tpu.memory_space<hbm>>
      tpu.wait_indirect_dma semaphore(%arg21 : memref<!tpu.dma_semaphore, #tpu.memory_space<semaphore_mem>>) src(%dma_wait3A_275 : memref<10240x128xf32, #tpu.memory_space<hbm>>) dst(%arg10 : memref<80x128xf32, #tpu.memory_space<vmem>>)
      %dma_start3A_276 = arith.constant 0 : i32
      %dma_start3A_277 = arith.constant 0 : i32
      %dma_start3A_278 = tpu.memref_slice %arg7[%dma_start3A_276, %dma_start3A_277] : memref<10240x128xf32, #tpu.memory_space<vmem_shared>> -> memref<10240x128xf32, #tpu.memory_space<vmem_shared>>
      tpu.enqueue_indirect_dma source(%arg10 : memref<80x128xf32, #tpu.memory_space<vmem>>) target(%dma_start3A_278 : memref<10240x128xf32, #tpu.memory_space<vmem_shared>>) offsets(%arg9 : memref<80xi32, #tpu.memory_space<vmem>>) semaphore(%arg22 : memref<!tpu.dma_semaphore, #tpu.memory_space<semaphore_mem>>) {add = true}
      %add3A_279 = arith.constant 4 : i32
      %add3A_280 = arith.addi %add3A_268, %add3A_279 : i32
      %lt3A_281 = arith.constant 126 : i32
      %lt3A_282 = arith.cmpi slt, %add3A_280, %lt3A_281 : i32
      %convert_element_type3A_283 = arith.extui %lt3A_282 : i1 to i32
      %cond3A_284 = arith.constant 0 : i32
      %cond3A_285 = arith.cmpi ne, %convert_element_type3A_283, %cond3A_284 : i32
      scf.if %cond3A_285 {
        %add3A_343 = arith.constant 4 : i32
        %add3A_344 = arith.addi %add3A_268, %add3A_343 : i32
        %dma_start3A_345 = arith.constant 0 : i32
        %dma_start3A_346 = arith.constant 0 : i32
        %dma_start3A_347 = tpu.memref_slice %arg3[%add3A, %add3A_344, %dma_start3A_345, %dma_start3A_346] : memref<32x126x2x80xi32, #tpu.memory_space<hbm>> -> memref<1x1x2x80xi32, #tpu.memory_space<hbm>>
        %dma_start3A_348 = tpu.memref_squeeze %dma_start3A_347 : memref<1x1x2x80xi32, #tpu.memory_space<hbm>> -> memref<2x80xi32, #tpu.memory_space<hbm>>
        %dma_start3A_349 = arith.constant 0 : i32
        %dma_start3A_350 = arith.constant 0 : i32
        %dma_start3A_351 = tpu.memref_slice %arg3[%add3A, %add3A_344, %dma_start3A_349, %dma_start3A_350] : memref<32x126x2x80xi32, #tpu.memory_space<hbm>> -> memref<1x1x2x80xi32, #tpu.memory_space<hbm>>
        %dma_start3A_352 = tpu.memref_squeeze %dma_start3A_351 : memref<1x1x2x80xi32, #tpu.memory_space<hbm>> -> memref<2x80xi32, #tpu.memory_space<hbm>>
        tpu.enqueue_dma source(%dma_start3A_352 : memref<2x80xi32, #tpu.memory_space<hbm>>) target(%arg8 : memref<2x80xi32, #tpu.memory_space<vmem>>) target_semaphore(%arg20 : memref<!tpu.dma_semaphore, #tpu.memory_space<semaphore_mem>>)
      } else {
      }
      %add3A_286 = arith.constant 1 : i32
      %add3A_287 = arith.addi %mul3A_154, %add3A_286 : i32
      %dma_wait3A_288 = arith.constant 0 : i32
      %dma_wait3A_289 = arith.constant 0 : i32
      %dma_wait3A_290 = tpu.memref_slice %arg11[%dma_wait3A_288, %dma_wait3A_289] : memref<2x80xi32, #tpu.memory_space<vmem>> -> memref<1x80xi32, #tpu.memory_space<vmem>>
      %dma_wait3A_291 = tpu.memref_squeeze %dma_wait3A_290 : memref<1x80xi32, #tpu.memory_space<vmem>> -> memref<80xi32, #tpu.memory_space<vmem>>
      %dma_wait3A_292 = arith.constant 0 : i32
      %dma_wait3A_293 = arith.constant 0 : i32
      %dma_wait3A_294 = tpu.memref_slice %arg2[%dma_wait3A_292, %dma_wait3A_293] : memref<10240x128xf32, #tpu.memory_space<hbm>> -> memref<10240x128xf32, #tpu.memory_space<hbm>>
      tpu.wait_indirect_dma semaphore(%arg24 : memref<!tpu.dma_semaphore, #tpu.memory_space<semaphore_mem>>) src(%dma_wait3A_294 : memref<10240x128xf32, #tpu.memory_space<hbm>>) dst(%arg13 : memref<80x128xf32, #tpu.memory_space<vmem>>)
      %dma_start3A_295 = arith.constant 0 : i32
      %dma_start3A_296 = arith.constant 0 : i32
      %dma_start3A_297 = tpu.memref_slice %arg7[%dma_start3A_295, %dma_start3A_296] : memref<10240x128xf32, #tpu.memory_space<vmem_shared>> -> memref<10240x128xf32, #tpu.memory_space<vmem_shared>>
      tpu.enqueue_indirect_dma source(%arg13 : memref<80x128xf32, #tpu.memory_space<vmem>>) target(%dma_start3A_297 : memref<10240x128xf32, #tpu.memory_space<vmem_shared>>) offsets(%arg12 : memref<80xi32, #tpu.memory_space<vmem>>) semaphore(%arg25 : memref<!tpu.dma_semaphore, #tpu.memory_space<semaphore_mem>>) {add = true}
      %add3A_298 = arith.constant 4 : i32
      %add3A_299 = arith.addi %add3A_287, %add3A_298 : i32
      %lt3A_300 = arith.constant 126 : i32
      %lt3A_301 = arith.cmpi slt, %add3A_299, %lt3A_300 : i32
      %convert_element_type3A_302 = arith.extui %lt3A_301 : i1 to i32
      %cond3A_303 = arith.constant 0 : i32
      %cond3A_304 = arith.cmpi ne, %convert_element_type3A_302, %cond3A_303 : i32
      scf.if %cond3A_304 {
        %add3A_343 = arith.constant 4 : i32
        %add3A_344 = arith.addi %add3A_287, %add3A_343 : i32
        %dma_start3A_345 = arith.constant 0 : i32
        %dma_start3A_346 = arith.constant 0 : i32
        %dma_start3A_347 = tpu.memref_slice %arg3[%add3A, %add3A_344, %dma_start3A_345, %dma_start3A_346] : memref<32x126x2x80xi32, #tpu.memory_space<hbm>> -> memref<1x1x2x80xi32, #tpu.memory_space<hbm>>
        %dma_start3A_348 = tpu.memref_squeeze %dma_start3A_347 : memref<1x1x2x80xi32, #tpu.memory_space<hbm>> -> memref<2x80xi32, #tpu.memory_space<hbm>>
        %dma_start3A_349 = arith.constant 0 : i32
        %dma_start3A_350 = arith.constant 0 : i32
        %dma_start3A_351 = tpu.memref_slice %arg3[%add3A, %add3A_344, %dma_start3A_349, %dma_start3A_350] : memref<32x126x2x80xi32, #tpu.memory_space<hbm>> -> memref<1x1x2x80xi32, #tpu.memory_space<hbm>>
        %dma_start3A_352 = tpu.memref_squeeze %dma_start3A_351 : memref<1x1x2x80xi32, #tpu.memory_space<hbm>> -> memref<2x80xi32, #tpu.memory_space<hbm>>
        tpu.enqueue_dma source(%dma_start3A_352 : memref<2x80xi32, #tpu.memory_space<hbm>>) target(%arg11 : memref<2x80xi32, #tpu.memory_space<vmem>>) target_semaphore(%arg23 : memref<!tpu.dma_semaphore, #tpu.memory_space<semaphore_mem>>)
      } else {
      }
      %add3A_305 = arith.constant 2 : i32
      %add3A_306 = arith.addi %mul3A_154, %add3A_305 : i32
      %dma_wait3A_307 = arith.constant 0 : i32
      %dma_wait3A_308 = arith.constant 0 : i32
      %dma_wait3A_309 = tpu.memref_slice %arg14[%dma_wait3A_307, %dma_wait3A_308] : memref<2x80xi32, #tpu.memory_space<vmem>> -> memref<1x80xi32, #tpu.memory_space<vmem>>
      %dma_wait3A_310 = tpu.memref_squeeze %dma_wait3A_309 : memref<1x80xi32, #tpu.memory_space<vmem>> -> memref<80xi32, #tpu.memory_space<vmem>>
      %dma_wait3A_311 = arith.constant 0 : i32
      %dma_wait3A_312 = arith.constant 0 : i32
      %dma_wait3A_313 = tpu.memref_slice %arg2[%dma_wait3A_311, %dma_wait3A_312] : memref<10240x128xf32, #tpu.memory_space<hbm>> -> memref<10240x128xf32, #tpu.memory_space<hbm>>
      tpu.wait_indirect_dma semaphore(%arg27 : memref<!tpu.dma_semaphore, #tpu.memory_space<semaphore_mem>>) src(%dma_wait3A_313 : memref<10240x128xf32, #tpu.memory_space<hbm>>) dst(%arg16 : memref<80x128xf32, #tpu.memory_space<vmem>>)
      %dma_start3A_314 = arith.constant 0 : i32
      %dma_start3A_315 = arith.constant 0 : i32
      %dma_start3A_316 = tpu.memref_slice %arg7[%dma_start3A_314, %dma_start3A_315] : memref<10240x128xf32, #tpu.memory_space<vmem_shared>> -> memref<10240x128xf32, #tpu.memory_space<vmem_shared>>
      tpu.enqueue_indirect_dma source(%arg16 : memref<80x128xf32, #tpu.memory_space<vmem>>) target(%dma_start3A_316 : memref<10240x128xf32, #tpu.memory_space<vmem_shared>>) offsets(%arg15 : memref<80xi32, #tpu.memory_space<vmem>>) semaphore(%arg28 : memref<!tpu.dma_semaphore, #tpu.memory_space<semaphore_mem>>) {add = true}
      %add3A_317 = arith.constant 4 : i32
      %add3A_318 = arith.addi %add3A_306, %add3A_317 : i32
      %lt3A_319 = arith.constant 126 : i32
      %lt3A_320 = arith.cmpi slt, %add3A_318, %lt3A_319 : i32
      %convert_element_type3A_321 = arith.extui %lt3A_320 : i1 to i32
      %cond3A_322 = arith.constant 0 : i32
      %cond3A_323 = arith.cmpi ne, %convert_element_type3A_321, %cond3A_322 : i32
      scf.if %cond3A_323 {
        %add3A_343 = arith.constant 4 : i32
        %add3A_344 = arith.addi %add3A_306, %add3A_343 : i32
        %dma_start3A_345 = arith.constant 0 : i32
        %dma_start3A_346 = arith.constant 0 : i32
        %dma_start3A_347 = tpu.memref_slice %arg3[%add3A, %add3A_344, %dma_start3A_345, %dma_start3A_346] : memref<32x126x2x80xi32, #tpu.memory_space<hbm>> -> memref<1x1x2x80xi32, #tpu.memory_space<hbm>>
        %dma_start3A_348 = tpu.memref_squeeze %dma_start3A_347 : memref<1x1x2x80xi32, #tpu.memory_space<hbm>> -> memref<2x80xi32, #tpu.memory_space<hbm>>
        %dma_start3A_349 = arith.constant 0 : i32
        %dma_start3A_350 = arith.constant 0 : i32
        %dma_start3A_351 = tpu.memref_slice %arg3[%add3A, %add3A_344, %dma_start3A_349, %dma_start3A_350] : memref<32x126x2x80xi32, #tpu.memory_space<hbm>> -> memref<1x1x2x80xi32, #tpu.memory_space<hbm>>
        %dma_start3A_352 = tpu.memref_squeeze %dma_start3A_351 : memref<1x1x2x80xi32, #tpu.memory_space<hbm>> -> memref<2x80xi32, #tpu.memory_space<hbm>>
        tpu.enqueue_dma source(%dma_start3A_352 : memref<2x80xi32, #tpu.memory_space<hbm>>) target(%arg14 : memref<2x80xi32, #tpu.memory_space<vmem>>) target_semaphore(%arg26 : memref<!tpu.dma_semaphore, #tpu.memory_space<semaphore_mem>>)
      } else {
      }
      %add3A_324 = arith.constant 3 : i32
      %add3A_325 = arith.addi %mul3A_154, %add3A_324 : i32
      %dma_wait3A_326 = arith.constant 0 : i32
      %dma_wait3A_327 = arith.constant 0 : i32
      %dma_wait3A_328 = tpu.memref_slice %arg17[%dma_wait3A_326, %dma_wait3A_327] : memref<2x80xi32, #tpu.memory_space<vmem>> -> memref<1x80xi32, #tpu.memory_space<vmem>>
      %dma_wait3A_329 = tpu.memref_squeeze %dma_wait3A_328 : memref<1x80xi32, #tpu.memory_space<vmem>> -> memref<80xi32, #tpu.memory_space<vmem>>
      %dma_wait3A_330 = arith.constant 0 : i32
      %dma_wait3A_331 = arith.constant 0 : i32
      %dma_wait3A_332 = tpu.memref_slice %arg2[%dma_wait3A_330, %dma_wait3A_331] : memref<10240x128xf32, #tpu.memory_space<hbm>> -> memref<10240x128xf32, #tpu.memory_space<hbm>>
      tpu.wait_indirect_dma semaphore(%arg30 : memref<!tpu.dma_semaphore, #tpu.memory_space<semaphore_mem>>) src(%dma_wait3A_332 : memref<10240x128xf32, #tpu.memory_space<hbm>>) dst(%arg19 : memref<80x128xf32, #tpu.memory_space<vmem>>)
      %dma_start3A_333 = arith.constant 0 : i32
      %dma_start3A_334 = arith.constant 0 : i32
      %dma_start3A_335 = tpu.memref_slice %arg7[%dma_start3A_333, %dma_start3A_334] : memref<10240x128xf32, #tpu.memory_space<vmem_shared>> -> memref<10240x128xf32, #tpu.memory_space<vmem_shared>>
      tpu.enqueue_indirect_dma source(%arg19 : memref<80x128xf32, #tpu.memory_space<vmem>>) target(%dma_start3A_335 : memref<10240x128xf32, #tpu.memory_space<vmem_shared>>) offsets(%arg18 : memref<80xi32, #tpu.memory_space<vmem>>) semaphore(%arg31 : memref<!tpu.dma_semaphore, #tpu.memory_space<semaphore_mem>>) {add = true}
      %add3A_336 = arith.constant 4 : i32
      %add3A_337 = arith.addi %add3A_325, %add3A_336 : i32
      %lt3A_338 = arith.constant 126 : i32
      %lt3A_339 = arith.cmpi slt, %add3A_337, %lt3A_338 : i32
      %convert_element_type3A_340 = arith.extui %lt3A_339 : i1 to i32
      %cond3A_341 = arith.constant 0 : i32
      %cond3A_342 = arith.cmpi ne, %convert_element_type3A_340, %cond3A_341 : i32
      scf.if %cond3A_342 {
        %add3A_343 = arith.constant 4 : i32
        %add3A_344 = arith.addi %add3A_325, %add3A_343 : i32
        %dma_start3A_345 = arith.constant 0 : i32
        %dma_start3A_346 = arith.constant 0 : i32
        %dma_start3A_347 = tpu.memref_slice %arg3[%add3A, %add3A_344, %dma_start3A_345, %dma_start3A_346] : memref<32x126x2x80xi32, #tpu.memory_space<hbm>> -> memref<1x1x2x80xi32, #tpu.memory_space<hbm>>
        %dma_start3A_348 = tpu.memref_squeeze %dma_start3A_347 : memref<1x1x2x80xi32, #tpu.memory_space<hbm>> -> memref<2x80xi32, #tpu.memory_space<hbm>>
        %dma_start3A_349 = arith.constant 0 : i32
        %dma_start3A_350 = arith.constant 0 : i32
        %dma_start3A_351 = tpu.memref_slice %arg3[%add3A, %add3A_344, %dma_start3A_349, %dma_start3A_350] : memref<32x126x2x80xi32, #tpu.memory_space<hbm>> -> memref<1x1x2x80xi32, #tpu.memory_space<hbm>>
        %dma_start3A_352 = tpu.memref_squeeze %dma_start3A_351 : memref<1x1x2x80xi32, #tpu.memory_space<hbm>> -> memref<2x80xi32, #tpu.memory_space<hbm>>
        tpu.enqueue_dma source(%dma_start3A_352 : memref<2x80xi32, #tpu.memory_space<hbm>>) target(%arg17 : memref<2x80xi32, #tpu.memory_space<vmem>>) target_semaphore(%arg29 : memref<!tpu.dma_semaphore, #tpu.memory_space<semaphore_mem>>)
      } else {
      }
    }
    %scan3A_45 = arith.constant 31 : i32
    %dma_wait3A = arith.constant 124 : i32
    %dma_wait3A_46 = arith.constant 0 : i32
    %dma_wait3A_47 = arith.constant 0 : i32
    %dma_wait3A_48 = tpu.memref_slice %arg3[%add3A, %dma_wait3A, %dma_wait3A_46, %dma_wait3A_47] : memref<32x126x2x80xi32, #tpu.memory_space<hbm>> -> memref<1x1x2x80xi32, #tpu.memory_space<hbm>>
    %dma_wait3A_49 = tpu.memref_squeeze %dma_wait3A_48 : memref<1x1x2x80xi32, #tpu.memory_space<hbm>> -> memref<2x80xi32, #tpu.memory_space<hbm>>
    %dma_wait3A_50 = arith.constant 0 : i32
    %dma_wait3A_51 = arith.constant 0 : i32
    %dma_wait3A_52 = tpu.memref_slice %arg3[%add3A, %dma_wait3A, %dma_wait3A_50, %dma_wait3A_51] : memref<32x126x2x80xi32, #tpu.memory_space<hbm>> -> memref<1x1x2x80xi32, #tpu.memory_space<hbm>>
    %dma_wait3A_53 = tpu.memref_squeeze %dma_wait3A_52 : memref<1x1x2x80xi32, #tpu.memory_space<hbm>> -> memref<2x80xi32, #tpu.memory_space<hbm>>
    tpu.wait_dma2 semaphore(%arg20 : memref<!tpu.dma_semaphore, #tpu.memory_space<semaphore_mem>>) src(%dma_wait3A_53 : memref<2x80xi32, #tpu.memory_space<hbm>>) dst(%arg8 : memref<2x80xi32, #tpu.memory_space<vmem>>)
    %ge3A = arith.constant 124 : i32
    %ge3A_54 = arith.constant 4 : i32
    %ge3A_55 = arith.cmpi sge, %ge3A, %ge3A_54 : i32
    %convert_element_type3A = arith.extui %ge3A_55 : i1 to i32
    %cond3A = arith.constant 0 : i32
    %cond3A_56 = arith.cmpi ne, %convert_element_type3A, %cond3A : i32
    scf.if %cond3A_56 {
      %dma_wait3A_152 = arith.constant 0 : i32
      %dma_wait3A_153 = arith.constant 0 : i32
      %dma_wait3A_154 = tpu.memref_slice %arg7[%dma_wait3A_152, %dma_wait3A_153] : memref<10240x128xf32, #tpu.memory_space<vmem_shared>> -> memref<10240x128xf32, #tpu.memory_space<vmem_shared>>
      tpu.wait_indirect_dma semaphore(%arg22 : memref<!tpu.dma_semaphore, #tpu.memory_space<semaphore_mem>>) src(%arg10 : memref<80x128xf32, #tpu.memory_space<vmem>>) dst(%dma_wait3A_154 : memref<10240x128xf32, #tpu.memory_space<vmem_shared>>)
    } else {
    }
    %scan3A_57 = arith.constant 0 : i32
    %scan3A_58 = arith.constant 0 : i32
    %scan3A_59 = arith.constant 5 : i32
    %scan3A_60 = arith.addi %scan3A_58, %scan3A_59 : i32
    %scan3A_61 = arith.constant 1 : i32
    scf.for %scan3A_152 = %scan3A_58 to %scan3A_60 step %scan3A_61  : i32 {
      %mul3A_153 = arith.constant 16 : i32
      %mul3A_154 = arith.muli %scan3A_152, %mul3A_153 : i32
      %get3A = arith.constant 1 : i32
      %get3A_155 = arith.index_cast %get3A : i32 to index
      %get3A_156 = arith.index_cast %mul3A_154 : i32 to index
      %get3A_157 = tpu.vector_load %arg8[%get3A_155, %get3A_156] {strides = array<i32>} : memref<2x80xi32, #tpu.memory_space<vmem>>, vector<16xi32>,
      %mul3A_158 = arith.constant 16 : i32
      %mul3A_159 = arith.muli %scan3A_152, %mul3A_158 : i32
      %swap3A = arith.index_cast %mul3A_159 : i32 to index
      %swap3A_160 = tpu.vector_load %arg9[%swap3A] {strides = array<i32>} : memref<80xi32, #tpu.memory_space<vmem>>, vector<16xi32>,
      tpu.vector_store %arg9[%swap3A], %get3A_157 {strides = array<i32>} : memref<80xi32, #tpu.memory_space<vmem>>, vector<16xi32>,
    }
    %scan3A_62 = arith.constant 5 : i32
    %dma_start3A_63 = arith.constant 0 : i32
    %dma_start3A_64 = arith.constant 0 : i32
    %dma_start3A_65 = tpu.memref_slice %arg8[%dma_start3A_63, %dma_start3A_64] : memref<2x80xi32, #tpu.memory_space<vmem>> -> memref<1x80xi32, #tpu.memory_space<vmem>>
    %dma_start3A_66 = tpu.memref_squeeze %dma_start3A_65 : memref<1x80xi32, #tpu.memory_space<vmem>> -> memref<80xi32, #tpu.memory_space<vmem>>
    %dma_start3A_67 = arith.constant 0 : i32
    %dma_start3A_68 = arith.constant 0 : i32
    %dma_start3A_69 = tpu.memref_slice %arg2[%dma_start3A_67, %dma_start3A_68] : memref<10240x128xf32, #tpu.memory_space<hbm>> -> memref<10240x128xf32, #tpu.memory_space<hbm>>
    tpu.enqueue_indirect_dma source(%dma_start3A_69 : memref<10240x128xf32, #tpu.memory_space<hbm>>) target(%arg10 : memref<80x128xf32, #tpu.memory_space<vmem>>) offsets(%dma_start3A_66 : memref<80xi32, #tpu.memory_space<vmem>>) semaphore(%arg21 : memref<!tpu.dma_semaphore, #tpu.memory_space<semaphore_mem>>)
    %dma_wait3A_70 = arith.constant 0 : i32
    %dma_wait3A_71 = arith.constant 0 : i32
    %dma_wait3A_72 = tpu.memref_slice %arg8[%dma_wait3A_70, %dma_wait3A_71] : memref<2x80xi32, #tpu.memory_space<vmem>> -> memref<1x80xi32, #tpu.memory_space<vmem>>
    %dma_wait3A_73 = tpu.memref_squeeze %dma_wait3A_72 : memref<1x80xi32, #tpu.memory_space<vmem>> -> memref<80xi32, #tpu.memory_space<vmem>>
    %dma_wait3A_74 = arith.constant 0 : i32
    %dma_wait3A_75 = arith.constant 0 : i32
    %dma_wait3A_76 = tpu.memref_slice %arg2[%dma_wait3A_74, %dma_wait3A_75] : memref<10240x128xf32, #tpu.memory_space<hbm>> -> memref<10240x128xf32, #tpu.memory_space<hbm>>
    tpu.wait_indirect_dma semaphore(%arg21 : memref<!tpu.dma_semaphore, #tpu.memory_space<semaphore_mem>>) src(%dma_wait3A_76 : memref<10240x128xf32, #tpu.memory_space<hbm>>) dst(%arg10 : memref<80x128xf32, #tpu.memory_space<vmem>>)
    %dma_start3A_77 = arith.constant 0 : i32
    %dma_start3A_78 = arith.constant 0 : i32
    %dma_start3A_79 = tpu.memref_slice %arg7[%dma_start3A_77, %dma_start3A_78] : memref<10240x128xf32, #tpu.memory_space<vmem_shared>> -> memref<10240x128xf32, #tpu.memory_space<vmem_shared>>
    tpu.enqueue_indirect_dma source(%arg10 : memref<80x128xf32, #tpu.memory_space<vmem>>) target(%dma_start3A_79 : memref<10240x128xf32, #tpu.memory_space<vmem_shared>>) offsets(%arg9 : memref<80xi32, #tpu.memory_space<vmem>>) semaphore(%arg22 : memref<!tpu.dma_semaphore, #tpu.memory_space<semaphore_mem>>) {add = true}
    %add3A_80 = arith.constant 124 : i32
    %add3A_81 = arith.constant 4 : i32
    %add3A_82 = arith.addi %add3A_80, %add3A_81 : i32
    %lt3A = arith.constant 126 : i32
    %lt3A_83 = arith.cmpi slt, %add3A_82, %lt3A : i32
    %convert_element_type3A_84 = arith.extui %lt3A_83 : i1 to i32
    %cond3A_85 = arith.constant 124 : i32
    %cond3A_86 = arith.constant 0 : i32
    %cond3A_87 = arith.cmpi ne, %convert_element_type3A_84, %cond3A_86 : i32
    scf.if %cond3A_87 {
      %add3A_152 = arith.constant 4 : i32
      %add3A_153 = arith.addi %cond3A_85, %add3A_152 : i32
      %dma_start3A_154 = arith.constant 0 : i32
      %dma_start3A_155 = arith.constant 0 : i32
      %dma_start3A_156 = tpu.memref_slice %arg3[%add3A, %add3A_153, %dma_start3A_154, %dma_start3A_155] : memref<32x126x2x80xi32, #tpu.memory_space<hbm>> -> memref<1x1x2x80xi32, #tpu.memory_space<hbm>>
      %dma_start3A_157 = tpu.memref_squeeze %dma_start3A_156 : memref<1x1x2x80xi32, #tpu.memory_space<hbm>> -> memref<2x80xi32, #tpu.memory_space<hbm>>
      %dma_start3A_158 = arith.constant 0 : i32
      %dma_start3A_159 = arith.constant 0 : i32
      %dma_start3A_160 = tpu.memref_slice %arg3[%add3A, %add3A_153, %dma_start3A_158, %dma_start3A_159] : memref<32x126x2x80xi32, #tpu.memory_space<hbm>> -> memref<1x1x2x80xi32, #tpu.memory_space<hbm>>
      %dma_start3A_161 = tpu.memref_squeeze %dma_start3A_160 : memref<1x1x2x80xi32, #tpu.memory_space<hbm>> -> memref<2x80xi32, #tpu.memory_space<hbm>>
      tpu.enqueue_dma source(%dma_start3A_161 : memref<2x80xi32, #tpu.memory_space<hbm>>) target(%arg8 : memref<2x80xi32, #tpu.memory_space<vmem>>) target_semaphore(%arg20 : memref<!tpu.dma_semaphore, #tpu.memory_space<semaphore_mem>>)
    } else {
    }
    %dma_wait3A_88 = arith.constant 125 : i32
    %dma_wait3A_89 = arith.constant 0 : i32
    %dma_wait3A_90 = arith.constant 0 : i32
    %dma_wait3A_91 = tpu.memref_slice %arg3[%add3A, %dma_wait3A_88, %dma_wait3A_89, %dma_wait3A_90] : memref<32x126x2x80xi32, #tpu.memory_space<hbm>> -> memref<1x1x2x80xi32, #tpu.memory_space<hbm>>
    %dma_wait3A_92 = tpu.memref_squeeze %dma_wait3A_91 : memref<1x1x2x80xi32, #tpu.memory_space<hbm>> -> memref<2x80xi32, #tpu.memory_space<hbm>>
    %dma_wait3A_93 = arith.constant 0 : i32
    %dma_wait3A_94 = arith.constant 0 : i32
    %dma_wait3A_95 = tpu.memref_slice %arg3[%add3A, %dma_wait3A_88, %dma_wait3A_93, %dma_wait3A_94] : memref<32x126x2x80xi32, #tpu.memory_space<hbm>> -> memref<1x1x2x80xi32, #tpu.memory_space<hbm>>
    %dma_wait3A_96 = tpu.memref_squeeze %dma_wait3A_95 : memref<1x1x2x80xi32, #tpu.memory_space<hbm>> -> memref<2x80xi32, #tpu.memory_space<hbm>>
    tpu.wait_dma2 semaphore(%arg23 : memref<!tpu.dma_semaphore, #tpu.memory_space<semaphore_mem>>) src(%dma_wait3A_96 : memref<2x80xi32, #tpu.memory_space<hbm>>) dst(%arg11 : memref<2x80xi32, #tpu.memory_space<vmem>>)
    %ge3A_97 = arith.constant 125 : i32
    %ge3A_98 = arith.constant 4 : i32
    %ge3A_99 = arith.cmpi sge, %ge3A_97, %ge3A_98 : i32
    %convert_element_type3A_100 = arith.extui %ge3A_99 : i1 to i32
    %cond3A_101 = arith.constant 0 : i32
    %cond3A_102 = arith.cmpi ne, %convert_element_type3A_100, %cond3A_101 : i32
    scf.if %cond3A_102 {
      %dma_wait3A_152 = arith.constant 0 : i32
      %dma_wait3A_153 = arith.constant 0 : i32
      %dma_wait3A_154 = tpu.memref_slice %arg7[%dma_wait3A_152, %dma_wait3A_153] : memref<10240x128xf32, #tpu.memory_space<vmem_shared>> -> memref<10240x128xf32, #tpu.memory_space<vmem_shared>>
      tpu.wait_indirect_dma semaphore(%arg25 : memref<!tpu.dma_semaphore, #tpu.memory_space<semaphore_mem>>) src(%arg13 : memref<80x128xf32, #tpu.memory_space<vmem>>) dst(%dma_wait3A_154 : memref<10240x128xf32, #tpu.memory_space<vmem_shared>>)
    } else {
    }
    %scan3A_103 = arith.constant 0 : i32
    %scan3A_104 = arith.constant 0 : i32
    %scan3A_105 = arith.constant 5 : i32
    %scan3A_106 = arith.addi %scan3A_104, %scan3A_105 : i32
    %scan3A_107 = arith.constant 1 : i32
    scf.for %scan3A_152 = %scan3A_104 to %scan3A_106 step %scan3A_107  : i32 {
      %mul3A_153 = arith.constant 16 : i32
      %mul3A_154 = arith.muli %scan3A_152, %mul3A_153 : i32
      %get3A = arith.constant 1 : i32
      %get3A_155 = arith.index_cast %get3A : i32 to index
      %get3A_156 = arith.index_cast %mul3A_154 : i32 to index
      %get3A_157 = tpu.vector_load %arg11[%get3A_155, %get3A_156] {strides = array<i32>} : memref<2x80xi32, #tpu.memory_space<vmem>>, vector<16xi32>,
      %mul3A_158 = arith.constant 16 : i32
      %mul3A_159 = arith.muli %scan3A_152, %mul3A_158 : i32
      %swap3A = arith.index_cast %mul3A_159 : i32 to index
      %swap3A_160 = tpu.vector_load %arg12[%swap3A] {strides = array<i32>} : memref<80xi32, #tpu.memory_space<vmem>>, vector<16xi32>,
      tpu.vector_store %arg12[%swap3A], %get3A_157 {strides = array<i32>} : memref<80xi32, #tpu.memory_space<vmem>>, vector<16xi32>,
    }
    %scan3A_108 = arith.constant 5 : i32
    %dma_start3A_109 = arith.constant 0 : i32
    %dma_start3A_110 = arith.constant 0 : i32
    %dma_start3A_111 = tpu.memref_slice %arg11[%dma_start3A_109, %dma_start3A_110] : memref<2x80xi32, #tpu.memory_space<vmem>> -> memref<1x80xi32, #tpu.memory_space<vmem>>
    %dma_start3A_112 = tpu.memref_squeeze %dma_start3A_111 : memref<1x80xi32, #tpu.memory_space<vmem>> -> memref<80xi32, #tpu.memory_space<vmem>>
    %dma_start3A_113 = arith.constant 0 : i32
    %dma_start3A_114 = arith.constant 0 : i32
    %dma_start3A_115 = tpu.memref_slice %arg2[%dma_start3A_113, %dma_start3A_114] : memref<10240x128xf32, #tpu.memory_space<hbm>> -> memref<10240x128xf32, #tpu.memory_space<hbm>>
    tpu.enqueue_indirect_dma source(%dma_start3A_115 : memref<10240x128xf32, #tpu.memory_space<hbm>>) target(%arg13 : memref<80x128xf32, #tpu.memory_space<vmem>>) offsets(%dma_start3A_112 : memref<80xi32, #tpu.memory_space<vmem>>) semaphore(%arg24 : memref<!tpu.dma_semaphore, #tpu.memory_space<semaphore_mem>>)
    %dma_wait3A_116 = arith.constant 0 : i32
    %dma_wait3A_117 = arith.constant 0 : i32
    %dma_wait3A_118 = tpu.memref_slice %arg11[%dma_wait3A_116, %dma_wait3A_117] : memref<2x80xi32, #tpu.memory_space<vmem>> -> memref<1x80xi32, #tpu.memory_space<vmem>>
    %dma_wait3A_119 = tpu.memref_squeeze %dma_wait3A_118 : memref<1x80xi32, #tpu.memory_space<vmem>> -> memref<80xi32, #tpu.memory_space<vmem>>
    %dma_wait3A_120 = arith.constant 0 : i32
    %dma_wait3A_121 = arith.constant 0 : i32
    %dma_wait3A_122 = tpu.memref_slice %arg2[%dma_wait3A_120, %dma_wait3A_121] : memref<10240x128xf32, #tpu.memory_space<hbm>> -> memref<10240x128xf32, #tpu.memory_space<hbm>>
    tpu.wait_indirect_dma semaphore(%arg24 : memref<!tpu.dma_semaphore, #tpu.memory_space<semaphore_mem>>) src(%dma_wait3A_122 : memref<10240x128xf32, #tpu.memory_space<hbm>>) dst(%arg13 : memref<80x128xf32, #tpu.memory_space<vmem>>)
    %dma_start3A_123 = arith.constant 0 : i32
    %dma_start3A_124 = arith.constant 0 : i32
    %dma_start3A_125 = tpu.memref_slice %arg7[%dma_start3A_123, %dma_start3A_124] : memref<10240x128xf32, #tpu.memory_space<vmem_shared>> -> memref<10240x128xf32, #tpu.memory_space<vmem_shared>>
    tpu.enqueue_indirect_dma source(%arg13 : memref<80x128xf32, #tpu.memory_space<vmem>>) target(%dma_start3A_125 : memref<10240x128xf32, #tpu.memory_space<vmem_shared>>) offsets(%arg12 : memref<80xi32, #tpu.memory_space<vmem>>) semaphore(%arg25 : memref<!tpu.dma_semaphore, #tpu.memory_space<semaphore_mem>>) {add = true}
    %add3A_126 = arith.constant 125 : i32
    %add3A_127 = arith.constant 4 : i32
    %add3A_128 = arith.addi %add3A_126, %add3A_127 : i32
    %lt3A_129 = arith.constant 126 : i32
    %lt3A_130 = arith.cmpi slt, %add3A_128, %lt3A_129 : i32
    %convert_element_type3A_131 = arith.extui %lt3A_130 : i1 to i32
    %cond3A_132 = arith.constant 125 : i32
    %cond3A_133 = arith.constant 0 : i32
    %cond3A_134 = arith.cmpi ne, %convert_element_type3A_131, %cond3A_133 : i32
    scf.if %cond3A_134 {
      %add3A_152 = arith.constant 4 : i32
      %add3A_153 = arith.addi %cond3A_132, %add3A_152 : i32
      %dma_start3A_154 = arith.constant 0 : i32
      %dma_start3A_155 = arith.constant 0 : i32
      %dma_start3A_156 = tpu.memref_slice %arg3[%add3A, %add3A_153, %dma_start3A_154, %dma_start3A_155] : memref<32x126x2x80xi32, #tpu.memory_space<hbm>> -> memref<1x1x2x80xi32, #tpu.memory_space<hbm>>
      %dma_start3A_157 = tpu.memref_squeeze %dma_start3A_156 : memref<1x1x2x80xi32, #tpu.memory_space<hbm>> -> memref<2x80xi32, #tpu.memory_space<hbm>>
      %dma_start3A_158 = arith.constant 0 : i32
      %dma_start3A_159 = arith.constant 0 : i32
      %dma_start3A_160 = tpu.memref_slice %arg3[%add3A, %add3A_153, %dma_start3A_158, %dma_start3A_159] : memref<32x126x2x80xi32, #tpu.memory_space<hbm>> -> memref<1x1x2x80xi32, #tpu.memory_space<hbm>>
      %dma_start3A_161 = tpu.memref_squeeze %dma_start3A_160 : memref<1x1x2x80xi32, #tpu.memory_space<hbm>> -> memref<2x80xi32, #tpu.memory_space<hbm>>
      tpu.enqueue_dma source(%dma_start3A_161 : memref<2x80xi32, #tpu.memory_space<hbm>>) target(%arg11 : memref<2x80xi32, #tpu.memory_space<vmem>>) target_semaphore(%arg23 : memref<!tpu.dma_semaphore, #tpu.memory_space<semaphore_mem>>)
    } else {
    }
    %dma_wait3A_135 = arith.constant 0 : i32
    %dma_wait3A_136 = arith.constant 0 : i32
    %dma_wait3A_137 = tpu.memref_slice %arg7[%dma_wait3A_135, %dma_wait3A_136] : memref<10240x128xf32, #tpu.memory_space<vmem_shared>> -> memref<10240x128xf32, #tpu.memory_space<vmem_shared>>
    tpu.wait_indirect_dma semaphore(%arg22 : memref<!tpu.dma_semaphore, #tpu.memory_space<semaphore_mem>>) src(%arg10 : memref<80x128xf32, #tpu.memory_space<vmem>>) dst(%dma_wait3A_137 : memref<10240x128xf32, #tpu.memory_space<vmem_shared>>)
    %dma_wait3A_138 = arith.constant 0 : i32
    %dma_wait3A_139 = arith.constant 0 : i32
    %dma_wait3A_140 = tpu.memref_slice %arg7[%dma_wait3A_138, %dma_wait3A_139] : memref<10240x128xf32, #tpu.memory_space<vmem_shared>> -> memref<10240x128xf32, #tpu.memory_space<vmem_shared>>
    tpu.wait_indirect_dma semaphore(%arg25 : memref<!tpu.dma_semaphore, #tpu.memory_space<semaphore_mem>>) src(%arg13 : memref<80x128xf32, #tpu.memory_space<vmem>>) dst(%dma_wait3A_140 : memref<10240x128xf32, #tpu.memory_space<vmem_shared>>)
    %dma_wait3A_141 = arith.constant 0 : i32
    %dma_wait3A_142 = arith.constant 0 : i32
    %dma_wait3A_143 = tpu.memref_slice %arg7[%dma_wait3A_141, %dma_wait3A_142] : memref<10240x128xf32, #tpu.memory_space<vmem_shared>> -> memref<10240x128xf32, #tpu.memory_space<vmem_shared>>
    tpu.wait_indirect_dma semaphore(%arg28 : memref<!tpu.dma_semaphore, #tpu.memory_space<semaphore_mem>>) src(%arg16 : memref<80x128xf32, #tpu.memory_space<vmem>>) dst(%dma_wait3A_143 : memref<10240x128xf32, #tpu.memory_space<vmem_shared>>)
    %dma_wait3A_144 = arith.constant 0 : i32
    %dma_wait3A_145 = arith.constant 0 : i32
    %dma_wait3A_146 = tpu.memref_slice %arg7[%dma_wait3A_144, %dma_wait3A_145] : memref<10240x128xf32, #tpu.memory_space<vmem_shared>> -> memref<10240x128xf32, #tpu.memory_space<vmem_shared>>
    tpu.wait_indirect_dma semaphore(%arg31 : memref<!tpu.dma_semaphore, #tpu.memory_space<semaphore_mem>>) src(%arg19 : memref<80x128xf32, #tpu.memory_space<vmem>>) dst(%dma_wait3A_146 : memref<10240x128xf32, #tpu.memory_space<vmem_shared>>)
    %barrier3A_147 = arith.constant 0 : index
    tpu.barrier barrier_id(%barrier3A_147)
    %mul3A_148 = arith.constant 640 : i32
    %mul3A_149 = arith.muli %arg1, %mul3A_148 : i32
    %mul3A_150 = arith.constant 640 : i32
    %mul3A_151 = arith.muli %arg1, %mul3A_150 : i32
    "tpu.region"() ({
      %run_scoped3A = tpu.sem_alloc : memref<!tpu.dma_semaphore, #tpu.memory_space<semaphore_mem>>
      %dma_start3A_152 = arith.constant 0 : i32
      %dma_start3A_153 = tpu.memref_slice %arg6[%arg0, %mul3A_151, %dma_start3A_152] : memref<2x10240x128xf32, #tpu.memory_space<hbm>> -> memref<1x640x128xf32, #tpu.memory_space<hbm>>
      %dma_start3A_154 = tpu.memref_squeeze %dma_start3A_153 : memref<1x640x128xf32, #tpu.memory_space<hbm>> -> memref<640x128xf32, #tpu.memory_space<hbm>>
      %dma_start3A_155 = arith.constant 0 : i32
      %dma_start3A_156 = tpu.memref_slice %arg7[%mul3A_149, %dma_start3A_155] : memref<10240x128xf32, #tpu.memory_space<vmem_shared>> -> memref<640x128xf32, #tpu.memory_space<vmem_shared>>
      tpu.enqueue_dma source(%dma_start3A_156 : memref<640x128xf32, #tpu.memory_space<vmem_shared>>) target(%dma_start3A_154 : memref<640x128xf32, #tpu.memory_space<hbm>>) target_semaphore(%run_scoped3A : memref<!tpu.dma_semaphore, #tpu.memory_space<semaphore_mem>>)
      %dma_wait3A_157 = arith.constant 0 : i32
      %dma_wait3A_158 = tpu.memref_slice %arg6[%arg0, %mul3A_151, %dma_wait3A_157] : memref<2x10240x128xf32, #tpu.memory_space<hbm>> -> memref<1x640x128xf32, #tpu.memory_space<hbm>>
      %dma_wait3A_159 = tpu.memref_squeeze %dma_wait3A_158 : memref<1x640x128xf32, #tpu.memory_space<hbm>> -> memref<640x128xf32, #tpu.memory_space<hbm>>
      %dma_wait3A_160 = arith.constant 0 : i32
      %dma_wait3A_161 = tpu.memref_slice %arg7[%mul3A_149, %dma_wait3A_160] : memref<10240x128xf32, #tpu.memory_space<vmem_shared>> -> memref<640x128xf32, #tpu.memory_space<vmem_shared>>
      tpu.wait_dma2 semaphore(%run_scoped3A : memref<!tpu.dma_semaphore, #tpu.memory_space<semaphore_mem>>) src(%dma_wait3A_161 : memref<640x128xf32, #tpu.memory_space<vmem_shared>>) dst(%dma_wait3A_159 : memref<640x128xf32, #tpu.memory_space<hbm>>)
      tpu.yield
    }) : () -> ()
    return
  }
}

module attributes {stable_mosaic.version = 14 : i64} {
  func.func @_tc_b_body(%arg0: i32, %arg1: memref<2x1280x128xf32, #tpu.memory_space<vmem>>, %arg2: memref<1280x32xf32, #tpu.memory_space<vmem>>, %arg3: memref<1280x128xf32, #tpu.memory_space<vmem>>, %arg4: memref<128x128xf32, #tpu.memory_space<vmem>>, %arg5: memref<1280x128xf32, #tpu.memory_space<vmem>>) attributes {dimension_semantics = [#tpu.dimension_semantics<arbitrary>], iteration_bounds = array<i64: 8>, scalar_prefetch = 0 : i64, scratch_operands = 0 : i64, tpu.core_type = #tpu.core_type<tc>, window_params = [{transform_indices = @transform_0, window_bounds = array<i64: 2, 1280, 128>}, {transform_indices = @transform_1, window_bounds = array<i64: 1280, 32>}, {transform_indices = @transform_2, window_bounds = array<i64: 1280, 128>}, {pipeline_mode = #tpu.pipeline_mode<synchronous>, transform_indices = @transform_3, window_bounds = array<i64: 128, 128>}, {transform_indices = @transform_4, window_bounds = array<i64: 1280, 128>}]} {
    %get3A = arith.constant 0 : index
    %get3A_0 = arith.constant 0 : index
    %get3A_1 = arith.constant 0 : index
    %get3A_2 = vector.load %arg1[%get3A, %get3A_0, %get3A_1] : memref<2x1280x128xf32, #tpu.memory_space<vmem>>, vector<1x1280x128xf32>
    %get3A_3 = vector.shape_cast %get3A_2 : vector<1x1280x128xf32> to vector<1280x128xf32>
    %get3A_4 = arith.constant 1 : index
    %get3A_5 = arith.constant 0 : index
    %get3A_6 = arith.constant 0 : index
    %get3A_7 = vector.load %arg1[%get3A_4, %get3A_5, %get3A_6] : memref<2x1280x128xf32, #tpu.memory_space<vmem>>, vector<1x1280x128xf32>
    %get3A_8 = vector.shape_cast %get3A_7 : vector<1x1280x128xf32> to vector<1280x128xf32>
    %add3A = arith.addf %get3A_3, %get3A_8 : vector<1280x128xf32>
    %get3A_9 = arith.constant 0 : index
    %get3A_10 = arith.constant 0 : index
    %get3A_11 = vector.load %arg2[%get3A_9, %get3A_10] : memref<1280x32xf32, #tpu.memory_space<vmem>>, vector<1280x32xf32>
    %reduce_sum3A = arith.constant dense<0.000000e+00> : vector<1280xf32>
    %reduce_sum3A_12 = vector.multi_reduction <add>, %get3A_11, %reduce_sum3A [1] : vector<1280x32xf32> to vector<1280xf32>
    %broadcast_in_dim3A = vector.shape_cast %reduce_sum3A_12 : vector<1280xf32> to vector<1280x1xf32>
    %get3A_13 = arith.constant 0 : index
    %get3A_14 = arith.constant 0 : index
    %get3A_15 = vector.load %arg4[%get3A_13, %get3A_14] : memref<128x128xf32, #tpu.memory_space<vmem>>, vector<128x128xf32>
    %dot_general3A = arith.constant dense<0.000000e+00> : vector<1280x128xf32>
    %dot_general3A_16 = tpu.matmul %add3A, %get3A_15, %dot_general3A {dimension_numbers = #tpu.dot_dimension_numbers<[1], [0], [0], [1], [0, 0, 1, 1], [], []>, transpose_lhs_hint = false} : vector<1280x128xf32>, vector<128x128xf32>, vector<1280x128xf32> -> vector<1280x128xf32>
    %max3A = arith.constant 1.000000e+00 : f32
    %max3A_17 = vector.broadcast %max3A : f32 to vector<1280x1xf32>
    %max3A_18 = arith.maximumf %broadcast_in_dim3A, %max3A_17 : vector<1280x1xf32>
    %div3A = vector.broadcast %max3A_18 : vector<1280x1xf32> to vector<1280x128xf32>
    %div3A_19 = arith.divf %dot_general3A_16, %div3A : vector<1280x128xf32>
    %get3A_20 = arith.constant 0 : index
    %get3A_21 = arith.constant 0 : index
    %get3A_22 = vector.load %arg3[%get3A_20, %get3A_21] : memref<1280x128xf32, #tpu.memory_space<vmem>>, vector<1280x128xf32>
    %add3A_23 = arith.addf %div3A_19, %get3A_22 : vector<1280x128xf32>
    %ge3A = arith.constant 0.000000e+00 : f32
    %ge3A_24 = vector.broadcast %ge3A : f32 to vector<1280x128xf32>
    %ge3A_25 = arith.cmpf oge, %add3A_23, %ge3A_24 : vector<1280x128xf32>
    %mul3A = arith.constant 0.229166672 : f32
    %mul3A_26 = vector.broadcast %mul3A : f32 to vector<1280x128xf32>
    %mul3A_27 = arith.mulf %add3A_23, %mul3A_26 : vector<1280x128xf32>
    %select_n3A = arith.select %ge3A_25, %add3A_23, %mul3A_27 : vector<1280x128xi1>, vector<1280x128xf32>
    %mul3A_28 = arith.mulf %select_n3A, %select_n3A : vector<1280x128xf32>
    %reduce_sum3A_29 = arith.constant dense<0.000000e+00> : vector<1280xf32>
    %reduce_sum3A_30 = vector.multi_reduction <add>, %mul3A_28, %reduce_sum3A_29 [1] : vector<1280x128xf32> to vector<1280xf32>
    %broadcast_in_dim3A_31 = vector.shape_cast %reduce_sum3A_30 : vector<1280xf32> to vector<1280x1xf32>
    %sqrt3A = math.sqrt %broadcast_in_dim3A_31 : vector<1280x1xf32>
    %max3A_32 = arith.constant 1.000000e-10 : f32
    %max3A_33 = vector.broadcast %max3A_32 : f32 to vector<1280x1xf32>
    %max3A_34 = arith.maximumf %sqrt3A, %max3A_33 : vector<1280x1xf32>
    %mul3A_35 = arith.constant 1.000000e-01 : f32
    %mul3A_36 = vector.broadcast %mul3A_35 : f32 to vector<1280x1xf32>
    %mul3A_37 = arith.mulf %mul3A_36, %max3A_34 : vector<1280x1xf32>
    %tanh3A = math.tanh %mul3A_37 : vector<1280x1xf32>
    %mul3A_38 = vector.broadcast %tanh3A : vector<1280x1xf32> to vector<1280x128xf32>
    %mul3A_39 = arith.mulf %mul3A_38, %select_n3A : vector<1280x128xf32>
    %mul3A_40 = arith.constant 1.000000e-01 : f32
    %mul3A_41 = vector.broadcast %mul3A_40 : f32 to vector<1280x1xf32>
    %mul3A_42 = arith.mulf %mul3A_41, %max3A_34 : vector<1280x1xf32>
    %div3A_43 = vector.broadcast %mul3A_42 : vector<1280x1xf32> to vector<1280x128xf32>
    %div3A_44 = arith.divf %mul3A_39, %div3A_43 : vector<1280x128xf32>
    %mul3A_45 = arith.mulf %div3A_44, %div3A_44 : vector<1280x128xf32>
    %reduce_sum3A_46 = arith.constant dense<0.000000e+00> : vector<1280xf32>
    %reduce_sum3A_47 = vector.multi_reduction <add>, %mul3A_45, %reduce_sum3A_46 [1] : vector<1280x128xf32> to vector<1280xf32>
    %broadcast_in_dim3A_48 = vector.shape_cast %reduce_sum3A_47 : vector<1280xf32> to vector<1280x1xf32>
    %sqrt3A_49 = math.sqrt %broadcast_in_dim3A_48 : vector<1280x1xf32>
    %max3A_50 = arith.constant 1.000000e-10 : f32
    %max3A_51 = vector.broadcast %max3A_50 : f32 to vector<1280x1xf32>
    %max3A_52 = arith.maximumf %sqrt3A_49, %max3A_51 : vector<1280x1xf32>
    %mul3A_53 = arith.constant 1.000000e-01 : f32
    %mul3A_54 = vector.broadcast %mul3A_53 : f32 to vector<1280x1xf32>
    %mul3A_55 = arith.mulf %mul3A_54, %max3A_52 : vector<1280x1xf32>
    %jit3A = arith.constant 0.000000e+00 : f32
    %jit3A_56 = arith.constant 0.999989986 : f32
    %max3A_57 = vector.broadcast %jit3A : f32 to vector<1280x1xf32>
    %max3A_58 = arith.maximumf %max3A_57, %mul3A_55 : vector<1280x1xf32>
    %min3A = vector.broadcast %jit3A_56 : f32 to vector<1280x1xf32>
    %min3A_59 = arith.minimumf %min3A, %max3A_58 : vector<1280x1xf32>
    %log1p3A = math.log1p %min3A_59 : vector<1280x1xf32>
    %neg3A = arith.constant 0.000000e+00 : f32
    %neg3A_60 = vector.broadcast %neg3A : f32 to vector<1280x1xf32>
    %neg3A_61 = arith.subf %neg3A_60, %min3A_59 : vector<1280x1xf32>
    %log1p3A_62 = math.log1p %neg3A_61 : vector<1280x1xf32>
    %sub3A = arith.subf %log1p3A, %log1p3A_62 : vector<1280x1xf32>
    %mul3A_63 = arith.constant 5.000000e-01 : f32
    %mul3A_64 = vector.broadcast %mul3A_63 : f32 to vector<1280x1xf32>
    %mul3A_65 = arith.mulf %mul3A_64, %sub3A : vector<1280x1xf32>
    %mul3A_66 = vector.broadcast %mul3A_65 : vector<1280x1xf32> to vector<1280x128xf32>
    %mul3A_67 = arith.mulf %mul3A_66, %div3A_44 : vector<1280x128xf32>
    %mul3A_68 = arith.constant 1.000000e-01 : f32
    %mul3A_69 = vector.broadcast %mul3A_68 : f32 to vector<1280x1xf32>
    %mul3A_70 = arith.mulf %mul3A_69, %max3A_52 : vector<1280x1xf32>
    %div3A_71 = vector.broadcast %mul3A_70 : vector<1280x1xf32> to vector<1280x128xf32>
    %div3A_72 = arith.divf %mul3A_67, %div3A_71 : vector<1280x128xf32>
    %swap3A = arith.constant 0 : index
    %swap3A_73 = arith.constant 0 : index
    %swap3A_74 = vector.load %arg5[%swap3A, %swap3A_73] : memref<1280x128xf32, #tpu.memory_space<vmem>>, vector<1280x128xf32>
    tpu.vector_store %arg5[%swap3A, %swap3A_73], %div3A_72 {strides = array<i32>} : memref<1280x128xf32, #tpu.memory_space<vmem>>, vector<1280x128xf32>,
    return
  }
  func.func @transform_0(%arg0: i32) -> (i32, i32, i32) {
    %c0_i32 = arith.constant 0 : i32
    %c0_i32_0 = arith.constant 0 : i32
    %c0_i32_1 = arith.constant 0 : i32
    return %c0_i32, %arg0, %c0_i32_0 : i32, i32, i32
  }
  func.func @transform_1(%arg0: i32) -> (i32, i32) {
    %c0_i32 = arith.constant 0 : i32
    %c0_i32_0 = arith.constant 0 : i32
    return %arg0, %c0_i32 : i32, i32
  }
  func.func @transform_2(%arg0: i32) -> (i32, i32) {
    %c0_i32 = arith.constant 0 : i32
    %c0_i32_0 = arith.constant 0 : i32
    return %arg0, %c0_i32 : i32, i32
  }
  func.func @transform_3(%arg0: i32) -> (i32, i32) {
    %c0_i32 = arith.constant 0 : i32
    %c0_i32_0 = arith.constant 0 : i32
    %c0_i32_1 = arith.constant 0 : i32
    return %c0_i32, %c0_i32_0 : i32, i32
  }
  func.func @transform_4(%arg0: i32) -> (i32, i32) {
    %c0_i32 = arith.constant 0 : i32
    %c0_i32_0 = arith.constant 0 : i32
    return %arg0, %c0_i32 : i32, i32
  }
}

module attributes {stable_mosaic.version = 14 : i64} {
  func.func @_tc_c_body(%arg0: i32, %arg1: memref<2x1280x128xf32, #tpu.memory_space<vmem>>, %arg2: memref<1280x32xf32, #tpu.memory_space<vmem>>, %arg3: memref<1280x128xf32, #tpu.memory_space<vmem>>, %arg4: memref<1280x128xf32, #tpu.memory_space<vmem>>, %arg5: memref<128x128xf32, #tpu.memory_space<vmem>>, %arg6: memref<128x128xf32, #tpu.memory_space<vmem>>, %arg7: memref<128x128xf32, #tpu.memory_space<vmem>>, %arg8: memref<1280x128xf32, #tpu.memory_space<vmem>>) attributes {dimension_semantics = [#tpu.dimension_semantics<arbitrary>], iteration_bounds = array<i64: 8>, scalar_prefetch = 0 : i64, scratch_operands = 0 : i64, tpu.core_type = #tpu.core_type<tc>, window_params = [{transform_indices = @transform_0, window_bounds = array<i64: 2, 1280, 128>}, {transform_indices = @transform_1, window_bounds = array<i64: 1280, 32>}, {transform_indices = @transform_2, window_bounds = array<i64: 1280, 128>}, {transform_indices = @transform_3, window_bounds = array<i64: 1280, 128>}, {pipeline_mode = #tpu.pipeline_mode<synchronous>, transform_indices = @transform_4, window_bounds = array<i64: 128, 128>}, {pipeline_mode = #tpu.pipeline_mode<synchronous>, transform_indices = @transform_5, window_bounds = array<i64: 128, 128>}, {pipeline_mode = #tpu.pipeline_mode<synchronous>, transform_indices = @transform_6, window_bounds = array<i64: 128, 128>}, {transform_indices = @transform_7, window_bounds = array<i64: 1280, 128>}]} {
    %get3A = arith.constant 0 : index
    %get3A_0 = arith.constant 0 : index
    %get3A_1 = arith.constant 0 : index
    %get3A_2 = vector.load %arg1[%get3A, %get3A_0, %get3A_1] : memref<2x1280x128xf32, #tpu.memory_space<vmem>>, vector<1x1280x128xf32>
    %get3A_3 = vector.shape_cast %get3A_2 : vector<1x1280x128xf32> to vector<1280x128xf32>
    %get3A_4 = arith.constant 1 : index
    %get3A_5 = arith.constant 0 : index
    %get3A_6 = arith.constant 0 : index
    %get3A_7 = vector.load %arg1[%get3A_4, %get3A_5, %get3A_6] : memref<2x1280x128xf32, #tpu.memory_space<vmem>>, vector<1x1280x128xf32>
    %get3A_8 = vector.shape_cast %get3A_7 : vector<1x1280x128xf32> to vector<1280x128xf32>
    %add3A = arith.addf %get3A_3, %get3A_8 : vector<1280x128xf32>
    %get3A_9 = arith.constant 0 : index
    %get3A_10 = arith.constant 0 : index
    %get3A_11 = vector.load %arg2[%get3A_9, %get3A_10] : memref<1280x32xf32, #tpu.memory_space<vmem>>, vector<1280x32xf32>
    %reduce_sum3A = arith.constant dense<0.000000e+00> : vector<1280xf32>
    %reduce_sum3A_12 = vector.multi_reduction <add>, %get3A_11, %reduce_sum3A [1] : vector<1280x32xf32> to vector<1280xf32>
    %broadcast_in_dim3A = vector.shape_cast %reduce_sum3A_12 : vector<1280xf32> to vector<1280x1xf32>
    %get3A_13 = arith.constant 0 : index
    %get3A_14 = arith.constant 0 : index
    %get3A_15 = vector.load %arg5[%get3A_13, %get3A_14] : memref<128x128xf32, #tpu.memory_space<vmem>>, vector<128x128xf32>
    %dot_general3A = arith.constant dense<0.000000e+00> : vector<1280x128xf32>
    %dot_general3A_16 = tpu.matmul %add3A, %get3A_15, %dot_general3A {dimension_numbers = #tpu.dot_dimension_numbers<[1], [0], [0], [1], [0, 0, 1, 1], [], []>, transpose_lhs_hint = false} : vector<1280x128xf32>, vector<128x128xf32>, vector<1280x128xf32> -> vector<1280x128xf32>
    %max3A = arith.constant 1.000000e+00 : f32
    %max3A_17 = vector.broadcast %max3A : f32 to vector<1280x1xf32>
    %max3A_18 = arith.maximumf %broadcast_in_dim3A, %max3A_17 : vector<1280x1xf32>
    %div3A = vector.broadcast %max3A_18 : vector<1280x1xf32> to vector<1280x128xf32>
    %div3A_19 = arith.divf %dot_general3A_16, %div3A : vector<1280x128xf32>
    %get3A_20 = arith.constant 0 : index
    %get3A_21 = arith.constant 0 : index
    %get3A_22 = vector.load %arg3[%get3A_20, %get3A_21] : memref<1280x128xf32, #tpu.memory_space<vmem>>, vector<1280x128xf32>
    %add3A_23 = arith.addf %div3A_19, %get3A_22 : vector<1280x128xf32>
    %ge3A = arith.constant 0.000000e+00 : f32
    %ge3A_24 = vector.broadcast %ge3A : f32 to vector<1280x128xf32>
    %ge3A_25 = arith.cmpf oge, %add3A_23, %ge3A_24 : vector<1280x128xf32>
    %mul3A = arith.constant 0.229166672 : f32
    %mul3A_26 = vector.broadcast %mul3A : f32 to vector<1280x128xf32>
    %mul3A_27 = arith.mulf %add3A_23, %mul3A_26 : vector<1280x128xf32>
    %select_n3A = arith.select %ge3A_25, %add3A_23, %mul3A_27 : vector<1280x128xi1>, vector<1280x128xf32>
    %mul3A_28 = arith.mulf %select_n3A, %select_n3A : vector<1280x128xf32>
    %reduce_sum3A_29 = arith.constant dense<0.000000e+00> : vector<1280xf32>
    %reduce_sum3A_30 = vector.multi_reduction <add>, %mul3A_28, %reduce_sum3A_29 [1] : vector<1280x128xf32> to vector<1280xf32>
    %broadcast_in_dim3A_31 = vector.shape_cast %reduce_sum3A_30 : vector<1280xf32> to vector<1280x1xf32>
    %sqrt3A = math.sqrt %broadcast_in_dim3A_31 : vector<1280x1xf32>
    %max3A_32 = arith.constant 1.000000e-10 : f32
    %max3A_33 = vector.broadcast %max3A_32 : f32 to vector<1280x1xf32>
    %max3A_34 = arith.maximumf %sqrt3A, %max3A_33 : vector<1280x1xf32>
    %mul3A_35 = arith.constant 1.000000e-01 : f32
    %mul3A_36 = vector.broadcast %mul3A_35 : f32 to vector<1280x1xf32>
    %mul3A_37 = arith.mulf %mul3A_36, %max3A_34 : vector<1280x1xf32>
    %tanh3A = math.tanh %mul3A_37 : vector<1280x1xf32>
    %mul3A_38 = vector.broadcast %tanh3A : vector<1280x1xf32> to vector<1280x128xf32>
    %mul3A_39 = arith.mulf %mul3A_38, %select_n3A : vector<1280x128xf32>
    %mul3A_40 = arith.constant 1.000000e-01 : f32
    %mul3A_41 = vector.broadcast %mul3A_40 : f32 to vector<1280x1xf32>
    %mul3A_42 = arith.mulf %mul3A_41, %max3A_34 : vector<1280x1xf32>
    %div3A_43 = vector.broadcast %mul3A_42 : vector<1280x1xf32> to vector<1280x128xf32>
    %div3A_44 = arith.divf %mul3A_39, %div3A_43 : vector<1280x128xf32>
    %mul3A_45 = arith.mulf %div3A_44, %div3A_44 : vector<1280x128xf32>
    %reduce_sum3A_46 = arith.constant dense<0.000000e+00> : vector<1280xf32>
    %reduce_sum3A_47 = vector.multi_reduction <add>, %mul3A_45, %reduce_sum3A_46 [1] : vector<1280x128xf32> to vector<1280xf32>
    %broadcast_in_dim3A_48 = vector.shape_cast %reduce_sum3A_47 : vector<1280xf32> to vector<1280x1xf32>
    %sqrt3A_49 = math.sqrt %broadcast_in_dim3A_48 : vector<1280x1xf32>
    %max3A_50 = arith.constant 1.000000e-10 : f32
    %max3A_51 = vector.broadcast %max3A_50 : f32 to vector<1280x1xf32>
    %max3A_52 = arith.maximumf %sqrt3A_49, %max3A_51 : vector<1280x1xf32>
    %mul3A_53 = arith.constant 1.000000e-01 : f32
    %mul3A_54 = vector.broadcast %mul3A_53 : f32 to vector<1280x1xf32>
    %mul3A_55 = arith.mulf %mul3A_54, %max3A_52 : vector<1280x1xf32>
    %jit3A = arith.constant 0.000000e+00 : f32
    %jit3A_56 = arith.constant 0.999989986 : f32
    %max3A_57 = vector.broadcast %jit3A : f32 to vector<1280x1xf32>
    %max3A_58 = arith.maximumf %max3A_57, %mul3A_55 : vector<1280x1xf32>
    %min3A = vector.broadcast %jit3A_56 : f32 to vector<1280x1xf32>
    %min3A_59 = arith.minimumf %min3A, %max3A_58 : vector<1280x1xf32>
    %log1p3A = math.log1p %min3A_59 : vector<1280x1xf32>
    %neg3A = arith.constant 0.000000e+00 : f32
    %neg3A_60 = vector.broadcast %neg3A : f32 to vector<1280x1xf32>
    %neg3A_61 = arith.subf %neg3A_60, %min3A_59 : vector<1280x1xf32>
    %log1p3A_62 = math.log1p %neg3A_61 : vector<1280x1xf32>
    %sub3A = arith.subf %log1p3A, %log1p3A_62 : vector<1280x1xf32>
    %mul3A_63 = arith.constant 5.000000e-01 : f32
    %mul3A_64 = vector.broadcast %mul3A_63 : f32 to vector<1280x1xf32>
    %mul3A_65 = arith.mulf %mul3A_64, %sub3A : vector<1280x1xf32>
    %mul3A_66 = vector.broadcast %mul3A_65 : vector<1280x1xf32> to vector<1280x128xf32>
    %mul3A_67 = arith.mulf %mul3A_66, %div3A_44 : vector<1280x128xf32>
    %mul3A_68 = arith.constant 1.000000e-01 : f32
    %mul3A_69 = vector.broadcast %mul3A_68 : f32 to vector<1280x1xf32>
    %mul3A_70 = arith.mulf %mul3A_69, %max3A_52 : vector<1280x1xf32>
    %div3A_71 = vector.broadcast %mul3A_70 : vector<1280x1xf32> to vector<1280x128xf32>
    %div3A_72 = arith.divf %mul3A_67, %div3A_71 : vector<1280x128xf32>
    %get3A_73 = arith.constant 0 : index
    %get3A_74 = arith.constant 0 : index
    %get3A_75 = vector.load %arg4[%get3A_73, %get3A_74] : memref<1280x128xf32, #tpu.memory_space<vmem>>, vector<1280x128xf32>
    %get3A_76 = arith.constant 0 : index
    %get3A_77 = arith.constant 0 : index
    %get3A_78 = vector.load %arg6[%get3A_76, %get3A_77] : memref<128x128xf32, #tpu.memory_space<vmem>>, vector<128x128xf32>
    %dot_general3A_79 = arith.constant dense<0.000000e+00> : vector<1280x128xf32>
    %dot_general3A_80 = tpu.matmul %div3A_72, %get3A_78, %dot_general3A_79 {dimension_numbers = #tpu.dot_dimension_numbers<[1], [0], [0], [1], [0, 0, 1, 1], [], []>, transpose_lhs_hint = false} : vector<1280x128xf32>, vector<128x128xf32>, vector<1280x128xf32> -> vector<1280x128xf32>
    %get3A_81 = arith.constant 0 : index
    %get3A_82 = arith.constant 0 : index
    %get3A_83 = vector.load %arg7[%get3A_81, %get3A_82] : memref<128x128xf32, #tpu.memory_space<vmem>>, vector<128x128xf32>
    %dot_general3A_84 = arith.constant dense<0.000000e+00> : vector<1280x128xf32>
    %dot_general3A_85 = tpu.matmul %get3A_75, %get3A_83, %dot_general3A_84 {dimension_numbers = #tpu.dot_dimension_numbers<[1], [0], [0], [1], [0, 0, 1, 1], [], []>, transpose_lhs_hint = false} : vector<1280x128xf32>, vector<128x128xf32>, vector<1280x128xf32> -> vector<1280x128xf32>
    %add3A_86 = arith.addf %dot_general3A_80, %dot_general3A_85 : vector<1280x128xf32>
    %logistic3A = arith.negf %add3A_86 : vector<1280x128xf32>
    %logistic3A_87 = math.exp %logistic3A : vector<1280x128xf32>
    %logistic3A_88 = arith.constant 1.000000e+00 : f32
    %logistic3A_89 = vector.broadcast %logistic3A_88 : f32 to vector<1280x128xf32>
    %logistic3A_90 = arith.addf %logistic3A_89, %logistic3A_87 : vector<1280x128xf32>
    %logistic3A_91 = arith.divf %logistic3A_89, %logistic3A_90 : vector<1280x128xf32>
    %mul3A_92 = arith.mulf %logistic3A_91, %div3A_72 : vector<1280x128xf32>
    %sub3A_93 = arith.constant 1.000000e+00 : f32
    %sub3A_94 = vector.broadcast %sub3A_93 : f32 to vector<1280x128xf32>
    %sub3A_95 = arith.subf %sub3A_94, %logistic3A_91 : vector<1280x128xf32>
    %mul3A_96 = arith.mulf %sub3A_95, %get3A_75 : vector<1280x128xf32>
    %add3A_97 = arith.addf %mul3A_92, %mul3A_96 : vector<1280x128xf32>
    %mul3A_98 = arith.mulf %add3A_97, %add3A_97 : vector<1280x128xf32>
    %reduce_sum3A_99 = arith.constant dense<0.000000e+00> : vector<1280xf32>
    %reduce_sum3A_100 = vector.multi_reduction <add>, %mul3A_98, %reduce_sum3A_99 [1] : vector<1280x128xf32> to vector<1280xf32>
    %broadcast_in_dim3A_101 = vector.shape_cast %reduce_sum3A_100 : vector<1280xf32> to vector<1280x1xf32>
    %sqrt3A_102 = math.sqrt %broadcast_in_dim3A_101 : vector<1280x1xf32>
    %max3A_103 = arith.constant 1.000000e-10 : f32
    %max3A_104 = vector.broadcast %max3A_103 : f32 to vector<1280x1xf32>
    %max3A_105 = arith.maximumf %sqrt3A_102, %max3A_104 : vector<1280x1xf32>
    %mul3A_106 = arith.constant 1.000000e-01 : f32
    %mul3A_107 = vector.broadcast %mul3A_106 : f32 to vector<1280x1xf32>
    %mul3A_108 = arith.mulf %mul3A_107, %max3A_105 : vector<1280x1xf32>
    %tanh3A_109 = math.tanh %mul3A_108 : vector<1280x1xf32>
    %mul3A_110 = vector.broadcast %tanh3A_109 : vector<1280x1xf32> to vector<1280x128xf32>
    %mul3A_111 = arith.mulf %mul3A_110, %add3A_97 : vector<1280x128xf32>
    %mul3A_112 = arith.constant 1.000000e-01 : f32
    %mul3A_113 = vector.broadcast %mul3A_112 : f32 to vector<1280x1xf32>
    %mul3A_114 = arith.mulf %mul3A_113, %max3A_105 : vector<1280x1xf32>
    %div3A_115 = vector.broadcast %mul3A_114 : vector<1280x1xf32> to vector<1280x128xf32>
    %div3A_116 = arith.divf %mul3A_111, %div3A_115 : vector<1280x128xf32>
    %swap3A = arith.constant 0 : index
    %swap3A_117 = arith.constant 0 : index
    %swap3A_118 = vector.load %arg8[%swap3A, %swap3A_117] : memref<1280x128xf32, #tpu.memory_space<vmem>>, vector<1280x128xf32>
    tpu.vector_store %arg8[%swap3A, %swap3A_117], %div3A_116 {strides = array<i32>} : memref<1280x128xf32, #tpu.memory_space<vmem>>, vector<1280x128xf32>,
    return
  }
  func.func @transform_0(%arg0: i32) -> (i32, i32, i32) {
    %c0_i32 = arith.constant 0 : i32
    %c0_i32_0 = arith.constant 0 : i32
    %c0_i32_1 = arith.constant 0 : i32
    return %c0_i32, %arg0, %c0_i32_0 : i32, i32, i32
  }
  func.func @transform_1(%arg0: i32) -> (i32, i32) {
    %c0_i32 = arith.constant 0 : i32
    %c0_i32_0 = arith.constant 0 : i32
    return %arg0, %c0_i32 : i32, i32
  }
  func.func @transform_2(%arg0: i32) -> (i32, i32) {
    %c0_i32 = arith.constant 0 : i32
    %c0_i32_0 = arith.constant 0 : i32
    return %arg0, %c0_i32 : i32, i32
  }
  func.func @transform_3(%arg0: i32) -> (i32, i32) {
    %c0_i32 = arith.constant 0 : i32
    %c0_i32_0 = arith.constant 0 : i32
    return %arg0, %c0_i32 : i32, i32
  }
  func.func @transform_4(%arg0: i32) -> (i32, i32) {
    %c0_i32 = arith.constant 0 : i32
    %c0_i32_0 = arith.constant 0 : i32
    %c0_i32_1 = arith.constant 0 : i32
    return %c0_i32, %c0_i32_0 : i32, i32
  }
  func.func @transform_5(%arg0: i32) -> (i32, i32) {
    %c0_i32 = arith.constant 0 : i32
    %c0_i32_0 = arith.constant 0 : i32
    %c0_i32_1 = arith.constant 0 : i32
    return %c0_i32, %c0_i32_0 : i32, i32
  }
  func.func @transform_6(%arg0: i32) -> (i32, i32) {
    %c0_i32 = arith.constant 0 : i32
    %c0_i32_0 = arith.constant 0 : i32
    %c0_i32_1 = arith.constant 0 : i32
    return %c0_i32, %c0_i32_0 : i32, i32
  }
  func.func @transform_7(%arg0: i32) -> (i32, i32) {
    %c0_i32 = arith.constant 0 : i32
    %c0_i32_0 = arith.constant 0 : i32
    return %arg0, %c0_i32 : i32, i32
  }
}

</mosaic_0001>

<sc_bundles>
// kernel: kernel.10.cloned.1.call-start
scs
__scs_entry_jumppad:
0x0: {  	(pc) =	sbr.rel $0x88, $3  }
0x1: {  	(tag) =	ssettag $0x0;
	lr =	simm.s32 $0x1  }
0x2: {  	[smem:$0x3F9A] =	sst lr;
	_ =	strace $0xD0000000  }
0x3: {  	_ = 	snop  }
0x4: {  	_ = 	snop  }
0x5: {  	_ = 	snop  }
0x6: {  	_ = 	snop  }
0x7: {  	_ = 	snop  }
__scs_overlays_trampoline_lowered:
0x8: {  	[smem:$0x3FA9] =	sst s0  }
0x9: {  	[smem:$0x3FAA] =	sst s1  }
0xa: {  	[smem:$0x3FAB] =	sst s2  }
0xb: {  	[smem:$0x3FAC] =	sst s3  }
0xc: {  	[smem:$0x3FAD] =	sst s4  }
0xd: {  	[smem:$0x3FAE] =	sst s5  }
0xe: {  	[smem:$0x3FAF] =	sst s6  }
0xf: {  	[smem:$0x3FB0] =	sst s7  }
0x10: {  	[smem:$0x3FB1] =	sst s8  }
0x11: {  	[smem:$0x3FB2] =	sst s9;
	s0 =	simm.s32 @!p0 $0x0  }
0x12: {  	s1 =	sld [smem:$0x3F98];
	s0 =	simm.s32 @p0 $0x1  }
0x13: {  	[smem:$0x3FB3] =	sst s0;
	s0 =	simm.s32 @!p1 $0x0  }
0x14: {  	s2 =	sld [smem:$0x3F97];
	s0 =	simm.s32 @p1 $0x1  }
0x15: {  	[smem:$0x3FB4] =	sst s0;
	s0 =	simm.s32 @!p2 $0x0  }
0x16: {  	s3 =	sld [smem:$0x3FDB];
	s0 =	simm.s32 @p2 $0x1  }
0x17: {  	s4 =	simm.s32 $0x1BF5;
	[smem:$0x3FB6] =	sst s0  }
0x18: {  	s0 =	sld [smem:$0x3F99];
	_ =	swait.ge [sflag:s4], $0x0  }
0x19: {  	s7 =	sld [smem:$0x3F9A]  }
0x1a: {  	s8 =	sadd.s32 $0xFFFFE003, lr  }
0x1b: {  	s9 =	sadd.s32 $0xFFFFFEF7, lr;
	s5 =	simm.s32 $0xFFFFFFFF;
	p2 =	slt.u32 s8, $0xFFFFF086  }
0x1c: {  	p1 =	slt.u32 s9, $0xF7A;
	s5 =	simm.s32 @!p2 $0x0  }
0x1d: {  	s5 =	simm.s32 @p1 $0x1;
	p0 =	seq.s32 s7, s2  }
0x1e: {  	s7 =	smul.u32 @!p0 $0xF7A, s2;
	p2 =	seq.s32 @!p0 s5, $0x0  }
0x1f: {  	s9 =	smul.u32 $0xF7A, s1;
	s8 =	simm.s32 @!p0 $0x1BF5;
	p2 =	por !p2, p0  }
0x20: {  	[sflag:s8] =	ssyncset.s32 @!p0 $0xFFFFF086;
	s6 =	sadd.s32 @!p0 s3, s7;
	s7 =	simm.s32 @!p0 $0x108  }
0x21: {  	s3 =	sadd.s32 s3, s9;
	s6 =	sadd.s32 @!p0 $0x88, s6;
	s7 =	simm.s32 @p2 $0x1082  }
0x22: {  	[simem:s7], [sflag:s8] =	dma.local @!p0 [hbm:s6], $0xF7A  }
0x23: {  	s9 =	sor.u32 $0xD0000000, s2;
	s6 =	simm.s32 $0x108;
	_ =	swait.ge @!p0 [sflag:s8], $0x0  }
0x24: {  	s3 =	sadd.s32 $0x88, s3;
	s6 =	simm.s32 @!p1 $0x1082;
	[sflag:s4] =	ssyncset.s32 $0xFFFFF086  }
0x25: {  	[simem:s6], [sflag:s4] =	dma.local [hbm:s3], $0xF7A  }
0x26: {  	[smem:$0x3F9A] =	sst s1;
	(tag) =	ssettag s2;
	_ =	strace s9  }
0x27: {  	s1 =	sld [smem:$0x3FAA]  }
0x28: {  	s2 =	sld [smem:$0x3FAB]  }
0x29: {  	s4 =	sld [smem:$0x3FAD]  }
0x2a: {  	p0 =	seq.s32 s5, $0x0;
	s5 =	sld [smem:$0x3FAE]  }
0x2b: {  	s6 =	sld [smem:$0x3FAF]  }
0x2c: {  	s7 =	sld [smem:$0x3FB0]  }
0x2d: {  	s3 =	simm.s32 $0x108;
	s8 =	sld [smem:$0x3FB1]  }
0x2e: {  	s3 =	simm.s32 @!p0 $0x1082;
	s9 =	sld [smem:$0x3FB2]  }
0x2f: {  	lr =	sadd.s32 s0, s3;
	s0 =	sld [smem:$0x3FA9]  }
0x30: {  	s3 =	sld [smem:$0x3FAC]  }
0x31: {  	[smem:$0x3FB5] =	sst s10  }
0x32: {  	s10 =	sld [smem:$0x3FB3];
	_ =	sdelay $0x3  }
0x33: {  	p0 =	seq.s32 s10, $0x1;
	s10 =	sld [smem:$0x3FB5];
	_ =	sdelay $0x3  }
0x34: {  	[smem:$0x3FB5] =	sst s10  }
0x35: {  	s10 =	sld [smem:$0x3FB4];
	_ =	sdelay $0x3  }
0x36: {  	p1 =	seq.s32 s10, $0x1;
	s10 =	sld [smem:$0x3FB5];
	_ =	sdelay $0x3  }
0x37: {  	[smem:$0x3FB5] =	sst s10  }
0x38: {  	s10 =	sld [smem:$0x3FB6]  }
0x39: {  	_ = 	snop;
	(pc) =	sbr.ind lr, $3  }
0x3a: {  	_ = 	snop  }
0x3b: {  	_ = 	snop  }
0x3c: {  	p2 =	seq.s32 s10, $0x1;
	s10 =	sld [smem:$0x3FB5]  }
0x3d: {  	_ =	shalt  }
0x3e: {  	_ =	shalt  }
0x3f: {  	_ =	shalt  }
0x40: {  	_ =	shalt  }
0x41: {  	_ =	shalt  }
0x42: {  	_ =	shalt  }
0x43: {  	_ =	shalt  }
0x44: {  	_ =	shalt  }
0x45: {  	_ =	shalt  }
0x46: {  	_ =	shalt  }
0x47: {  	_ =	shalt  }
0x48: {  	_ =	shalt  }
0x49: {  	_ =	shalt  }
0x4a: {  	_ =	shalt  }
0x4b: {  	_ =	shalt  }
0x4c: {  	_ =	shalt  }
0x4d: {  	_ =	shalt  }
0x4e: {  	_ =	shalt  }
0x4f: {  	_ =	shalt  }
0x50: {  	_ =	shalt  }
0x51: {  	_ =	shalt  }
0x52: {  	_ =	shalt  }
0x53: {  	_ =	shalt  }
0x54: {  	_ =	shalt  }
0x55: {  	_ =	shalt  }
0x56: {  	_ =	shalt  }
0x57: {  	_ =	shalt  }
0x58: {  	_ =	shalt  }
0x59: {  	_ =	shalt  }
0x5a: {  	_ =	shalt  }
0x5b: {  	_ =	shalt  }
0x5c: {  	_ =	shalt  }
0x5d: {  	_ =	shalt  }
0x5e: {  	_ =	shalt  }
0x5f: {  	_ =	shalt  }
0x60: {  	_ =	shalt  }
0x61: {  	_ =	shalt  }
0x62: {  	_ =	shalt  }
0x63: {  	_ =	shalt  }
0x64: {  	_ =	shalt  }
0x65: {  	_ =	shalt  }
0x66: {  	_ =	shalt  }
0x67: {  	_ =	shalt  }
0x68: {  	_ =	shalt  }
0x69: {  	_ =	shalt  }
0x6a: {  	_ =	shalt  }
0x6b: {  	_ =	shalt  }
0x6c: {  	_ =	shalt  }
0x6d: {  	_ =	shalt  }
0x6e: {  	_ =	shalt  }
0x6f: {  	_ =	shalt  }
0x70: {  	_ =	shalt  }
0x71: {  	_ =	shalt  }
0x72: {  	_ =	shalt  }
0x73: {  	_ =	shalt  }
0x74: {  	_ =	shalt  }
0x75: {  	_ =	shalt  }
0x76: {  	_ =	shalt  }
0x77: {  	_ =	shalt  }
0x78: {  	_ =	shalt  }
0x79: {  	_ =	shalt  }
0x7a: {  	_ =	shalt  }
0x7b: {  	_ =	shalt  }
0x7c: {  	_ =	shalt  }
0x7d: {  	_ =	shalt  }
0x7e: {  	_ =	shalt  }
0x7f: {  	_ =	shalt  }
0x80: {  	_ =	shalt  }
0x81: {  	_ =	shalt  }
0x82: {  	_ =	shalt  }
0x83: {  	_ =	shalt  }
0x84: {  	_ =	shalt  }
0x85: {  	_ =	shalt  }
0x86: {  	_ =	shalt  }
0x87: {  	_ =	shalt  }
.Lfunc_end0:
.L_simem_size_0:
called_computation.1_lowered:
.L_overlay_start_0:
0x88: {  	s2 =	sld [smem:$0x3FD9]  }
0x89: {  	s3 =	sld [smem:$0x3FFE];
	_ =	sdelay $0x1  }
0x8a: {  	s1 =	srdreg.scid  }
0x8b: {  	s0 =	sand.u32 $0x1, s1  }
0x8c: {  	s17 =	sshll.u32 s0, $0xA;
	s2 =	sadd.s32 s3, s2  }
0x8d: {  	s2 =	sadd.s32 s2, s17  }
0x8e: {  	[smem:$0x3FC1] =	sst s2  }
0x8f: {  	_ = 	snop  }
0x90: {  	s2 =	sld [smem:$0x3FD0];
	(tm) =	ssettm $0x1  }
0x91: {  	s18 =	sld [smem:$0x3FFB];
	_ =	sdelay $0x3  }
0x92: {  	_ =	strace s18  }
0x93: {  	s3 =	sld [smem:$0x3FFC];
	_ =	sdelay $0x3  }
0x94: {  	_ =	strace s3  }
0x95: {  	s3 =	sld [smem:$0x3FFD];
	_ =	sdelay $0x3  }
0x96: {  	_ =	strace s3  }
0x97: {  	_ =	strace $0x8FFFFFFF  }
0x98: {  	s19 =	sld [smem:$0x3FDB];
	_ =	sdelay $0x1  }
0x99: {  	s4 =	simm.s32 $_scs_section_size  }
0x9a: {  	s5 =	simm.s32 $_size__tile_overlayer_lowered;
	s6 =	simm.s32 $_tile_overlayer_lowered  }
0x9b: {  	s22 =	simm.s32 $0x1BFF;
	s21 =	sshll.u32 s6, $0x1;
	s3 =	sadd.s32 s4, s19  }
0x9c: {  	s7 =	simm.s32 $0x0;
	s20 =	sshll.u32 s5, $0x1;
	s5 =	sadd.s32 s21, s3  }
0x9d: {  	[timem:s7], [sflag:s22] =	dma.local [hbm:s5], s20  }
0x9e: {  	_ =	swait.ge [sflag:s22], s20  }
0x9f: {  	s4 =	ssub.s32 $0x0, s20;
	[sflag:s22] =	ssyncset.done $0x0  }
0xa0: {  	[sflag:s22] =	ssyncadd.s32 s4;
	_ =	sdelay $0x1  }
0xa1: {  	s23 =	simm.s32 $0x1B8B  }
0xa2: {  	_ =	swait.ge [sflag:s23], $0x1  }
0xa3: {  	[sflag:s23] =	ssyncset.done $0x0  }
0xa4: {  	s25 =	simm.s32 $0x1B8E;
	s24 =	sld [smem:$0x3FFE];
	[sflag:s23] =	ssyncadd.s32 $0xFFFFFFFF  }
0xa5: {  	s26 =	simm.s32 $execute0_lowered;
	[smem:$0x3FD2] =	sst s25  }
0xa6: {  	s5 =	sshll.u32 s26, $0x1;
	_ =	strace $0x80000049;
	[dreg:$0x1] =	wrdreg $0xFFFFFFFF  }
0xa7: {  	s28 =	simm.s32 $_size_execute0_lowered;
	s3 =	sadd.s32 s3, s5;
	[dreg:$0x0] =	wrdreg $0x0  }
0xa8: {  	s5 =	sshll.u32 s28, $0x1;
	[dreg:$0x2] =	wrdreg s3  }
0xa9: {  	[dreg:$0x3] =	wrdreg s5  }
0xaa: {  	[dreg:$0x4] =	wrdreg $0xC0  }
0xab: {  	_ =	task [dreg:s7], $0x5FFFF  }
0xac: {  	[dreg:$0x1] =	wrdreg $0xFFFFFFFF  }
0xad: {  	[dreg:$0x0] =	wrdreg $0x60  }
0xae: {  	[dreg:$0x2] =	wrdreg s24  }
0xaf: {  	[dreg:$0x3] =	wrdreg s2  }
0xb0: {  	[dreg:$0x4] =	wrdreg $0x0  }
0xb1: {  	[dreg:$0x5] =	wrdreg $0x9  }
0xb2: {  	_ =	task.clear_ibuf [dreg:s7], $0x6FFFF;
	_ =	strace $0x90000049  }
0xb3: {  	s29 =	simm.s32 $0x9;
	_ =	strace $0x8000004B  }
0xb4: {  	_ =	swait.ge [sflag:s29], $0x1  }
0xb5: {  	[sflag:s29] =	ssyncadd.s32 $0xFFFFFFFF  }
0xb6: {  	_ =	strace $0x9000004B  }
0xb7: {  	_ =	sfence  }
0xb8: {  	s30 =	sld [smem:$0x0];
	_ =	sdelay $0x2  }
0xb9: {  	s31 =	sshll.u32 s1, $0xD;
	s1 =	sshrl.u32 s1, $0x2  }
0xba: {  	s3 =	sand.u32 $0x4000, s31;
	s1 =	sadd.s32 s1, s30  }
0xbb: {  	s0 =	sor.u32 s3, s0;
	s1 =	sshll.u32 s1, $0x11  }
0xbc: {  	s0 =	sor.u32 s1, s0  }
0xbd: {  	s0 =	sadd.s32 $0x8F2B, s0  }
0xbe: {  	[sflag:s0] =	ssyncadd.remote.s32 $0x1  }
0xbf: {  	_ =	sfence.sel $0xFFFF  }
0xc0: {  	[dreg:$0x0] =	wrdreg $0xFFFFFFFF;
	(pc) =	sbr.abs _section_cstart, $3  }
0xc1: {  	[dreg:$0x1] =	wrdreg $0xFFFFFFFF  }
0xc2: {  	_ =	task.clear_ibuf [dreg:s7], $0x2FFFF;
	_ =	strace $0x9FFFFFFF  }
0xc3: {  	(tm) =	ssettm $0x7FFFFFFF  }
tec
execute0_lowered:
.L_overlay_start_1:
0x0: {  	(tag) =	ssettag $0x1  }
0x1: {  	s0 =	rddreg [dreg:$0x0]  }
0x2: {  	s1 =	rddreg [dreg:$0x1]  }
0x3: {  	s2 =	rddreg [dreg:$0x2];
	s3 =	srdreg.scid  }
0x4: {  	s4 =	simm.s32 $0x0;
	s11 =	stileid.u32;
	s28 =	simm.s32 $0x4  }
0x5: {  	s29 =	simm.s32 $0x16B00;
	s30 =	simm.s32 $0x7;
	s31 =	simm.s32 $0x19480  }
0x6: {  	s12 =	simm.s32 $0x8;
	s13 =	simm.s32 $0x19400;
	s7 =	smul.u32 $0x14000, s11  }
0x7: {  	s3 =	sand.u32 $0x1, s3;
	[smem:$0x7FF] =	sst s4;
	s14 =	smul.u32 $0x50000, s11  }
0x8: {  	s5 =	sadd.s32 $0x92E00, s0;
	s8 =	sshll.u32 s11, $0x1;
	s17 =	smul.u32 $0xFC00, s11  }
0x9: {  	s19 =	sshll.u32 s11, $0x6;
	s11 =	simm.s32 $0x16A80;
	s6 =	smul.u32 $0x140000, s3  }
0xa: {  	_ =	strace $0x8000004A;
	s9 =	ssub.s32 $0x2, s3;
	s8 =	sor.u32 s3, s8  }
0xb: {  	s3 =	smul.u32 $0x7E00, s3;
	s18 =	sor.u32 $0x1C0D, s19;
	s10 =	sshrl.u32 s9, $0x1  }
0xc: {  	s8 =	smul.u32 $0x7E00, s8;
	[dreg:$0x6] =	wrdreg s18;
	s6 =	sadd.s32 s7, s6  }
0xd: {  	s7 =	sshrl.u32 s14, $0x2;
	s15 =	ssub.s32 s9, s10;
	s22 =	sadd.s32 s3, s17  }
0xe: {  	s9 =	simm.s32 $0x14100;
	s10 =	simm.s32 $0x5;
	s17 =	simm.s32 $0xB  }
0xf: {  	s6 =	sshrl.u32 s6, $0x3;
	s7 =	sadd.s32 s7, s2;
	s8 =	sshrl.u32 s8, $0x3  }
0x10: {  	s23 =	smax.u32 s15, $0x1;
	s24 =	sadd.s32 $0x700, s22;
	s25 =	sadd.s32 $0x600, s22  }
0x11: {  	s26 =	sadd.s32 $0x500, s22;
	s0 =	sadd.s32 s6, s0;
	s8 =	sadd.s32 s1, s8  }
0x12: {  	[dreg:$0xb] =	wrdreg s23;
	s3 =	sshrl.u32 s24, $0x3;
	s6 =	sshrl.u32 s25, $0x3  }
0x13: {  	s19 =	sshrl.u32 s7, $0x3;
	s23 =	simm.s32 $0x1BC80;
	s24 =	simm.s32 $0x1  }
0x14: {  	s25 =	simm.s32 $0x50;
	s7 =	simm.s32 $0x1BD80;
	[dreg:$0x5] =	wrdreg s8  }
0x15: {  	s16 =	sadd.s32 $0x42E00, s0;
	s20 =	sadd.s32 $0x20, s8;
	[dreg:$0xd] =	wrdreg s19  }
0x16: {  	s21 =	sadd.s32 $0x40, s8;
	s8 =	sadd.s32 $0x60, s8;
	[dreg:$0x4] =	wrdreg s16  }
0x17: {  	s0 =	sadd.s32 $0xBAE00, s0;
	s14 =	sadd.s32 s3, s1;
	[dreg:$0x7] =	wrdreg s20  }
0x18: {  	s15 =	sadd.s32 s6, s1;
	s6 =	sshrl.u32 s26, $0x3;
	[dreg:$0x8] =	wrdreg s21  }
.Ltmp0:
0x19: {  	s26 =	simm.s32 $0x14180;
	[dreg:$0x9] =	wrdreg s8;
	(pc) =	sbr.rel .LBB2_1-.Ltmp0, $4  }
0x1a: {  	s3 =	simm.s32 $0x1BE00;
	[dreg:$0xa] =	wrdreg s0;
	s16 =	sadd.s32 s6, s1  }
0x1b: {  	s0 =	sadd.s32 $0x400, s22;
	s20 =	simm.s32 $0x14000;
	s21 =	simm.s32 $0x16980  }
0x1c: {  	s22 =	simm.s32 $0x19300;
	s8 =	simm.s32 $0x0;
	[dreg:$0xc] =	wrdreg s0  }
0x1d: {  	s6 =	simm.s32 $0x2;
	s0 =	simm.s32 $0xA;
	[dreg:$0xe] =	wrdreg s8  }
.LBB2_4:
0x1e: {  	_ =	swait.ge [sflag:s17], $0x2800  }
0x1f: {  	[sflag:s17] =	ssyncset.done $0x0  }
0x20: {  	[sflag:s17] =	ssyncadd.s32 $0xFFFFD800  }
0x21: {  	[spmem:s2] =	stream.indirect.scatter.add.f32 [tilespmem:s3], [sflag:$0xC], $0x80, s7, s25, $0xb8;
	[tilespmem:$0x1E600] =	vst v63  }
0x22: {  	_ =	swait.ge [sflag:s24], $0x100  }
0x23: {  	[sflag:s24] =	ssyncset.done $0x0  }
0x24: {  	s1 =	simm.s32 $0x3;
	[sflag:s24] =	ssyncadd.s32 $0xFFFFFF00  }
0x25: {  	_ =	swait.ge [sflag:s1], $0x2800  }
0x26: {  	[sflag:s1] =	ssyncset.done $0x0  }
0x27: {  	[sflag:s1] =	ssyncadd.s32 $0xFFFFD800  }
0x28: {  	v0 =	vld [tilespmem:$0x14080]  }
0x29: {  	v1 =	vld [tilespmem:$0x14090]  }
0x2a: {  	v2 =	vld [tilespmem:$0x140A0]  }
0x2b: {  	v3 =	vld [tilespmem:$0x140B0]  }
0x2c: {  	v4 =	vld [tilespmem:$0x140C0]  }
0x2d: {  	[tilespmem:$0x14100] =	vst v0  }
0x2e: {  	[tilespmem:$0x14110] =	vst v1  }
0x2f: {  	[tilespmem:$0x14120] =	vst v2  }
0x30: {  	[tilespmem:$0x14130] =	vst v3  }
0x31: {  	[tilespmem:$0x14140] =	vst v4  }
0x32: {  	[tilespmem:s26], [sflag:$0x2] =	stream.indirect.gather [hbm4b:s5+s25], $0x80, s20, s25, $0xb8;
	[tilespmem:$0x1E600] =	vst v63  }
0x33: {  	_ =	swait.ge [sflag:s6], $0x2800  }
0x34: {  	[sflag:s6] =	ssyncset.done $0x0  }
0x35: {  	[sflag:s6] =	ssyncadd.s32 $0xFFFFD800  }
0x36: {  	[spmem:s2] =	stream.indirect.scatter.add.f32 [tilespmem:s26], [sflag:$0x3], $0x80, s9, s25, $0xb8;
	[tilespmem:$0x1E600] =	vst v63  }
0x37: {  	_ =	swait.ge [sflag:s28], $0x100  }
0x38: {  	[sflag:s28] =	ssyncset.done $0x0  }
0x39: {  	s8 =	simm.s32 $0x6;
	[sflag:s28] =	ssyncadd.s32 $0xFFFFFF00  }
0x3a: {  	_ =	swait.ge [sflag:s8], $0x2800  }
0x3b: {  	[sflag:s8] =	ssyncset.done $0x0  }
0x3c: {  	[sflag:s8] =	ssyncadd.s32 $0xFFFFD800  }
0x3d: {  	v59 =	vld [tilespmem:$0x16A00]  }
0x3e: {  	v60 =	vld [tilespmem:$0x16A10]  }
0x3f: {  	v61 =	vld [tilespmem:$0x16A20]  }
0x40: {  	v62 =	vld [tilespmem:$0x16A30]  }
0x41: {  	v63 =	vld [tilespmem:$0x16A40]  }
0x42: {  	[tilespmem:$0x16A80] =	vst v59  }
0x43: {  	[tilespmem:$0x16A90] =	vst v60  }
0x44: {  	[tilespmem:$0x16AA0] =	vst v61  }
0x45: {  	[tilespmem:$0x16AB0] =	vst v62  }
0x46: {  	[tilespmem:$0x16AC0] =	vst v63  }
0x47: {  	[tilespmem:s29], [sflag:$0x5] =	stream.indirect.gather [hbm4b:s5+s25], $0x80, s21, s25, $0xb8;
	[tilespmem:$0x1E600] =	vst v63  }
0x48: {  	_ =	swait.ge [sflag:s10], $0x2800  }
0x49: {  	[sflag:s10] =	ssyncset.done $0x0  }
0x4a: {  	[sflag:s10] =	ssyncadd.s32 $0xFFFFD800  }
0x4b: {  	[spmem:s2] =	stream.indirect.scatter.add.f32 [tilespmem:s29], [sflag:$0x6], $0x80, s11, s25, $0xb8;
	[tilespmem:$0x1E600] =	vst v63  }
0x4c: {  	_ =	swait.ge [sflag:s1], $0x2800  }
0x4d: {  	[sflag:s1] =	ssyncset.done $0x0  }
0x4e: {  	[sflag:s1] =	ssyncadd.s32 $0xFFFFD800  }
0x4f: {  	_ =	swait.ge [sflag:s8], $0x2800  }
0x50: {  	[sflag:s8] =	ssyncset.done $0x0  }
0x51: {  	s18 =	simm.s32 $0x9;
	[sflag:s8] =	ssyncadd.s32 $0xFFFFD800  }
0x52: {  	_ =	swait.ge [sflag:s18], $0x2800  }
0x53: {  	[sflag:s18] =	ssyncset.done $0x0  }
0x54: {  	s19 =	simm.s32 $0xC;
	[sflag:s18] =	ssyncadd.s32 $0xFFFFD800  }
0x55: {  	_ =	swait.ge [sflag:s19], $0x2800  }
0x56: {  	[sflag:s19] =	ssyncset.done $0x0  }
0x57: {  	[sflag:s19] =	ssyncadd.s32 $0xFFFFD800  }
0x58: {  	[bflag:$0x0] =	sbarrier.arrive $0xFFFF  }
0x59: {  	s18 =	rddreg [dreg:$0x6]  }
0x5a: {  	s1 =	rddreg [dreg:$0xa]  }
0x5b: {  	s8 =	simm.s32 $0xD;
	s19 =	rddreg [dreg:$0xd]  }
0x5c: {  	[hbm:s1], [sflag:s18] =	dma.local [spmem:s19], $0x2800  }
0x5d: {  	_ =	swait.ge [sflag:s8], $0x2800  }
0x5e: {  	s1 =	rddreg [dreg:$0xe]  }
0x5f: {  	[sflag:s8] =	ssyncset.done $0x0;
	s8 =	rddreg [dreg:$0xb];
	s1 =	sadd.s32 $0x1, s1  }
0x60: {  	p0 =	sne.s32 s1, s8  }
.Ltmp1:
0x61: {  	_ = 	snop;
	(pc) =	sbr.rel @!p0 .LBB2_5-.Ltmp1, $3  }
0x62: {  	_ =	sdelay $0x1  }
0x63: {  	s8 =	simm.s32 $0xD  }
0x64: {  	[dreg:$0xe] =	wrdreg s1;
	[sflag:s8] =	ssyncadd.s32 $0xFFFFD800  }
.LBB2_1:
0x65: {  	s1 =	simm.s32 $0xD;
	s8 =	rddreg [dreg:$0x4]  }
0x66: {  	[spmem:s19], [sflag:s18] =	dma.local [hbm:s8], $0x2800  }
0x67: {  	_ =	swait.ge [sflag:s1], $0x2800  }
0x68: {  	[sflag:s1] =	ssyncset.done $0x0  }
0x69: {  	[sflag:s1] =	ssyncadd.s32 $0xFFFFD800  }
0x6a: {  	[bflag:$0x0] =	sbarrier.arrive $0xFFFF  }
0x6b: {  	s19 =	rddreg [dreg:$0x5]  }
0x6c: {  	s1 =	rddreg [dreg:$0x7]  }
0x6d: {  	s18 =	rddreg [dreg:$0x8]  }
0x6e: {  	[tilespmem:s20], [sflag:$0x1] =	stream.linear.gather [hbm4b:s19+s4], $0x100, $0x38;
	[tilespmem:$0x1E600] =	vst v63  }
0x6f: {  	s8 =	rddreg [dreg:$0xc]  }
0x70: {  	[tilespmem:s21], [sflag:$0x4] =	stream.linear.gather [hbm4b:s1+s4], $0x100, $0x38;
	[tilespmem:$0x1E600] =	vst v63  }
0x71: {  	s19 =	rddreg [dreg:$0x9]  }
0x72: {  	[tilespmem:s22], [sflag:$0x7] =	stream.linear.gather [hbm4b:s18+s4], $0x100, $0x38;
	[tilespmem:$0x1E600] =	vst v63  }
0x73: {  	s1 =	rddreg [dreg:$0x1];
	s18 =	simm.s32 $0x0  }
0x74: {  	[tilespmem:s23], [sflag:$0xA] =	stream.linear.gather [hbm4b:s19+s4], $0x100, $0x38;
	[tilespmem:$0x1E600] =	vst v63  }
.LBB2_2:
0x75: {  	_ =	swait.ge [sflag:s24], $0x100  }
0x76: {  	p0 =	seq.s32 s18, $0x0;
	[sflag:s24] =	ssyncset.done $0x0  }
0x77: {  	s19 =	simm.s32 @!p0 $0x3;
	[sflag:s24] =	ssyncadd.s32 $0xFFFFFF00  }
0x78: {  	_ =	swait.ge @!p0 [sflag:s19], $0x2800  }
0x79: {  	[sflag:s19] =	ssyncset.done @!p0 $0x0  }
0x7a: {  	[sflag:s19] =	ssyncadd.s32 @!p0 $0xFFFFD800  }
0x7b: {  	v0 =	vld [tilespmem:$0x14080]  }
0x7c: {  	v1 =	vld [tilespmem:$0x14090]  }
0x7d: {  	v2 =	vld [tilespmem:$0x140A0]  }
0x7e: {  	v3 =	vld [tilespmem:$0x140B0]  }
0x7f: {  	v4 =	vld [tilespmem:$0x140C0]  }
0x80: {  	[tilespmem:$0x14100] =	vst v0  }
0x81: {  	[tilespmem:$0x14110] =	vst v1  }
0x82: {  	[tilespmem:$0x14120] =	vst v2  }
0x83: {  	[tilespmem:$0x14130] =	vst v3  }
0x84: {  	[tilespmem:$0x14140] =	vst v4  }
0x85: {  	[tilespmem:s26], [sflag:$0x2] =	stream.indirect.gather [hbm4b:s5+s25], $0x80, s20, s25, $0xb8;
	[tilespmem:$0x1E600] =	vst v63  }
0x86: {  	_ =	swait.ge [sflag:s28], $0x100  }
0x87: {  	[sflag:s28] =	ssyncset.done $0x0  }
0x88: {  	s19 =	simm.s32 @!p0 $0x6;
	[sflag:s28] =	ssyncadd.s32 $0xFFFFFF00  }
0x89: {  	_ =	swait.ge @!p0 [sflag:s19], $0x2800  }
0x8a: {  	[sflag:s19] =	ssyncset.done @!p0 $0x0  }
0x8b: {  	[sflag:s19] =	ssyncadd.s32 @!p0 $0xFFFFD800  }
0x8c: {  	v49 =	vld [tilespmem:$0x16A00]  }
0x8d: {  	v50 =	vld [tilespmem:$0x16A10]  }
0x8e: {  	v51 =	vld [tilespmem:$0x16A20]  }
0x8f: {  	v52 =	vld [tilespmem:$0x16A30]  }
0x90: {  	v53 =	vld [tilespmem:$0x16A40]  }
0x91: {  	[tilespmem:$0x16A80] =	vst v49  }
0x92: {  	[tilespmem:$0x16A90] =	vst v50  }
0x93: {  	[tilespmem:$0x16AA0] =	vst v51  }
0x94: {  	[tilespmem:$0x16AB0] =	vst v52  }
0x95: {  	[tilespmem:$0x16AC0] =	vst v53  }
0x96: {  	[tilespmem:s29], [sflag:$0x5] =	stream.indirect.gather [hbm4b:s5+s25], $0x80, s21, s25, $0xb8;
	[tilespmem:$0x1E600] =	vst v63  }
0x97: {  	_ =	swait.ge [sflag:s30], $0x100  }
0x98: {  	[sflag:s30] =	ssyncset.done $0x0  }
0x99: {  	s19 =	simm.s32 @!p0 $0x9;
	[sflag:s30] =	ssyncadd.s32 $0xFFFFFF00  }
0x9a: {  	_ =	swait.ge @!p0 [sflag:s19], $0x2800  }
0x9b: {  	[sflag:s19] =	ssyncset.done @!p0 $0x0  }
0x9c: {  	[sflag:s19] =	ssyncadd.s32 @!p0 $0xFFFFD800  }
0x9d: {  	v54 =	vld [tilespmem:$0x19380]  }
0x9e: {  	v55 =	vld [tilespmem:$0x19390]  }
0x9f: {  	v56 =	vld [tilespmem:$0x193A0]  }
0xa0: {  	v57 =	vld [tilespmem:$0x193B0]  }
0xa1: {  	v58 =	vld [tilespmem:$0x193C0]  }
0xa2: {  	[tilespmem:$0x19400] =	vst v54  }
0xa3: {  	[tilespmem:$0x19410] =	vst v55  }
0xa4: {  	[tilespmem:$0x19420] =	vst v56  }
0xa5: {  	[tilespmem:$0x19430] =	vst v57  }
0xa6: {  	[tilespmem:$0x19440] =	vst v58  }
0xa7: {  	[tilespmem:s31], [sflag:$0x8] =	stream.indirect.gather [hbm4b:s5+s25], $0x80, s22, s25, $0xb8;
	[tilespmem:$0x1E600] =	vst v63  }
0xa8: {  	_ =	swait.ge [sflag:s0], $0x100  }
0xa9: {  	[sflag:s0] =	ssyncset.done $0x0  }
0xaa: {  	s19 =	simm.s32 @!p0 $0xC;
	[sflag:s0] =	ssyncadd.s32 $0xFFFFFF00  }
0xab: {  	_ =	swait.ge @!p0 [sflag:s19], $0x2800  }
0xac: {  	[sflag:s19] =	ssyncset.done @!p0 $0x0  }
0xad: {  	[sflag:s19] =	ssyncadd.s32 @!p0 $0xFFFFD800  }
0xae: {  	v59 =	vld [tilespmem:$0x1BD00]  }
0xaf: {  	v60 =	vld [tilespmem:$0x1BD10]  }
0xb0: {  	v61 =	vld [tilespmem:$0x1BD20]  }
0xb1: {  	v62 =	vld [tilespmem:$0x1BD30]  }
0xb2: {  	v63 =	vld [tilespmem:$0x1BD40]  }
0xb3: {  	[tilespmem:$0x1BD80] =	vst v59  }
0xb4: {  	[tilespmem:$0x1BD90] =	vst v60  }
0xb5: {  	[tilespmem:$0x1BDA0] =	vst v61  }
0xb6: {  	[tilespmem:$0x1BDB0] =	vst v62  }
0xb7: {  	[tilespmem:$0x1BDC0] =	vst v63  }
0xb8: {  	[tilespmem:s3], [sflag:$0xB] =	stream.indirect.gather [hbm4b:s5+s25], $0x80, s23, s25, $0xb8;
	[tilespmem:$0x1E600] =	vst v63  }
0xb9: {  	_ =	swait.ge [sflag:s6], $0x2800  }
0xba: {  	[sflag:s6] =	ssyncset.done $0x0  }
0xbb: {  	s19 =	sshrl.u32 s8, $0x3;
	[sflag:s6] =	ssyncadd.s32 $0xFFFFD800  }
0xbc: {  	[spmem:s2] =	stream.indirect.scatter.add.f32 [tilespmem:s26], [sflag:$0x3], $0x80, s9, s25, $0xb8;
	[tilespmem:$0x1E600] =	vst v63  }
0xbd: {  	s19 =	sadd.s32 s1, s19  }
0xbe: {  	[tilespmem:s20], [sflag:$0x1] =	stream.linear.gather [hbm4b:s19+s4], $0x100, $0x38;
	[tilespmem:$0x1E600] =	vst v63  }
0xbf: {  	_ =	swait.ge [sflag:s10], $0x2800  }
0xc0: {  	[sflag:s10] =	ssyncset.done $0x0  }
0xc1: {  	[sflag:s10] =	ssyncadd.s32 $0xFFFFD800  }
0xc2: {  	[spmem:s2] =	stream.indirect.scatter.add.f32 [tilespmem:s29], [sflag:$0x6], $0x80, s11, s25, $0xb8;
	[tilespmem:$0x1E600] =	vst v63  }
0xc3: {  	p0 =	seq.s32 s18, $0xF00;
	s19 =	sadd.s32 s18, s16  }
0xc4: {  	[tilespmem:s21], [sflag:$0x4] =	stream.linear.gather [hbm4b:s19+s4], $0x100, $0x38;
	[tilespmem:$0x1E600] =	vst v63  }
.Ltmp2:
0xc5: {  	_ = 	snop;
	(pc) =	sbr.rel @p0 .LBB2_4-.Ltmp2, $4  }
0xc6: {  	_ =	swait.ge [sflag:s12], $0x2800  }
0xc7: {  	[sflag:s12] =	ssyncset.done $0x0  }
0xc8: {  	[sflag:s12] =	ssyncadd.s32 $0xFFFFD800  }
0xc9: {  	[spmem:s2] =	stream.indirect.scatter.add.f32 [tilespmem:s31], [sflag:$0x9], $0x80, s13, s25, $0xb8;
	[tilespmem:$0x1E600] =	vst v63  }
0xca: {  	s19 =	sadd.s32 s18, s15  }
0xcb: {  	[tilespmem:s22], [sflag:$0x7] =	stream.linear.gather [hbm4b:s19+s4], $0x100, $0x38;
	[tilespmem:$0x1E600] =	vst v63  }
0xcc: {  	_ =	swait.ge [sflag:s17], $0x2800  }
.Ltmp3:
0xcd: {  	[sflag:s17] =	ssyncset.done $0x0;
	(pc) =	sbr.rel .LBB2_2-.Ltmp3, $4  }
0xce: {  	[sflag:s17] =	ssyncadd.s32 $0xFFFFD800  }
0xcf: {  	[spmem:s2] =	stream.indirect.scatter.add.f32 [tilespmem:s3], [sflag:$0xC], $0x80, s7, s25, $0xb8;
	[tilespmem:$0x1E600] =	vst v63  }
0xd0: {  	s8 =	sadd.s32 $0x400, s8;
	s19 =	sadd.s32 s18, s14;
	s18 =	sadd.s32 $0x80, s18  }
0xd1: {  	[tilespmem:s23], [sflag:$0xA] =	stream.linear.gather [hbm4b:s19+s4], $0x100, $0x38;
	[tilespmem:$0x1E600] =	vst v63  }
.LBB2_5:
0xd2: {  	_ =	sfence.sel $0x180000  }
0xd3: {  	[bflag:$0x0] =	sbarrier.arrive $0xFFFF  }
0xd4: {  	_ =	strace $0x9000004A  }
0xd5: {  	s0 =	stileid.u32;
	[bflag:$0x2] =	sbarrier.arrive $0xFFFF  }
0xd6: {  	p0 =	sne.s32 s0, $0x0;
	s0 =	rddreg [dreg:$0x3]  }
0xd7: {  	s0 =	sadd.s32 @!p0 $0x100000, s0  }
0xd8: {  	[sflag:s0] =	ssyncadd.tile.s32 @!p0 $0x1;
	_ =	shalt  }
.Lfunc_end2:
_tile_overlayer_lowered:
.L_overlay_start_2:
0xd9: {  	(tag) =	ssettag $0x2  }
0xda: {  	s0 =	rddreg [dreg:$0x0];
	s2 =	stileid.u32  }
0xdb: {  	s1 =	rddreg [dreg:$0x1];
	p0 =	sne.s32 s2, $0x0  }
0xdc: {  	s3 =	rddreg [dreg:$0x2];
	[bflag:$0x3] =	sbarrier.arrive $0xFFFF;
	s2 =	simm.s32 @!p0 $0x1C0D  }
0xdd: {  	[timem:s3], [sflag:s2] =	dma.local @!p0 [hbm:s0], s1  }
0xde: {  	s0 =	simm.s32 @!p0 $0xD  }
0xdf: {  	_ =	swait.ge @!p0 [sflag:s0], s1  }
0xe0: {  	s1 =	ssub.s32 @!p0 $0x0, s1;
	[sflag:s0] =	ssyncset.done @!p0 $0x0  }
0xe1: {  	[sflag:s0] =	ssyncadd.s32 @!p0 s1  }
0xe2: {  	[bflag:$0x3] =	sbarrier.arrive $0xFFFF  }
0xe3: {  	_ =	shalt  }

// kernel: kernel.13.cloned.1.call-start
scs
__scs_entry_jumppad:
0x0: {  	(pc) =	sbr.rel $0x88, $3  }
0x1: {  	(tag) =	ssettag $0x0;
	lr =	simm.s32 $0x1  }
0x2: {  	[smem:$0x3F9A] =	sst lr;
	_ =	strace $0xD0000000  }
0x3: {  	_ = 	snop  }
0x4: {  	_ = 	snop  }
0x5: {  	_ = 	snop  }
0x6: {  	_ = 	snop  }
0x7: {  	_ = 	snop  }
__scs_overlays_trampoline_lowered:
0x8: {  	[smem:$0x3FA9] =	sst s0  }
0x9: {  	[smem:$0x3FAA] =	sst s1  }
0xa: {  	[smem:$0x3FAB] =	sst s2  }
0xb: {  	[smem:$0x3FAC] =	sst s3  }
0xc: {  	[smem:$0x3FAD] =	sst s4  }
0xd: {  	[smem:$0x3FAE] =	sst s5  }
0xe: {  	[smem:$0x3FAF] =	sst s6  }
0xf: {  	[smem:$0x3FB0] =	sst s7  }
0x10: {  	[smem:$0x3FB1] =	sst s8  }
0x11: {  	[smem:$0x3FB2] =	sst s9;
	s0 =	simm.s32 @!p0 $0x0  }
0x12: {  	s1 =	sld [smem:$0x3F98];
	s0 =	simm.s32 @p0 $0x1  }
0x13: {  	[smem:$0x3FB3] =	sst s0;
	s0 =	simm.s32 @!p1 $0x0  }
0x14: {  	s2 =	sld [smem:$0x3F97];
	s0 =	simm.s32 @p1 $0x1  }
0x15: {  	[smem:$0x3FB4] =	sst s0;
	s0 =	simm.s32 @!p2 $0x0  }
0x16: {  	s3 =	sld [smem:$0x3FDB];
	s0 =	simm.s32 @p2 $0x1  }
0x17: {  	s4 =	simm.s32 $0x1BF5;
	[smem:$0x3FB6] =	sst s0  }
0x18: {  	s0 =	sld [smem:$0x3F99];
	_ =	swait.ge [sflag:s4], $0x0  }
0x19: {  	s7 =	sld [smem:$0x3F9A]  }
0x1a: {  	s8 =	sadd.s32 $0xFFFFE003, lr  }
0x1b: {  	s9 =	sadd.s32 $0xFFFFFEF7, lr;
	s5 =	simm.s32 $0xFFFFFFFF;
	p2 =	slt.u32 s8, $0xFFFFF086  }
0x1c: {  	p1 =	slt.u32 s9, $0xF7A;
	s5 =	simm.s32 @!p2 $0x0  }
0x1d: {  	s5 =	simm.s32 @p1 $0x1;
	p0 =	seq.s32 s7, s2  }
0x1e: {  	s7 =	smul.u32 @!p0 $0xF7A, s2;
	p2 =	seq.s32 @!p0 s5, $0x0  }
0x1f: {  	s9 =	smul.u32 $0xF7A, s1;
	s8 =	simm.s32 @!p0 $0x1BF5;
	p2 =	por !p2, p0  }
0x20: {  	[sflag:s8] =	ssyncset.s32 @!p0 $0xFFFFF086;
	s6 =	sadd.s32 @!p0 s3, s7;
	s7 =	simm.s32 @!p0 $0x108  }
0x21: {  	s3 =	sadd.s32 s3, s9;
	s6 =	sadd.s32 @!p0 $0x88, s6;
	s7 =	simm.s32 @p2 $0x1082  }
0x22: {  	[simem:s7], [sflag:s8] =	dma.local @!p0 [hbm:s6], $0xF7A  }
0x23: {  	s9 =	sor.u32 $0xD0000000, s2;
	s6 =	simm.s32 $0x108;
	_ =	swait.ge @!p0 [sflag:s8], $0x0  }
0x24: {  	s3 =	sadd.s32 $0x88, s3;
	s6 =	simm.s32 @!p1 $0x1082;
	[sflag:s4] =	ssyncset.s32 $0xFFFFF086  }
0x25: {  	[simem:s6], [sflag:s4] =	dma.local [hbm:s3], $0xF7A  }
0x26: {  	[smem:$0x3F9A] =	sst s1;
	(tag) =	ssettag s2;
	_ =	strace s9  }
0x27: {  	s1 =	sld [smem:$0x3FAA]  }
0x28: {  	s2 =	sld [smem:$0x3FAB]  }
0x29: {  	s4 =	sld [smem:$0x3FAD]  }
0x2a: {  	p0 =	seq.s32 s5, $0x0;
	s5 =	sld [smem:$0x3FAE]  }
0x2b: {  	s6 =	sld [smem:$0x3FAF]  }
0x2c: {  	s7 =	sld [smem:$0x3FB0]  }
0x2d: {  	s3 =	simm.s32 $0x108;
	s8 =	sld [smem:$0x3FB1]  }
0x2e: {  	s3 =	simm.s32 @!p0 $0x1082;
	s9 =	sld [smem:$0x3FB2]  }
0x2f: {  	lr =	sadd.s32 s0, s3;
	s0 =	sld [smem:$0x3FA9]  }
0x30: {  	s3 =	sld [smem:$0x3FAC]  }
0x31: {  	[smem:$0x3FB5] =	sst s10  }
0x32: {  	s10 =	sld [smem:$0x3FB3];
	_ =	sdelay $0x3  }
0x33: {  	p0 =	seq.s32 s10, $0x1;
	s10 =	sld [smem:$0x3FB5];
	_ =	sdelay $0x3  }
0x34: {  	[smem:$0x3FB5] =	sst s10  }
0x35: {  	s10 =	sld [smem:$0x3FB4];
	_ =	sdelay $0x3  }
0x36: {  	p1 =	seq.s32 s10, $0x1;
	s10 =	sld [smem:$0x3FB5];
	_ =	sdelay $0x3  }
0x37: {  	[smem:$0x3FB5] =	sst s10  }
0x38: {  	s10 =	sld [smem:$0x3FB6]  }
0x39: {  	_ = 	snop;
	(pc) =	sbr.ind lr, $3  }
0x3a: {  	_ = 	snop  }
0x3b: {  	_ = 	snop  }
0x3c: {  	p2 =	seq.s32 s10, $0x1;
	s10 =	sld [smem:$0x3FB5]  }
0x3d: {  	_ =	shalt  }
0x3e: {  	_ =	shalt  }
0x3f: {  	_ =	shalt  }
0x40: {  	_ =	shalt  }
0x41: {  	_ =	shalt  }
0x42: {  	_ =	shalt  }
0x43: {  	_ =	shalt  }
0x44: {  	_ =	shalt  }
0x45: {  	_ =	shalt  }
0x46: {  	_ =	shalt  }
0x47: {  	_ =	shalt  }
0x48: {  	_ =	shalt  }
0x49: {  	_ =	shalt  }
0x4a: {  	_ =	shalt  }
0x4b: {  	_ =	shalt  }
0x4c: {  	_ =	shalt  }
0x4d: {  	_ =	shalt  }
0x4e: {  	_ =	shalt  }
0x4f: {  	_ =	shalt  }
0x50: {  	_ =	shalt  }
0x51: {  	_ =	shalt  }
0x52: {  	_ =	shalt  }
0x53: {  	_ =	shalt  }
0x54: {  	_ =	shalt  }
0x55: {  	_ =	shalt  }
0x56: {  	_ =	shalt  }
0x57: {  	_ =	shalt  }
0x58: {  	_ =	shalt  }
0x59: {  	_ =	shalt  }
0x5a: {  	_ =	shalt  }
0x5b: {  	_ =	shalt  }
0x5c: {  	_ =	shalt  }
0x5d: {  	_ =	shalt  }
0x5e: {  	_ =	shalt  }
0x5f: {  	_ =	shalt  }
0x60: {  	_ =	shalt  }
0x61: {  	_ =	shalt  }
0x62: {  	_ =	shalt  }
0x63: {  	_ =	shalt  }
0x64: {  	_ =	shalt  }
0x65: {  	_ =	shalt  }
0x66: {  	_ =	shalt  }
0x67: {  	_ =	shalt  }
0x68: {  	_ =	shalt  }
0x69: {  	_ =	shalt  }
0x6a: {  	_ =	shalt  }
0x6b: {  	_ =	shalt  }
0x6c: {  	_ =	shalt  }
0x6d: {  	_ =	shalt  }
0x6e: {  	_ =	shalt  }
0x6f: {  	_ =	shalt  }
0x70: {  	_ =	shalt  }
0x71: {  	_ =	shalt  }
0x72: {  	_ =	shalt  }
0x73: {  	_ =	shalt  }
0x74: {  	_ =	shalt  }
0x75: {  	_ =	shalt  }
0x76: {  	_ =	shalt  }
0x77: {  	_ =	shalt  }
0x78: {  	_ =	shalt  }
0x79: {  	_ =	shalt  }
0x7a: {  	_ =	shalt  }
0x7b: {  	_ =	shalt  }
0x7c: {  	_ =	shalt  }
0x7d: {  	_ =	shalt  }
0x7e: {  	_ =	shalt  }
0x7f: {  	_ =	shalt  }
0x80: {  	_ =	shalt  }
0x81: {  	_ =	shalt  }
0x82: {  	_ =	shalt  }
0x83: {  	_ =	shalt  }
0x84: {  	_ =	shalt  }
0x85: {  	_ =	shalt  }
0x86: {  	_ =	shalt  }
0x87: {  	_ =	shalt  }
.Lfunc_end0:
.L_simem_size_0:
called_computation.2_lowered:
.L_overlay_start_0:
0x88: {  	s2 =	sld [smem:$0x3FD9]  }
0x89: {  	s3 =	sld [smem:$0x3FFE];
	_ =	sdelay $0x1  }
0x8a: {  	s1 =	srdreg.scid  }
0x8b: {  	s0 =	sand.u32 $0x1, s1  }
0x8c: {  	s17 =	sshll.u32 s0, $0xA;
	s2 =	sadd.s32 s3, s2  }
0x8d: {  	s2 =	sadd.s32 s2, s17  }
0x8e: {  	[smem:$0x3FC1] =	sst s2  }
0x8f: {  	_ = 	snop  }
0x90: {  	s2 =	sld [smem:$0x3FD0];
	(tm) =	ssettm $0x1  }
0x91: {  	s18 =	sld [smem:$0x3FFB];
	_ =	sdelay $0x3  }
0x92: {  	_ =	strace s18  }
0x93: {  	s3 =	sld [smem:$0x3FFC];
	_ =	sdelay $0x3  }
0x94: {  	_ =	strace s3  }
0x95: {  	s3 =	sld [smem:$0x3FFD];
	_ =	sdelay $0x3  }
0x96: {  	_ =	strace s3  }
0x97: {  	_ =	strace $0x8FFFFFFF  }
0x98: {  	s19 =	sld [smem:$0x3FDB];
	_ =	sdelay $0x1  }
0x99: {  	s4 =	simm.s32 $_scs_section_size  }
0x9a: {  	s5 =	simm.s32 $_size__tile_overlayer_lowered;
	s6 =	simm.s32 $_tile_overlayer_lowered  }
0x9b: {  	s22 =	simm.s32 $0x1BFF;
	s21 =	sshll.u32 s6, $0x1;
	s3 =	sadd.s32 s4, s19  }
0x9c: {  	s7 =	simm.s32 $0x0;
	s20 =	sshll.u32 s5, $0x1;
	s5 =	sadd.s32 s21, s3  }
0x9d: {  	[timem:s7], [sflag:s22] =	dma.local [hbm:s5], s20  }
0x9e: {  	_ =	swait.ge [sflag:s22], s20  }
0x9f: {  	s4 =	ssub.s32 $0x0, s20;
	[sflag:s22] =	ssyncset.done $0x0  }
0xa0: {  	[sflag:s22] =	ssyncadd.s32 s4;
	_ =	sdelay $0x1  }
0xa1: {  	s23 =	simm.s32 $0x1B8B  }
0xa2: {  	_ =	swait.ge [sflag:s23], $0x1  }
0xa3: {  	[sflag:s23] =	ssyncset.done $0x0  }
0xa4: {  	s25 =	simm.s32 $0x1B8E;
	s24 =	sld [smem:$0x3FFE];
	[sflag:s23] =	ssyncadd.s32 $0xFFFFFFFF  }
0xa5: {  	s26 =	simm.s32 $execute0_lowered;
	[smem:$0x3FD2] =	sst s25  }
0xa6: {  	s5 =	sshll.u32 s26, $0x1;
	_ =	strace $0x8000004C;
	[dreg:$0x1] =	wrdreg $0xFFFFFFFF  }
0xa7: {  	s28 =	simm.s32 $_size_execute0_lowered;
	s3 =	sadd.s32 s3, s5;
	[dreg:$0x0] =	wrdreg $0x0  }
0xa8: {  	s5 =	sshll.u32 s28, $0x1;
	[dreg:$0x2] =	wrdreg s3  }
0xa9: {  	[dreg:$0x3] =	wrdreg s5  }
0xaa: {  	[dreg:$0x4] =	wrdreg $0xC0  }
0xab: {  	_ =	task [dreg:s7], $0x5FFFF  }
0xac: {  	[dreg:$0x1] =	wrdreg $0xFFFFFFFF  }
0xad: {  	[dreg:$0x0] =	wrdreg $0x60  }
0xae: {  	[dreg:$0x2] =	wrdreg s24  }
0xaf: {  	[dreg:$0x3] =	wrdreg s2  }
0xb0: {  	[dreg:$0x4] =	wrdreg $0x0  }
0xb1: {  	[dreg:$0x5] =	wrdreg $0x9  }
0xb2: {  	_ =	task.clear_ibuf [dreg:s7], $0x6FFFF;
	_ =	strace $0x9000004C  }
0xb3: {  	s29 =	simm.s32 $0x9;
	_ =	strace $0x8000004E  }
0xb4: {  	_ =	swait.ge [sflag:s29], $0x1  }
0xb5: {  	[sflag:s29] =	ssyncadd.s32 $0xFFFFFFFF  }
0xb6: {  	_ =	strace $0x9000004E  }
0xb7: {  	_ =	sfence  }
0xb8: {  	s30 =	sld [smem:$0x0];
	_ =	sdelay $0x2  }
0xb9: {  	s31 =	sshll.u32 s1, $0xD;
	s1 =	sshrl.u32 s1, $0x2  }
0xba: {  	s3 =	sand.u32 $0x4000, s31;
	s1 =	sadd.s32 s1, s30  }
0xbb: {  	s0 =	sor.u32 s3, s0;
	s1 =	sshll.u32 s1, $0x11  }
0xbc: {  	s0 =	sor.u32 s1, s0  }
0xbd: {  	s0 =	sadd.s32 $0x8F2B, s0  }
0xbe: {  	[sflag:s0] =	ssyncadd.remote.s32 $0x1  }
0xbf: {  	_ =	sfence.sel $0xFFFF  }
0xc0: {  	[dreg:$0x0] =	wrdreg $0xFFFFFFFF;
	(pc) =	sbr.abs _section_cstart, $3  }
0xc1: {  	[dreg:$0x1] =	wrdreg $0xFFFFFFFF  }
0xc2: {  	_ =	task.clear_ibuf [dreg:s7], $0x2FFFF;
	_ =	strace $0x9FFFFFFF  }
0xc3: {  	(tm) =	ssettm $0x7FFFFFFF  }
tec
execute0_lowered:
.L_overlay_start_1:
0x0: {  	(tag) =	ssettag $0x1  }
0x1: {  	s0 =	rddreg [dreg:$0x0]  }
0x2: {  	s1 =	rddreg [dreg:$0x1]  }
0x3: {  	s2 =	rddreg [dreg:$0x2];
	s3 =	srdreg.scid  }
0x4: {  	s4 =	simm.s32 $0x0;
	s11 =	stileid.u32;
	s28 =	simm.s32 $0x4  }
0x5: {  	s29 =	simm.s32 $0x16B00;
	s30 =	simm.s32 $0x7;
	s31 =	simm.s32 $0x19480  }
0x6: {  	s12 =	simm.s32 $0x8;
	s13 =	simm.s32 $0x19400;
	s7 =	smul.u32 $0x14000, s11  }
0x7: {  	s3 =	sand.u32 $0x1, s3;
	[smem:$0x7FF] =	sst s4;
	s14 =	smul.u32 $0x50000, s11  }
0x8: {  	s5 =	sadd.s32 $0x2C00, s0;
	s8 =	sshll.u32 s11, $0x1;
	s17 =	smul.u32 $0xFC00, s11  }
0x9: {  	s19 =	sshll.u32 s11, $0x6;
	s11 =	simm.s32 $0x16A80;
	s6 =	smul.u32 $0x140000, s3  }
0xa: {  	_ =	strace $0x8000004D;
	s9 =	ssub.s32 $0x2, s3;
	s8 =	sor.u32 s3, s8  }
0xb: {  	s3 =	smul.u32 $0x7E00, s3;
	s18 =	sor.u32 $0x1C0D, s19;
	s10 =	sshrl.u32 s9, $0x1  }
0xc: {  	s8 =	smul.u32 $0x7E00, s8;
	[dreg:$0x6] =	wrdreg s18;
	s6 =	sadd.s32 s7, s6  }
0xd: {  	s7 =	sshrl.u32 s14, $0x2;
	s15 =	ssub.s32 s9, s10;
	s22 =	sadd.s32 s3, s17  }
0xe: {  	s9 =	simm.s32 $0x14100;
	s10 =	simm.s32 $0x5;
	s17 =	simm.s32 $0xB  }
0xf: {  	s6 =	sshrl.u32 s6, $0x3;
	s7 =	sadd.s32 s7, s2;
	s8 =	sshrl.u32 s8, $0x3  }
0x10: {  	s23 =	smax.u32 s15, $0x1;
	s24 =	sadd.s32 $0x700, s22;
	s25 =	sadd.s32 $0x600, s22  }
0x11: {  	s26 =	sadd.s32 $0x500, s22;
	s0 =	sadd.s32 s6, s0;
	s8 =	sadd.s32 s1, s8  }
0x12: {  	[dreg:$0xb] =	wrdreg s23;
	s3 =	sshrl.u32 s24, $0x3;
	s6 =	sshrl.u32 s25, $0x3  }
0x13: {  	s19 =	sshrl.u32 s7, $0x3;
	s23 =	simm.s32 $0x1BC80;
	s24 =	simm.s32 $0x1  }
0x14: {  	s25 =	simm.s32 $0x50;
	s7 =	simm.s32 $0x1BD80;
	[dreg:$0x5] =	wrdreg s8  }
0x15: {  	s16 =	sadd.s32 $0x42E00, s0;
	s20 =	sadd.s32 $0x20, s8;
	[dreg:$0xd] =	wrdreg s19  }
0x16: {  	s21 =	sadd.s32 $0x40, s8;
	s8 =	sadd.s32 $0x60, s8;
	[dreg:$0x4] =	wrdreg s16  }
0x17: {  	s0 =	sadd.s32 $0x92E00, s0;
	s14 =	sadd.s32 s3, s1;
	[dreg:$0x7] =	wrdreg s20  }
0x18: {  	s15 =	sadd.s32 s6, s1;
	s6 =	sshrl.u32 s26, $0x3;
	[dreg:$0x8] =	wrdreg s21  }
.Ltmp0:
0x19: {  	s26 =	simm.s32 $0x14180;
	[dreg:$0x9] =	wrdreg s8;
	(pc) =	sbr.rel .LBB2_1-.Ltmp0, $4  }
0x1a: {  	s3 =	simm.s32 $0x1BE00;
	[dreg:$0xa] =	wrdreg s0;
	s16 =	sadd.s32 s6, s1  }
0x1b: {  	s0 =	sadd.s32 $0x400, s22;
	s20 =	simm.s32 $0x14000;
	s21 =	simm.s32 $0x16980  }
0x1c: {  	s22 =	simm.s32 $0x19300;
	s8 =	simm.s32 $0x0;
	[dreg:$0xc] =	wrdreg s0  }
0x1d: {  	s6 =	simm.s32 $0x2;
	s0 =	simm.s32 $0xA;
	[dreg:$0xe] =	wrdreg s8  }
.LBB2_4:
0x1e: {  	_ =	swait.ge [sflag:s17], $0x2800  }
0x1f: {  	[sflag:s17] =	ssyncset.done $0x0  }
0x20: {  	[sflag:s17] =	ssyncadd.s32 $0xFFFFD800  }
0x21: {  	[spmem:s2] =	stream.indirect.scatter.add.f32 [tilespmem:s3], [sflag:$0xC], $0x80, s7, s25, $0xb8;
	[tilespmem:$0x1E600] =	vst v63  }
0x22: {  	_ =	swait.ge [sflag:s24], $0x100  }
0x23: {  	[sflag:s24] =	ssyncset.done $0x0  }
0x24: {  	s1 =	simm.s32 $0x3;
	[sflag:s24] =	ssyncadd.s32 $0xFFFFFF00  }
0x25: {  	_ =	swait.ge [sflag:s1], $0x2800  }
0x26: {  	[sflag:s1] =	ssyncset.done $0x0  }
0x27: {  	[sflag:s1] =	ssyncadd.s32 $0xFFFFD800  }
0x28: {  	v0 =	vld [tilespmem:$0x14080]  }
0x29: {  	v1 =	vld [tilespmem:$0x14090]  }
0x2a: {  	v2 =	vld [tilespmem:$0x140A0]  }
0x2b: {  	v3 =	vld [tilespmem:$0x140B0]  }
0x2c: {  	v4 =	vld [tilespmem:$0x140C0]  }
0x2d: {  	[tilespmem:$0x14100] =	vst v0  }
0x2e: {  	[tilespmem:$0x14110] =	vst v1  }
0x2f: {  	[tilespmem:$0x14120] =	vst v2  }
0x30: {  	[tilespmem:$0x14130] =	vst v3  }
0x31: {  	[tilespmem:$0x14140] =	vst v4  }
0x32: {  	[tilespmem:s26], [sflag:$0x2] =	stream.indirect.gather [hbm4b:s5+s25], $0x80, s20, s25, $0xb8;
	[tilespmem:$0x1E600] =	vst v63  }
0x33: {  	_ =	swait.ge [sflag:s6], $0x2800  }
0x34: {  	[sflag:s6] =	ssyncset.done $0x0  }
0x35: {  	[sflag:s6] =	ssyncadd.s32 $0xFFFFD800  }
0x36: {  	[spmem:s2] =	stream.indirect.scatter.add.f32 [tilespmem:s26], [sflag:$0x3], $0x80, s9, s25, $0xb8;
	[tilespmem:$0x1E600] =	vst v63  }
0x37: {  	_ =	swait.ge [sflag:s28], $0x100  }
0x38: {  	[sflag:s28] =	ssyncset.done $0x0  }
0x39: {  	s8 =	simm.s32 $0x6;
	[sflag:s28] =	ssyncadd.s32 $0xFFFFFF00  }
0x3a: {  	_ =	swait.ge [sflag:s8], $0x2800  }
0x3b: {  	[sflag:s8] =	ssyncset.done $0x0  }
0x3c: {  	[sflag:s8] =	ssyncadd.s32 $0xFFFFD800  }
0x3d: {  	v59 =	vld [tilespmem:$0x16A00]  }
0x3e: {  	v60 =	vld [tilespmem:$0x16A10]  }
0x3f: {  	v61 =	vld [tilespmem:$0x16A20]  }
0x40: {  	v62 =	vld [tilespmem:$0x16A30]  }
0x41: {  	v63 =	vld [tilespmem:$0x16A40]  }
0x42: {  	[tilespmem:$0x16A80] =	vst v59  }
0x43: {  	[tilespmem:$0x16A90] =	vst v60  }
0x44: {  	[tilespmem:$0x16AA0] =	vst v61  }
0x45: {  	[tilespmem:$0x16AB0] =	vst v62  }
0x46: {  	[tilespmem:$0x16AC0] =	vst v63  }
0x47: {  	[tilespmem:s29], [sflag:$0x5] =	stream.indirect.gather [hbm4b:s5+s25], $0x80, s21, s25, $0xb8;
	[tilespmem:$0x1E600] =	vst v63  }
0x48: {  	_ =	swait.ge [sflag:s10], $0x2800  }
0x49: {  	[sflag:s10] =	ssyncset.done $0x0  }
0x4a: {  	[sflag:s10] =	ssyncadd.s32 $0xFFFFD800  }
0x4b: {  	[spmem:s2] =	stream.indirect.scatter.add.f32 [tilespmem:s29], [sflag:$0x6], $0x80, s11, s25, $0xb8;
	[tilespmem:$0x1E600] =	vst v63  }
0x4c: {  	_ =	swait.ge [sflag:s1], $0x2800  }
0x4d: {  	[sflag:s1] =	ssyncset.done $0x0  }
0x4e: {  	[sflag:s1] =	ssyncadd.s32 $0xFFFFD800  }
0x4f: {  	_ =	swait.ge [sflag:s8], $0x2800  }
0x50: {  	[sflag:s8] =	ssyncset.done $0x0  }
0x51: {  	s18 =	simm.s32 $0x9;
	[sflag:s8] =	ssyncadd.s32 $0xFFFFD800  }
0x52: {  	_ =	swait.ge [sflag:s18], $0x2800  }
0x53: {  	[sflag:s18] =	ssyncset.done $0x0  }
0x54: {  	s19 =	simm.s32 $0xC;
	[sflag:s18] =	ssyncadd.s32 $0xFFFFD800  }
0x55: {  	_ =	swait.ge [sflag:s19], $0x2800  }
0x56: {  	[sflag:s19] =	ssyncset.done $0x0  }
0x57: {  	[sflag:s19] =	ssyncadd.s32 $0xFFFFD800  }
0x58: {  	[bflag:$0x0] =	sbarrier.arrive $0xFFFF  }
0x59: {  	s18 =	rddreg [dreg:$0x6]  }
0x5a: {  	s1 =	rddreg [dreg:$0xa]  }
0x5b: {  	s8 =	simm.s32 $0xD;
	s19 =	rddreg [dreg:$0xd]  }
0x5c: {  	[hbm:s1], [sflag:s18] =	dma.local [spmem:s19], $0x2800  }
0x5d: {  	_ =	swait.ge [sflag:s8], $0x2800  }
0x5e: {  	s1 =	rddreg [dreg:$0xe]  }
0x5f: {  	[sflag:s8] =	ssyncset.done $0x0;
	s8 =	rddreg [dreg:$0xb];
	s1 =	sadd.s32 $0x1, s1  }
0x60: {  	p0 =	sne.s32 s1, s8  }
.Ltmp1:
0x61: {  	_ = 	snop;
	(pc) =	sbr.rel @!p0 .LBB2_5-.Ltmp1, $3  }
0x62: {  	_ =	sdelay $0x1  }
0x63: {  	s8 =	simm.s32 $0xD  }
0x64: {  	[dreg:$0xe] =	wrdreg s1;
	[sflag:s8] =	ssyncadd.s32 $0xFFFFD800  }
.LBB2_1:
0x65: {  	s1 =	simm.s32 $0xD;
	s8 =	rddreg [dreg:$0x4]  }
0x66: {  	[spmem:s19], [sflag:s18] =	dma.local [hbm:s8], $0x2800  }
0x67: {  	_ =	swait.ge [sflag:s1], $0x2800  }
0x68: {  	[sflag:s1] =	ssyncset.done $0x0  }
0x69: {  	[sflag:s1] =	ssyncadd.s32 $0xFFFFD800  }
0x6a: {  	[bflag:$0x0] =	sbarrier.arrive $0xFFFF  }
0x6b: {  	s19 =	rddreg [dreg:$0x5]  }
0x6c: {  	s1 =	rddreg [dreg:$0x7]  }
0x6d: {  	s18 =	rddreg [dreg:$0x8]  }
0x6e: {  	[tilespmem:s20], [sflag:$0x1] =	stream.linear.gather [hbm4b:s19+s4], $0x100, $0x38;
	[tilespmem:$0x1E600] =	vst v63  }
0x6f: {  	s8 =	rddreg [dreg:$0xc]  }
0x70: {  	[tilespmem:s21], [sflag:$0x4] =	stream.linear.gather [hbm4b:s1+s4], $0x100, $0x38;
	[tilespmem:$0x1E600] =	vst v63  }
0x71: {  	s19 =	rddreg [dreg:$0x9]  }
0x72: {  	[tilespmem:s22], [sflag:$0x7] =	stream.linear.gather [hbm4b:s18+s4], $0x100, $0x38;
	[tilespmem:$0x1E600] =	vst v63  }
0x73: {  	s1 =	rddreg [dreg:$0x1];
	s18 =	simm.s32 $0x0  }
0x74: {  	[tilespmem:s23], [sflag:$0xA] =	stream.linear.gather [hbm4b:s19+s4], $0x100, $0x38;
	[tilespmem:$0x1E600] =	vst v63  }
.LBB2_2:
0x75: {  	_ =	swait.ge [sflag:s24], $0x100  }
0x76: {  	p0 =	seq.s32 s18, $0x0;
	[sflag:s24] =	ssyncset.done $0x0  }
0x77: {  	s19 =	simm.s32 @!p0 $0x3;
	[sflag:s24] =	ssyncadd.s32 $0xFFFFFF00  }
0x78: {  	_ =	swait.ge @!p0 [sflag:s19], $0x2800  }
0x79: {  	[sflag:s19] =	ssyncset.done @!p0 $0x0  }
0x7a: {  	[sflag:s19] =	ssyncadd.s32 @!p0 $0xFFFFD800  }
0x7b: {  	v0 =	vld [tilespmem:$0x14080]  }
0x7c: {  	v1 =	vld [tilespmem:$0x14090]  }
0x7d: {  	v2 =	vld [tilespmem:$0x140A0]  }
0x7e: {  	v3 =	vld [tilespmem:$0x140B0]  }
0x7f: {  	v4 =	vld [tilespmem:$0x140C0]  }
0x80: {  	[tilespmem:$0x14100] =	vst v0  }
0x81: {  	[tilespmem:$0x14110] =	vst v1  }
0x82: {  	[tilespmem:$0x14120] =	vst v2  }
0x83: {  	[tilespmem:$0x14130] =	vst v3  }
0x84: {  	[tilespmem:$0x14140] =	vst v4  }
0x85: {  	[tilespmem:s26], [sflag:$0x2] =	stream.indirect.gather [hbm4b:s5+s25], $0x80, s20, s25, $0xb8;
	[tilespmem:$0x1E600] =	vst v63  }
0x86: {  	_ =	swait.ge [sflag:s28], $0x100  }
0x87: {  	[sflag:s28] =	ssyncset.done $0x0  }
0x88: {  	s19 =	simm.s32 @!p0 $0x6;
	[sflag:s28] =	ssyncadd.s32 $0xFFFFFF00  }
0x89: {  	_ =	swait.ge @!p0 [sflag:s19], $0x2800  }
0x8a: {  	[sflag:s19] =	ssyncset.done @!p0 $0x0  }
0x8b: {  	[sflag:s19] =	ssyncadd.s32 @!p0 $0xFFFFD800  }
0x8c: {  	v49 =	vld [tilespmem:$0x16A00]  }
0x8d: {  	v50 =	vld [tilespmem:$0x16A10]  }
0x8e: {  	v51 =	vld [tilespmem:$0x16A20]  }
0x8f: {  	v52 =	vld [tilespmem:$0x16A30]  }
0x90: {  	v53 =	vld [tilespmem:$0x16A40]  }
0x91: {  	[tilespmem:$0x16A80] =	vst v49  }
0x92: {  	[tilespmem:$0x16A90] =	vst v50  }
0x93: {  	[tilespmem:$0x16AA0] =	vst v51  }
0x94: {  	[tilespmem:$0x16AB0] =	vst v52  }
0x95: {  	[tilespmem:$0x16AC0] =	vst v53  }
0x96: {  	[tilespmem:s29], [sflag:$0x5] =	stream.indirect.gather [hbm4b:s5+s25], $0x80, s21, s25, $0xb8;
	[tilespmem:$0x1E600] =	vst v63  }
0x97: {  	_ =	swait.ge [sflag:s30], $0x100  }
0x98: {  	[sflag:s30] =	ssyncset.done $0x0  }
0x99: {  	s19 =	simm.s32 @!p0 $0x9;
	[sflag:s30] =	ssyncadd.s32 $0xFFFFFF00  }
0x9a: {  	_ =	swait.ge @!p0 [sflag:s19], $0x2800  }
0x9b: {  	[sflag:s19] =	ssyncset.done @!p0 $0x0  }
0x9c: {  	[sflag:s19] =	ssyncadd.s32 @!p0 $0xFFFFD800  }
0x9d: {  	v54 =	vld [tilespmem:$0x19380]  }
0x9e: {  	v55 =	vld [tilespmem:$0x19390]  }
0x9f: {  	v56 =	vld [tilespmem:$0x193A0]  }
0xa0: {  	v57 =	vld [tilespmem:$0x193B0]  }
0xa1: {  	v58 =	vld [tilespmem:$0x193C0]  }
0xa2: {  	[tilespmem:$0x19400] =	vst v54  }
0xa3: {  	[tilespmem:$0x19410] =	vst v55  }
0xa4: {  	[tilespmem:$0x19420] =	vst v56  }
0xa5: {  	[tilespmem:$0x19430] =	vst v57  }
0xa6: {  	[tilespmem:$0x19440] =	vst v58  }
0xa7: {  	[tilespmem:s31], [sflag:$0x8] =	stream.indirect.gather [hbm4b:s5+s25], $0x80, s22, s25, $0xb8;
	[tilespmem:$0x1E600] =	vst v63  }
0xa8: {  	_ =	swait.ge [sflag:s0], $0x100  }
0xa9: {  	[sflag:s0] =	ssyncset.done $0x0  }
0xaa: {  	s19 =	simm.s32 @!p0 $0xC;
	[sflag:s0] =	ssyncadd.s32 $0xFFFFFF00  }
0xab: {  	_ =	swait.ge @!p0 [sflag:s19], $0x2800  }
0xac: {  	[sflag:s19] =	ssyncset.done @!p0 $0x0  }
0xad: {  	[sflag:s19] =	ssyncadd.s32 @!p0 $0xFFFFD800  }
0xae: {  	v59 =	vld [tilespmem:$0x1BD00]  }
0xaf: {  	v60 =	vld [tilespmem:$0x1BD10]  }
0xb0: {  	v61 =	vld [tilespmem:$0x1BD20]  }
0xb1: {  	v62 =	vld [tilespmem:$0x1BD30]  }
0xb2: {  	v63 =	vld [tilespmem:$0x1BD40]  }
0xb3: {  	[tilespmem:$0x1BD80] =	vst v59  }
0xb4: {  	[tilespmem:$0x1BD90] =	vst v60  }
0xb5: {  	[tilespmem:$0x1BDA0] =	vst v61  }
0xb6: {  	[tilespmem:$0x1BDB0] =	vst v62  }
0xb7: {  	[tilespmem:$0x1BDC0] =	vst v63  }
0xb8: {  	[tilespmem:s3], [sflag:$0xB] =	stream.indirect.gather [hbm4b:s5+s25], $0x80, s23, s25, $0xb8;
	[tilespmem:$0x1E600] =	vst v63  }
0xb9: {  	_ =	swait.ge [sflag:s6], $0x2800  }
0xba: {  	[sflag:s6] =	ssyncset.done $0x0  }
0xbb: {  	s19 =	sshrl.u32 s8, $0x3;
	[sflag:s6] =	ssyncadd.s32 $0xFFFFD800  }
0xbc: {  	[spmem:s2] =	stream.indirect.scatter.add.f32 [tilespmem:s26], [sflag:$0x3], $0x80, s9, s25, $0xb8;
	[tilespmem:$0x1E600] =	vst v63  }
0xbd: {  	s19 =	sadd.s32 s1, s19  }
0xbe: {  	[tilespmem:s20], [sflag:$0x1] =	stream.linear.gather [hbm4b:s19+s4], $0x100, $0x38;
	[tilespmem:$0x1E600] =	vst v63  }
0xbf: {  	_ =	swait.ge [sflag:s10], $0x2800  }
0xc0: {  	[sflag:s10] =	ssyncset.done $0x0  }
0xc1: {  	[sflag:s10] =	ssyncadd.s32 $0xFFFFD800  }
0xc2: {  	[spmem:s2] =	stream.indirect.scatter.add.f32 [tilespmem:s29], [sflag:$0x6], $0x80, s11, s25, $0xb8;
	[tilespmem:$0x1E600] =	vst v63  }
0xc3: {  	p0 =	seq.s32 s18, $0xF00;
	s19 =	sadd.s32 s18, s16  }
0xc4: {  	[tilespmem:s21], [sflag:$0x4] =	stream.linear.gather [hbm4b:s19+s4], $0x100, $0x38;
	[tilespmem:$0x1E600] =	vst v63  }
.Ltmp2:
0xc5: {  	_ = 	snop;
	(pc) =	sbr.rel @p0 .LBB2_4-.Ltmp2, $4  }
0xc6: {  	_ =	swait.ge [sflag:s12], $0x2800  }
0xc7: {  	[sflag:s12] =	ssyncset.done $0x0  }
0xc8: {  	[sflag:s12] =	ssyncadd.s32 $0xFFFFD800  }
0xc9: {  	[spmem:s2] =	stream.indirect.scatter.add.f32 [tilespmem:s31], [sflag:$0x9], $0x80, s13, s25, $0xb8;
	[tilespmem:$0x1E600] =	vst v63  }
0xca: {  	s19 =	sadd.s32 s18, s15  }
0xcb: {  	[tilespmem:s22], [sflag:$0x7] =	stream.linear.gather [hbm4b:s19+s4], $0x100, $0x38;
	[tilespmem:$0x1E600] =	vst v63  }
0xcc: {  	_ =	swait.ge [sflag:s17], $0x2800  }
.Ltmp3:
0xcd: {  	[sflag:s17] =	ssyncset.done $0x0;
	(pc) =	sbr.rel .LBB2_2-.Ltmp3, $4  }
0xce: {  	[sflag:s17] =	ssyncadd.s32 $0xFFFFD800  }
0xcf: {  	[spmem:s2] =	stream.indirect.scatter.add.f32 [tilespmem:s3], [sflag:$0xC], $0x80, s7, s25, $0xb8;
	[tilespmem:$0x1E600] =	vst v63  }
0xd0: {  	s8 =	sadd.s32 $0x400, s8;
	s19 =	sadd.s32 s18, s14;
	s18 =	sadd.s32 $0x80, s18  }
0xd1: {  	[tilespmem:s23], [sflag:$0xA] =	stream.linear.gather [hbm4b:s19+s4], $0x100, $0x38;
	[tilespmem:$0x1E600] =	vst v63  }
.LBB2_5:
0xd2: {  	_ =	sfence.sel $0x180000  }
0xd3: {  	[bflag:$0x0] =	sbarrier.arrive $0xFFFF  }
0xd4: {  	_ =	strace $0x9000004D  }
0xd5: {  	s0 =	stileid.u32;
	[bflag:$0x2] =	sbarrier.arrive $0xFFFF  }
0xd6: {  	p0 =	sne.s32 s0, $0x0;
	s0 =	rddreg [dreg:$0x3]  }
0xd7: {  	s0 =	sadd.s32 @!p0 $0x100000, s0  }
0xd8: {  	[sflag:s0] =	ssyncadd.tile.s32 @!p0 $0x1;
	_ =	shalt  }
.Lfunc_end2:
_tile_overlayer_lowered:
.L_overlay_start_2:
0xd9: {  	(tag) =	ssettag $0x2  }
0xda: {  	s0 =	rddreg [dreg:$0x0];
	s2 =	stileid.u32  }
0xdb: {  	s1 =	rddreg [dreg:$0x1];
	p0 =	sne.s32 s2, $0x0  }
0xdc: {  	s3 =	rddreg [dreg:$0x2];
	[bflag:$0x3] =	sbarrier.arrive $0xFFFF;
	s2 =	simm.s32 @!p0 $0x1C0D  }
0xdd: {  	[timem:s3], [sflag:s2] =	dma.local @!p0 [hbm:s0], s1  }
0xde: {  	s0 =	simm.s32 @!p0 $0xD  }
0xdf: {  	_ =	swait.ge @!p0 [sflag:s0], s1  }
0xe0: {  	s1 =	ssub.s32 @!p0 $0x0, s1;
	[sflag:s0] =	ssyncset.done @!p0 $0x0  }
0xe1: {  	[sflag:s0] =	ssyncadd.s32 @!p0 s1  }
0xe2: {  	[bflag:$0x3] =	sbarrier.arrive $0xFFFF  }
0xe3: {  	_ =	shalt  }

// kernel: kernel.7.cloned.1.call-start
scs
__scs_entry_jumppad:
0x0: {  	(pc) =	sbr.rel $0x88, $3  }
0x1: {  	(tag) =	ssettag $0x0;
	lr =	simm.s32 $0x1  }
0x2: {  	[smem:$0x3F9A] =	sst lr;
	_ =	strace $0xD0000000  }
0x3: {  	_ = 	snop  }
0x4: {  	_ = 	snop  }
0x5: {  	_ = 	snop  }
0x6: {  	_ = 	snop  }
0x7: {  	_ = 	snop  }
__scs_overlays_trampoline_lowered:
0x8: {  	[smem:$0x3FA9] =	sst s0  }
0x9: {  	[smem:$0x3FAA] =	sst s1  }
0xa: {  	[smem:$0x3FAB] =	sst s2  }
0xb: {  	[smem:$0x3FAC] =	sst s3  }
0xc: {  	[smem:$0x3FAD] =	sst s4  }
0xd: {  	[smem:$0x3FAE] =	sst s5  }
0xe: {  	[smem:$0x3FAF] =	sst s6  }
0xf: {  	[smem:$0x3FB0] =	sst s7  }
0x10: {  	[smem:$0x3FB1] =	sst s8  }
0x11: {  	[smem:$0x3FB2] =	sst s9;
	s0 =	simm.s32 @!p0 $0x0  }
0x12: {  	s1 =	sld [smem:$0x3F98];
	s0 =	simm.s32 @p0 $0x1  }
0x13: {  	[smem:$0x3FB3] =	sst s0;
	s0 =	simm.s32 @!p1 $0x0  }
0x14: {  	s2 =	sld [smem:$0x3F97];
	s0 =	simm.s32 @p1 $0x1  }
0x15: {  	[smem:$0x3FB4] =	sst s0;
	s0 =	simm.s32 @!p2 $0x0  }
0x16: {  	s3 =	sld [smem:$0x3FDB];
	s0 =	simm.s32 @p2 $0x1  }
0x17: {  	s4 =	simm.s32 $0x1BF5;
	[smem:$0x3FB6] =	sst s0  }
0x18: {  	s0 =	sld [smem:$0x3F99];
	_ =	swait.ge [sflag:s4], $0x0  }
0x19: {  	s7 =	sld [smem:$0x3F9A]  }
0x1a: {  	s8 =	sadd.s32 $0xFFFFE003, lr  }
0x1b: {  	s9 =	sadd.s32 $0xFFFFFEF7, lr;
	s5 =	simm.s32 $0xFFFFFFFF;
	p2 =	slt.u32 s8, $0xFFFFF086  }
0x1c: {  	p1 =	slt.u32 s9, $0xF7A;
	s5 =	simm.s32 @!p2 $0x0  }
0x1d: {  	s5 =	simm.s32 @p1 $0x1;
	p0 =	seq.s32 s7, s2  }
0x1e: {  	s7 =	smul.u32 @!p0 $0xF7A, s2;
	p2 =	seq.s32 @!p0 s5, $0x0  }
0x1f: {  	s9 =	smul.u32 $0xF7A, s1;
	s8 =	simm.s32 @!p0 $0x1BF5;
	p2 =	por !p2, p0  }
0x20: {  	[sflag:s8] =	ssyncset.s32 @!p0 $0xFFFFF086;
	s6 =	sadd.s32 @!p0 s3, s7;
	s7 =	simm.s32 @!p0 $0x108  }
0x21: {  	s3 =	sadd.s32 s3, s9;
	s6 =	sadd.s32 @!p0 $0x88, s6;
	s7 =	simm.s32 @p2 $0x1082  }
0x22: {  	[simem:s7], [sflag:s8] =	dma.local @!p0 [hbm:s6], $0xF7A  }
0x23: {  	s9 =	sor.u32 $0xD0000000, s2;
	s6 =	simm.s32 $0x108;
	_ =	swait.ge @!p0 [sflag:s8], $0x0  }
0x24: {  	s3 =	sadd.s32 $0x88, s3;
	s6 =	simm.s32 @!p1 $0x1082;
	[sflag:s4] =	ssyncset.s32 $0xFFFFF086  }
0x25: {  	[simem:s6], [sflag:s4] =	dma.local [hbm:s3], $0xF7A  }
0x26: {  	[smem:$0x3F9A] =	sst s1;
	(tag) =	ssettag s2;
	_ =	strace s9  }
0x27: {  	s1 =	sld [smem:$0x3FAA]  }
0x28: {  	s2 =	sld [smem:$0x3FAB]  }
0x29: {  	s4 =	sld [smem:$0x3FAD]  }
0x2a: {  	p0 =	seq.s32 s5, $0x0;
	s5 =	sld [smem:$0x3FAE]  }
0x2b: {  	s6 =	sld [smem:$0x3FAF]  }
0x2c: {  	s7 =	sld [smem:$0x3FB0]  }
0x2d: {  	s3 =	simm.s32 $0x108;
	s8 =	sld [smem:$0x3FB1]  }
0x2e: {  	s3 =	simm.s32 @!p0 $0x1082;
	s9 =	sld [smem:$0x3FB2]  }
0x2f: {  	lr =	sadd.s32 s0, s3;
	s0 =	sld [smem:$0x3FA9]  }
0x30: {  	s3 =	sld [smem:$0x3FAC]  }
0x31: {  	[smem:$0x3FB5] =	sst s10  }
0x32: {  	s10 =	sld [smem:$0x3FB3];
	_ =	sdelay $0x3  }
0x33: {  	p0 =	seq.s32 s10, $0x1;
	s10 =	sld [smem:$0x3FB5];
	_ =	sdelay $0x3  }
0x34: {  	[smem:$0x3FB5] =	sst s10  }
0x35: {  	s10 =	sld [smem:$0x3FB4];
	_ =	sdelay $0x3  }
0x36: {  	p1 =	seq.s32 s10, $0x1;
	s10 =	sld [smem:$0x3FB5];
	_ =	sdelay $0x3  }
0x37: {  	[smem:$0x3FB5] =	sst s10  }
0x38: {  	s10 =	sld [smem:$0x3FB6]  }
0x39: {  	_ = 	snop;
	(pc) =	sbr.ind lr, $3  }
0x3a: {  	_ = 	snop  }
0x3b: {  	_ = 	snop  }
0x3c: {  	p2 =	seq.s32 s10, $0x1;
	s10 =	sld [smem:$0x3FB5]  }
0x3d: {  	_ =	shalt  }
0x3e: {  	_ =	shalt  }
0x3f: {  	_ =	shalt  }
0x40: {  	_ =	shalt  }
0x41: {  	_ =	shalt  }
0x42: {  	_ =	shalt  }
0x43: {  	_ =	shalt  }
0x44: {  	_ =	shalt  }
0x45: {  	_ =	shalt  }
0x46: {  	_ =	shalt  }
0x47: {  	_ =	shalt  }
0x48: {  	_ =	shalt  }
0x49: {  	_ =	shalt  }
0x4a: {  	_ =	shalt  }
0x4b: {  	_ =	shalt  }
0x4c: {  	_ =	shalt  }
0x4d: {  	_ =	shalt  }
0x4e: {  	_ =	shalt  }
0x4f: {  	_ =	shalt  }
0x50: {  	_ =	shalt  }
0x51: {  	_ =	shalt  }
0x52: {  	_ =	shalt  }
0x53: {  	_ =	shalt  }
0x54: {  	_ =	shalt  }
0x55: {  	_ =	shalt  }
0x56: {  	_ =	shalt  }
0x57: {  	_ =	shalt  }
0x58: {  	_ =	shalt  }
0x59: {  	_ =	shalt  }
0x5a: {  	_ =	shalt  }
0x5b: {  	_ =	shalt  }
0x5c: {  	_ =	shalt  }
0x5d: {  	_ =	shalt  }
0x5e: {  	_ =	shalt  }
0x5f: {  	_ =	shalt  }
0x60: {  	_ =	shalt  }
0x61: {  	_ =	shalt  }
0x62: {  	_ =	shalt  }
0x63: {  	_ =	shalt  }
0x64: {  	_ =	shalt  }
0x65: {  	_ =	shalt  }
0x66: {  	_ =	shalt  }
0x67: {  	_ =	shalt  }
0x68: {  	_ =	shalt  }
0x69: {  	_ =	shalt  }
0x6a: {  	_ =	shalt  }
0x6b: {  	_ =	shalt  }
0x6c: {  	_ =	shalt  }
0x6d: {  	_ =	shalt  }
0x6e: {  	_ =	shalt  }
0x6f: {  	_ =	shalt  }
0x70: {  	_ =	shalt  }
0x71: {  	_ =	shalt  }
0x72: {  	_ =	shalt  }
0x73: {  	_ =	shalt  }
0x74: {  	_ =	shalt  }
0x75: {  	_ =	shalt  }
0x76: {  	_ =	shalt  }
0x77: {  	_ =	shalt  }
0x78: {  	_ =	shalt  }
0x79: {  	_ =	shalt  }
0x7a: {  	_ =	shalt  }
0x7b: {  	_ =	shalt  }
0x7c: {  	_ =	shalt  }
0x7d: {  	_ =	shalt  }
0x7e: {  	_ =	shalt  }
0x7f: {  	_ =	shalt  }
0x80: {  	_ =	shalt  }
0x81: {  	_ =	shalt  }
0x82: {  	_ =	shalt  }
0x83: {  	_ =	shalt  }
0x84: {  	_ =	shalt  }
0x85: {  	_ =	shalt  }
0x86: {  	_ =	shalt  }
0x87: {  	_ =	shalt  }
.Lfunc_end0:
.L_simem_size_0:
called_computation_lowered:
.L_overlay_start_0:
0x88: {  	s2 =	sld [smem:$0x3FD9]  }
0x89: {  	s3 =	sld [smem:$0x3FFE];
	_ =	sdelay $0x1  }
0x8a: {  	s1 =	srdreg.scid  }
0x8b: {  	s0 =	sand.u32 $0x1, s1  }
0x8c: {  	s16 =	sshll.u32 s0, $0xA;
	s2 =	sadd.s32 s3, s2  }
0x8d: {  	s2 =	sadd.s32 s2, s16  }
0x8e: {  	[smem:$0x3FC1] =	sst s2  }
0x8f: {  	_ = 	snop  }
0x90: {  	(tm) =	ssettm $0x1  }
0x91: {  	s17 =	sld [smem:$0x3FFB];
	_ =	sdelay $0x3  }
0x92: {  	_ =	strace s17  }
0x93: {  	s2 =	sld [smem:$0x3FFC];
	_ =	sdelay $0x3  }
0x94: {  	_ =	strace s2  }
0x95: {  	s2 =	sld [smem:$0x3FFD];
	_ =	sdelay $0x3  }
0x96: {  	_ =	strace s2  }
0x97: {  	_ =	strace $0x8FFFFFFF  }
0x98: {  	s18 =	sld [smem:$0x3FDB];
	_ =	sdelay $0x1  }
0x99: {  	s19 =	simm.s32 $_scs_section_size  }
0x9a: {  	s4 =	simm.s32 $_size__tile_overlayer_lowered;
	s5 =	simm.s32 $_tile_overlayer_lowered  }
0x9b: {  	s22 =	simm.s32 $0x1BFF;
	s21 =	sshll.u32 s5, $0x1;
	s2 =	sadd.s32 s19, s18  }
0x9c: {  	s6 =	simm.s32 $0x0;
	s20 =	sshll.u32 s4, $0x1;
	s4 =	sadd.s32 s21, s2  }
0x9d: {  	[timem:s6], [sflag:s22] =	dma.local [hbm:s4], s20  }
0x9e: {  	_ =	swait.ge [sflag:s22], s20  }
0x9f: {  	s3 =	ssub.s32 $0x0, s20;
	[sflag:s22] =	ssyncset.done $0x0  }
0xa0: {  	[sflag:s22] =	ssyncadd.s32 s3;
	_ =	sdelay $0x1  }
0xa1: {  	s23 =	simm.s32 $0x1B8B  }
0xa2: {  	_ =	swait.ge [sflag:s23], $0x1  }
0xa3: {  	[sflag:s23] =	ssyncset.done $0x0  }
0xa4: {  	s25 =	simm.s32 $0x1B8E;
	s24 =	sld [smem:$0x3FFE];
	[sflag:s23] =	ssyncadd.s32 $0xFFFFFFFF  }
0xa5: {  	s26 =	simm.s32 $execute0_lowered;
	[smem:$0x3FD2] =	sst s25  }
0xa6: {  	s4 =	sshll.u32 s26, $0x1;
	_ =	strace $0x80000046;
	[dreg:$0x1] =	wrdreg $0xFFFFFFFF  }
0xa7: {  	s28 =	simm.s32 $_size_execute0_lowered;
	s2 =	sadd.s32 s2, s4;
	[dreg:$0x0] =	wrdreg $0x0  }
0xa8: {  	s4 =	sshll.u32 s28, $0x1;
	[dreg:$0x2] =	wrdreg s2  }
0xa9: {  	[dreg:$0x3] =	wrdreg s4  }
0xaa: {  	[dreg:$0x4] =	wrdreg $0xC0  }
0xab: {  	_ =	task [dreg:s6], $0x5FFFF  }
0xac: {  	[dreg:$0x1] =	wrdreg $0xFFFFFFFF  }
0xad: {  	[dreg:$0x0] =	wrdreg $0x60  }
0xae: {  	[dreg:$0x2] =	wrdreg s24  }
0xaf: {  	[dreg:$0x3] =	wrdreg $0x0  }
0xb0: {  	[dreg:$0x4] =	wrdreg $0x9  }
0xb1: {  	_ =	task.clear_ibuf [dreg:s6], $0x5FFFF;
	_ =	strace $0x90000046  }
0xb2: {  	s29 =	simm.s32 $0x9;
	_ =	strace $0x80000048  }
0xb3: {  	_ =	swait.ge [sflag:s29], $0x1  }
0xb4: {  	[sflag:s29] =	ssyncadd.s32 $0xFFFFFFFF  }
0xb5: {  	_ =	strace $0x90000048  }
0xb6: {  	_ =	sfence  }
0xb7: {  	s30 =	sld [smem:$0x0];
	_ =	sdelay $0x2  }
0xb8: {  	s31 =	sshll.u32 s1, $0xD;
	s1 =	sshrl.u32 s1, $0x2  }
0xb9: {  	s3 =	sand.u32 $0x4000, s31;
	s1 =	sadd.s32 s1, s30  }
0xba: {  	s0 =	sor.u32 s3, s0;
	s1 =	sshll.u32 s1, $0x11  }
0xbb: {  	s0 =	sor.u32 s1, s0  }
0xbc: {  	s0 =	sadd.s32 $0x8F2B, s0  }
0xbd: {  	[sflag:s0] =	ssyncadd.remote.s32 $0x1  }
0xbe: {  	_ =	sfence.sel $0xFFFF  }
0xbf: {  	[dreg:$0x0] =	wrdreg $0xFFFFFFFF;
	(pc) =	sbr.abs _section_cstart, $3  }
0xc0: {  	[dreg:$0x1] =	wrdreg $0xFFFFFFFF  }
0xc1: {  	_ =	task.clear_ibuf [dreg:s6], $0x2FFFF;
	_ =	strace $0x9FFFFFFF  }
0xc2: {  	(tm) =	ssettm $0x7FFFFFFF  }
0xc3: {  	_ =	shalt  }
tec
execute0_lowered:
.L_overlay_start_1:
0x0: {  	(tag) =	ssettag $0x1  }
0x1: {  	s0 =	rddreg [dreg:$0x0]  }
0x2: {  	s1 =	rddreg [dreg:$0x1]  }
0x3: {  	s2 =	simm.s32 $0x0;
	s3 =	srdreg.scid;
	s11 =	stileid.u32  }
0x4: {  	s28 =	simm.s32 $0x4;
	s29 =	simm.s32 $0x17300;
	s30 =	simm.s32 $0x7  }
0x5: {  	s31 =	simm.s32 $0x1A480;
	s13 =	simm.s32 $0x0;
	[smem:$0x7FF] =	sst s2  }
0x6: {  	s3 =	sand.u32 $0x1, s3;
	s4 =	sadd.s32 $0x1D000, s0;
	s7 =	smul.u32 $0x14000, s11  }
0x7: {  	s8 =	sshll.u32 s11, $0x1;
	s5 =	sadd.s32 $0x2C00, s0;
	s9 =	sshrl.u32 s11, $0x2  }
0x8: {  	s10 =	sadd.s32 $0x36600, s0;
	s16 =	sadd.s32 $0x36000, s0;
	s18 =	smul.u32 $0x50000, s11  }
0x9: {  	s21 =	smul.u32 $0xD200, s11;
	s11 =	sshll.u32 s11, $0x6;
	_ =	strace $0x80000047  }
0xa: {  	s6 =	smul.u32 $0x140000, s3;
	s8 =	sor.u32 s3, s8;
	[dreg:$0x3] =	wrdreg s10  }
0xb: {  	s14 =	smul.u32 $0x14000, s9;
	[dreg:$0x4] =	wrdreg s16;
	s17 =	ssub.s32 $0x2, s3  }
0xc: {  	s3 =	smul.u32 $0x6900, s3;
	s15 =	sshll.u32 s8, $0x7;
	s19 =	sshrl.u32 s17, $0x1  }
0xd: {  	s8 =	smul.u32 $0x6900, s8;
	s20 =	sshrl.u32 s18, $0x2;
	s6 =	sadd.s32 s7, s6  }
0xe: {  	s9 =	sand.u32 $0x380, s15;
	s3 =	sadd.s32 s3, s21;
	s21 =	simm.s32 $0x14000  }
0xf: {  	s6 =	sshrl.u32 s6, $0x3;
	s7 =	sor.u32 s14, s9;
	s12 =	sshrl.u32 s8, $0x3  }
0x10: {  	s9 =	sadd.s32 s20, s1;
	s8 =	sor.u32 $0x1C0A, s11;
	s23 =	sadd.s32 $0x500, s3  }
0x11: {  	s10 =	sadd.s32 $0x400, s3;
	s26 =	sadd.s32 $0x300, s3;
	s20 =	simm.s32 $0x1D480  }
0x12: {  	s3 =	simm.s32 $0x14100;
	s6 =	sadd.s32 s6, s0;
	s7 =	sshrl.u32 s7, $0x3  }
0x13: {  	s22 =	sadd.s32 s5, s12;
	s24 =	sshrl.u32 s23, $0x3;
	s25 =	sshrl.u32 s10, $0x3  }
0x14: {  	[dreg:$0xb] =	wrdreg s26;
	s18 =	sshrl.u32 s9, $0x3;
	s23 =	simm.s32 $0x1A300  }
0x15: {  	s26 =	simm.s32 $0x14180;
	s0 =	sadd.s32 s7, s0;
	s7 =	ssub.s32 s17, s19  }
0x16: {  	s12 =	sadd.s32 $0x20, s22;
	[dreg:$0x5] =	wrdreg s22;
	s11 =	sadd.s32 $0x40, s22  }
0x17: {  	s6 =	sadd.s32 $0x42E00, s6;
	s15 =	sadd.s32 s24, s5;
	s16 =	sadd.s32 s25, s5  }
.Ltmp0:
0x18: {  	s19 =	simm.s32 $0xA;
	[dreg:$0x6] =	wrdreg s12;
	(pc) =	sbr.rel .LBB2_1-.Ltmp0, $4  }
0x19: {  	s22 =	simm.s32 $0x17180;
	s24 =	simm.s32 $0x1;
	[dreg:$0x7] =	wrdreg s11  }
0x1a: {  	s25 =	simm.s32 $0x60;
	[dreg:$0x8] =	wrdreg s6;
	s0 =	sadd.s32 $0x38E00, s0  }
0x1b: {  	s7 =	smax.u32 s7, $0x1;
	s6 =	simm.s32 $0x8;
	[dreg:$0x9] =	wrdreg s0  }
0x1c: {  	v0 =	vimm.f32 $1.000000000e+00;
	[dreg:$0xa] =	wrdreg s7;
	s0 =	simm.s32 $0x2;
	s7 =	simm.s32 $0x1A400  }
.LBB2_4:
0x1d: {  	s9 =	simm.s32 $0x3  }
0x1e: {  	_ =	swait.ge [sflag:s9], $0x3000  }
0x1f: {  	[sflag:s9] =	ssyncset.done $0x0  }
0x20: {  	s10 =	simm.s32 $0x6;
	[sflag:s9] =	ssyncadd.s32 $0xFFFFD000  }
0x21: {  	_ =	swait.ge [sflag:s10], $0x3000  }
0x22: {  	[sflag:s10] =	ssyncset.done $0x0  }
0x23: {  	s11 =	simm.s32 $0x9;
	[sflag:s10] =	ssyncadd.s32 $0xFFFFD000  }
0x24: {  	_ =	swait.ge [sflag:s11], $0x3000  }
0x25: {  	[sflag:s11] =	ssyncset.done $0x0  }
0x26: {  	[sflag:s11] =	ssyncadd.s32 $0xFFFFD000  }
0x27: {  	[bflag:$0x0] =	sbarrier.arrive $0xFFFF  }
0x28: {  	s12 =	rddreg [dreg:$0x8]  }
0x29: {  	[hbm:s12], [sflag:s8] =	dma.local [spmem:s18], $0x2800  }
0x2a: {  	_ =	swait.ge [sflag:s19], $0x2800  }
0x2b: {  	s10 =	simm.s32 $0x80;
	[sflag:s19] =	ssyncset.done $0x0  }
0x2c: {  	s11 =	simm.s32 $0x400;
	s14 =	rddreg [dreg:$0x9];
	[sflag:s19] =	ssyncadd.s32 $0xFFFFD800  }
0x2d: {  	[hbm4b:s14+s10] =	stream.strided.scatter [tilespmem:s20], [sflag:$0xA], $0x2800, s11, s10, $0x38;
	[tilespmem:$0x1FC80] =	vst v63  }
0x2e: {  	_ =	swait.ge [sflag:s19], $0x2800  }
0x2f: {  	s13 =	sadd.s32 $0x1, s13;
	s17 =	rddreg [dreg:$0xa]  }
0x30: {  	p0 =	sne.s32 s13, s17  }
.Ltmp1:
0x31: {  	_ = 	snop;
	(pc) =	sbr.rel @!p0 .LBB2_5-.Ltmp1, $3  }
0x32: {  	_ =	sdelay $0x1  }
0x33: {  	[sflag:s19] =	ssyncset.done $0x0  }
0x34: {  	[sflag:s19] =	ssyncadd.s32 $0xFFFFD800  }
.LBB2_1:
0x35: {  	s9 =	rddreg [dreg:$0x3]  }
0x36: {  	[spmem:s18], [sflag:s8] =	dma.local [hbm:s9], $0x2800  }
0x37: {  	_ =	swait.ge [sflag:s19], $0x2800  }
0x38: {  	[sflag:s19] =	ssyncset.done $0x0  }
0x39: {  	s11 =	rddreg [dreg:$0x4];
	[sflag:s19] =	ssyncadd.s32 $0xFFFFD800  }
0x3a: {  	[tilespmem:s20], [sflag:$0xA] =	stream.linear.gather [hbm4b:s11+s2], $0x2800, $0x38;
	[tilespmem:$0x1FC80] =	vst v63  }
0x3b: {  	_ =	swait.ge [sflag:s19], $0x2800  }
0x3c: {  	[sflag:s19] =	ssyncset.done $0x0  }
0x3d: {  	[sflag:s19] =	ssyncadd.s32 $0xFFFFD800  }
0x3e: {  	[bflag:$0x0] =	sbarrier.arrive $0xFFFF  }
0x3f: {  	s12 =	rddreg [dreg:$0x5]  }
0x40: {  	[tilespmem:s21], [sflag:$0x1] =	stream.linear.gather [hbm4b:s12+s2], $0x100, $0x38;
	[tilespmem:$0x1FC80] =	vst v63  }
0x41: {  	s14 =	rddreg [dreg:$0x6]  }
0x42: {  	[tilespmem:s22], [sflag:$0x4] =	stream.linear.gather [hbm4b:s14+s2], $0x100, $0x38;
	[tilespmem:$0x1FC80] =	vst v63  }
0x43: {  	s17 =	rddreg [dreg:$0x7]  }
0x44: {  	[tilespmem:s23], [sflag:$0x7] =	stream.linear.gather [hbm4b:s17+s2], $0x100, $0x38;
	[tilespmem:$0x1FC80] =	vst v63  }
0x45: {  	s9 =	simm.s32 $0x0;
	s17 =	rddreg [dreg:$0xb]  }
.LBB2_2:
0x46: {  	_ =	swait.ge [sflag:s24], $0x100  }
0x47: {  	p0 =	seq.s32 s9, $0x0;
	[sflag:s24] =	ssyncset.done $0x0  }
0x48: {  	s14 =	simm.s32 @!p0 $0x3;
	[sflag:s24] =	ssyncadd.s32 $0xFFFFFF00  }
0x49: {  	_ =	swait.ge @!p0 [sflag:s14], $0x3000  }
0x4a: {  	[sflag:s14] =	ssyncset.done @!p0 $0x0  }
0x4b: {  	[sflag:s14] =	ssyncadd.s32 @!p0 $0xFFFFD000  }
0x4c: {  	v1 =	vld [tilespmem:$0x14080]  }
0x4d: {  	v2 =	vld [tilespmem:$0x14090]  }
0x4e: {  	v3 =	vld [tilespmem:$0x140A0]  }
0x4f: {  	v4 =	vld [tilespmem:$0x140B0]  }
0x50: {  	v5 =	vld [tilespmem:$0x140C0]  }
0x51: {  	[tilespmem:$0x14100] =	vst v1;
	v1 =	vld [tilespmem:$0x140D0]  }
0x52: {  	[tilespmem:$0x14110] =	vst v2  }
0x53: {  	[tilespmem:$0x14120] =	vst v3  }
0x54: {  	[tilespmem:$0x14130] =	vst v4  }
0x55: {  	[tilespmem:$0x14140] =	vst v5  }
0x56: {  	[tilespmem:$0x14150] =	vst v1  }
0x57: {  	[tilespmem:s26], [sflag:$0x2] =	stream.indirect.gather [hbm4b:s4+s25], $0x80, s21, s25, $0xb8;
	[tilespmem:$0x1FC80] =	vst v63  }
0x58: {  	_ =	swait.ge [sflag:s28], $0x100  }
0x59: {  	[sflag:s28] =	ssyncset.done $0x0  }
0x5a: {  	s14 =	simm.s32 @!p0 $0x6;
	[sflag:s28] =	ssyncadd.s32 $0xFFFFFF00  }
0x5b: {  	_ =	swait.ge @!p0 [sflag:s14], $0x3000  }
0x5c: {  	[sflag:s14] =	ssyncset.done @!p0 $0x0  }
0x5d: {  	[sflag:s14] =	ssyncadd.s32 @!p0 $0xFFFFD000  }
0x5e: {  	v1 =	vld [tilespmem:$0x17200]  }
0x5f: {  	v2 =	vld [tilespmem:$0x17210]  }
0x60: {  	v3 =	vld [tilespmem:$0x17220]  }
0x61: {  	v60 =	vld [tilespmem:$0x17230]  }
0x62: {  	v61 =	vld [tilespmem:$0x17240]  }
0x63: {  	[tilespmem:$0x17280] =	vst v1;
	v1 =	vld [tilespmem:$0x17250]  }
0x64: {  	[tilespmem:$0x17290] =	vst v2  }
0x65: {  	[tilespmem:$0x172A0] =	vst v3  }
0x66: {  	[tilespmem:$0x172B0] =	vst v60  }
0x67: {  	[tilespmem:$0x172C0] =	vst v61  }
0x68: {  	[tilespmem:$0x172D0] =	vst v1  }
0x69: {  	[tilespmem:s29], [sflag:$0x5] =	stream.indirect.gather [hbm4b:s4+s25], $0x80, s22, s25, $0xb8;
	[tilespmem:$0x1FC80] =	vst v63  }
0x6a: {  	_ =	swait.ge [sflag:s30], $0x100  }
0x6b: {  	[sflag:s30] =	ssyncset.done $0x0  }
0x6c: {  	s14 =	simm.s32 @!p0 $0x9;
	[sflag:s30] =	ssyncadd.s32 $0xFFFFFF00  }
0x6d: {  	_ =	swait.ge @!p0 [sflag:s14], $0x3000  }
0x6e: {  	[sflag:s14] =	ssyncset.done @!p0 $0x0  }
0x6f: {  	[sflag:s14] =	ssyncadd.s32 @!p0 $0xFFFFD000  }
0x70: {  	v1 =	vld [tilespmem:$0x1A380]  }
0x71: {  	v2 =	vld [tilespmem:$0x1A390]  }
0x72: {  	v3 =	vld [tilespmem:$0x1A3A0]  }
0x73: {  	v62 =	vld [tilespmem:$0x1A3B0]  }
0x74: {  	v63 =	vld [tilespmem:$0x1A3C0]  }
0x75: {  	[tilespmem:$0x1A400] =	vst v1;
	v1 =	vld [tilespmem:$0x1A3D0]  }
0x76: {  	[tilespmem:$0x1A410] =	vst v2  }
0x77: {  	[tilespmem:$0x1A420] =	vst v3  }
0x78: {  	[tilespmem:$0x1A430] =	vst v62  }
0x79: {  	[tilespmem:$0x1A440] =	vst v63  }
0x7a: {  	[tilespmem:$0x1A450] =	vst v1  }
0x7b: {  	[tilespmem:s31], [sflag:$0x8] =	stream.indirect.gather [hbm4b:s4+s25], $0x80, s23, s25, $0xb8;
	[tilespmem:$0x1FC80] =	vst v63  }
0x7c: {  	v1 =	vld [tilespmem:$0x14080];
	_ =	sdelay $0x7  }
0x7d: {  	[tilespmem:v1+s20+$0x0] =	vst.idx.add.f32.msk $0xffff, v0  }
0x7e: {  	v1 =	vld [tilespmem:$0x14090];
	_ =	sdelay $0x7  }
0x7f: {  	[tilespmem:v1+s20+$0x0] =	vst.idx.add.f32.msk $0xffff, v0  }
0x80: {  	v1 =	vld [tilespmem:$0x140A0];
	_ =	sdelay $0x7  }
0x81: {  	[tilespmem:v1+s20+$0x0] =	vst.idx.add.f32.msk $0xffff, v0  }
0x82: {  	v1 =	vld [tilespmem:$0x140B0];
	_ =	sdelay $0x7  }
0x83: {  	[tilespmem:v1+s20+$0x0] =	vst.idx.add.f32.msk $0xffff, v0  }
0x84: {  	v1 =	vld [tilespmem:$0x140C0];
	_ =	sdelay $0x7  }
0x85: {  	[tilespmem:v1+s20+$0x0] =	vst.idx.add.f32.msk $0xffff, v0  }
0x86: {  	v1 =	vld [tilespmem:$0x140D0];
	_ =	sdelay $0x7  }
0x87: {  	[tilespmem:v1+s20+$0x0] =	vst.idx.add.f32.msk $0xffff, v0  }
0x88: {  	v1 =	vld [tilespmem:$0x17200];
	_ =	sdelay $0x7  }
0x89: {  	[tilespmem:v1+s20+$0x0] =	vst.idx.add.f32.msk $0xffff, v0  }
0x8a: {  	v1 =	vld [tilespmem:$0x17210];
	_ =	sdelay $0x7  }
0x8b: {  	[tilespmem:v1+s20+$0x0] =	vst.idx.add.f32.msk $0xffff, v0  }
0x8c: {  	v1 =	vld [tilespmem:$0x17220];
	_ =	sdelay $0x7  }
0x8d: {  	[tilespmem:v1+s20+$0x0] =	vst.idx.add.f32.msk $0xffff, v0  }
0x8e: {  	v1 =	vld [tilespmem:$0x17230];
	_ =	sdelay $0x7  }
0x8f: {  	[tilespmem:v1+s20+$0x0] =	vst.idx.add.f32.msk $0xffff, v0  }
0x90: {  	v1 =	vld [tilespmem:$0x17240];
	_ =	sdelay $0x7  }
0x91: {  	[tilespmem:v1+s20+$0x0] =	vst.idx.add.f32.msk $0xffff, v0  }
0x92: {  	v1 =	vld [tilespmem:$0x17250];
	_ =	sdelay $0x7  }
0x93: {  	[tilespmem:v1+s20+$0x0] =	vst.idx.add.f32.msk $0xffff, v0  }
0x94: {  	v1 =	vld [tilespmem:$0x1A380];
	_ =	sdelay $0x7  }
0x95: {  	[tilespmem:v1+s20+$0x0] =	vst.idx.add.f32.msk $0xffff, v0  }
0x96: {  	v1 =	vld [tilespmem:$0x1A390];
	_ =	sdelay $0x7  }
0x97: {  	[tilespmem:v1+s20+$0x0] =	vst.idx.add.f32.msk $0xffff, v0  }
0x98: {  	v1 =	vld [tilespmem:$0x1A3A0];
	_ =	sdelay $0x7  }
0x99: {  	[tilespmem:v1+s20+$0x0] =	vst.idx.add.f32.msk $0xffff, v0  }
0x9a: {  	v1 =	vld [tilespmem:$0x1A3B0];
	_ =	sdelay $0x7  }
0x9b: {  	[tilespmem:v1+s20+$0x0] =	vst.idx.add.f32.msk $0xffff, v0  }
0x9c: {  	v1 =	vld [tilespmem:$0x1A3C0];
	_ =	sdelay $0x7  }
0x9d: {  	[tilespmem:v1+s20+$0x0] =	vst.idx.add.f32.msk $0xffff, v0  }
0x9e: {  	v1 =	vld [tilespmem:$0x1A3D0];
	_ =	sdelay $0x7  }
0x9f: {  	[tilespmem:v1+s20+$0x0] =	vst.idx.add.f32.msk $0xffff, v0  }
0xa0: {  	_ =	swait.ge [sflag:s0], $0x3000  }
0xa1: {  	p0 =	seq.s32 s9, $0xCC0;
	[sflag:s0] =	ssyncset.done $0x0  }
0xa2: {  	s14 =	simm.s32 @p0 $0x5;
	[sflag:s0] =	ssyncadd.s32 $0xFFFFD000  }
0xa3: {  	[spmem:s1] =	stream.indirect.scatter.add.f32 [tilespmem:s26], [sflag:$0x3], $0x80, s3, s25, $0xb8;
	[tilespmem:$0x1FC80] =	vst v63  }
0xa4: {  	_ =	swait.ge @p0 [sflag:s14], $0x3000  }
0xa5: {  	s10 =	simm.s32 @p0 $0x17280;
	[sflag:s14] =	ssyncset.done @p0 $0x0  }
0xa6: {  	s11 =	simm.s32 @p0 $0x17300;
	[sflag:s14] =	ssyncadd.s32 @p0 $0xFFFFD000;
	s14 =	simm.s32 @p0 $0x60  }
0xa7: {  	[spmem:s1] =	stream.indirect.scatter.add.f32 @p0 [tilespmem:s11], [sflag:$0x6], $0x80, s10, s14, $0xb8;
	[tilespmem:$0x1FC80] =	vst v63  }
0xa8: {  	s10 =	sshrl.u32 @!p0 s17, $0x3  }
0xa9: {  	s11 =	simm.s32 @!p0 $0x0;
	s14 =	simm.s32 @!p0 $0x14000;
	s10 =	sadd.s32 @!p0 s5, s10  }
0xaa: {  	[tilespmem:s14], [sflag:$0x1] =	stream.linear.gather @!p0 [hbm4b:s10+s11], $0x100, $0x38;
	[tilespmem:$0x1FC80] =	vst v63  }
0xab: {  	s10 =	simm.s32 @!p0 $0x5  }
0xac: {  	_ =	swait.ge @!p0 [sflag:s10], $0x3000  }
0xad: {  	s12 =	simm.s32 @!p0 $0x17300;
	[sflag:s10] =	ssyncset.done @!p0 $0x0  }
0xae: {  	s14 =	simm.s32 @!p0 $0x17280;
	[sflag:s10] =	ssyncadd.s32 @!p0 $0xFFFFD000;
	s10 =	simm.s32 @!p0 $0x60  }
0xaf: {  	[spmem:s1] =	stream.indirect.scatter.add.f32 @!p0 [tilespmem:s12], [sflag:$0x6], $0x80, s14, s10, $0xb8;
	[tilespmem:$0x1FC80] =	vst v63  }
0xb0: {  	s10 =	sadd.s32 @!p0 s9, s16;
	s12 =	simm.s32 @!p0 $0x17180  }
0xb1: {  	[tilespmem:s12], [sflag:$0x4] =	stream.linear.gather @!p0 [hbm4b:s10+s11], $0x100, $0x38;
	[tilespmem:$0x1FC80] =	vst v63  }
.Ltmp2:
0xb2: {  	_ = 	snop;
	(pc) =	sbr.rel @p0 .LBB2_4-.Ltmp2, $4  }
0xb3: {  	_ =	swait.ge [sflag:s6], $0x3000  }
0xb4: {  	[sflag:s6] =	ssyncset.done $0x0  }
0xb5: {  	[sflag:s6] =	ssyncadd.s32 $0xFFFFD000  }
0xb6: {  	[spmem:s1] =	stream.indirect.scatter.add.f32 [tilespmem:s31], [sflag:$0x9], $0x80, s7, s25, $0xb8;
	[tilespmem:$0x1FC80] =	vst v63  }
.Ltmp3:
0xb7: {  	(pc) =	sbr.rel .LBB2_2-.Ltmp3, $3  }
0xb8: {  	_ =	sdelay $0x1  }
0xb9: {  	s10 =	sadd.s32 s9, s15;
	s9 =	sadd.s32 $0x60, s9;
	s17 =	sadd.s32 $0x300, s17  }
0xba: {  	[tilespmem:s23], [sflag:$0x7] =	stream.linear.gather [hbm4b:s10+s2], $0x100, $0x38;
	[tilespmem:$0x1FC80] =	vst v63  }
.LBB2_5:
0xbb: {  	_ =	sfence.sel $0x180000  }
0xbc: {  	[bflag:$0x0] =	sbarrier.arrive $0xFFFF  }
0xbd: {  	_ =	strace $0x90000047  }
0xbe: {  	s0 =	stileid.u32;
	[bflag:$0x2] =	sbarrier.arrive $0xFFFF  }
0xbf: {  	p0 =	sne.s32 s0, $0x0;
	s0 =	rddreg [dreg:$0x2]  }
0xc0: {  	s0 =	sadd.s32 @!p0 $0x100000, s0  }
0xc1: {  	[sflag:s0] =	ssyncadd.tile.s32 @!p0 $0x1;
	_ =	shalt  }
.Lfunc_end2:
_tile_overlayer_lowered:
.L_overlay_start_2:
0xc2: {  	(tag) =	ssettag $0x2  }
0xc3: {  	s0 =	rddreg [dreg:$0x0];
	s2 =	stileid.u32  }
0xc4: {  	s1 =	rddreg [dreg:$0x1];
	p0 =	sne.s32 s2, $0x0  }
0xc5: {  	s3 =	rddreg [dreg:$0x2];
	[bflag:$0x3] =	sbarrier.arrive $0xFFFF;
	s2 =	simm.s32 @!p0 $0x1C0A  }
0xc6: {  	[timem:s3], [sflag:s2] =	dma.local @!p0 [hbm:s0], s1  }
0xc7: {  	s0 =	simm.s32 @!p0 $0xA  }
0xc8: {  	_ =	swait.ge @!p0 [sflag:s0], s1  }
0xc9: {  	s1 =	ssub.s32 @!p0 $0x0, s1;
	[sflag:s0] =	ssyncset.done @!p0 $0x0  }
0xca: {  	[sflag:s0] =	ssyncadd.s32 @!p0 s1  }
0xcb: {  	[bflag:$0x3] =	sbarrier.arrive $0xFFFF  }
0xcc: {  	_ =	shalt  }

</sc_bundles>
